<compile_context>
chip_gen: v7x
topology: tpu7x:2x2x1
jax: 0.10.2.dev20260603
libtpu: 0.0.44.dev20260713+nightly
codegen_flags: <defaults>
</compile_context>

<pallas_src>
import functools

import jax
import jax.numpy as jnp
from jax import lax
from jax.experimental import pallas as pl
from jax.experimental.pallas import tpu as pltpu
from jax.experimental.pallas import tpu_sc as plsc

NE = 8
NC = 2
NS = 16
LB = 128


def _make_seg(n, n_batches, n_slices, with_deg):
    acc_rows = ((n + 1) + 31) // 32 * 32
    zr = (-(-acc_rows // NS) + 7) // 8 * 8
    zlast = acc_rows - zr * (NS - 1)
    assert 0 < zlast <= zr and zlast % 8 == 0
    rps = n_batches // NS
    rps2 = n_batches // (NC * NS)
    spc = n_slices // NC
    nbuf = 3
    mesh = plsc.VectorSubcoreMesh(core_axis_name="c", subcore_axis_name="s")

    out_type = [jax.ShapeDtypeStruct((n_slices, acc_rows, LB), jnp.float32)]
    scratch = [
        pltpu.VMEM_SHARED((acc_rows, LB), jnp.float32),
        pltpu.VMEM((nbuf, LB, LB), jnp.float32),
        pltpu.VMEM((4, LB), jnp.int32),
        pltpu.VMEM((4, LB), jnp.int32),
        pltpu.SemaphoreType.DMA,
        pltpu.SemaphoreType.DMA,
        pltpu.SemaphoreType.DMA,
    ]
    if with_deg:
        out_type.append(
            jax.ShapeDtypeStruct((NC, acc_rows, LB), jnp.float32))

    def body(*refs):
        if with_deg:
            (xflat, srcoff, d2d, zacc, ones_in,
             agg_out, deg_out, acc, rows, sidx, didx, isem, gsem,
             ssem) = refs
        else:
            (xflat, srcoff, d2d, zacc,
             agg_out, acc, rows, sidx, didx, isem, gsem, ssem) = refs
        c = lax.axis_index("c")
        s = lax.axis_index("s")

        def fire_idx(sl, k):
            slot = lax.rem(k, 4)
            pltpu.async_copy(srcoff.at[sl, s * rps + k], sidx.at[slot], isem)
            pltpu.async_copy(d2d.at[s * rps + k], didx.at[slot], isem)

        def drain_idx():
            pltpu.make_async_copy(d2d.at[0], didx.at[0], isem).wait()
            pltpu.make_async_copy(d2d.at[0], didx.at[0], isem).wait()

        def fire_gather(k):
            pltpu.async_copy(xflat.at[sidx.at[lax.rem(k, 4)]],
                             rows.at[lax.rem(k, nbuf)], gsem)

        def wait_gather():
            pltpu.make_async_copy(xflat.at[sidx.at[0]], rows.at[0],
                                  gsem).wait()

        def fire_scatter(j):
            pltpu.async_copy(rows.at[lax.rem(j, nbuf)],
                             acc.at[didx.at[lax.rem(j, 4)]], ssem, add=True)

        def drain_scatter():
            pltpu.make_async_copy(rows.at[0], acc.at[didx.at[0]],
                                  ssem).wait()

        def each_region(dma):
            @pl.when(s < NS - 1)
            def _():
                dma(zr)

            @pl.when(s == NS - 1)
            def _():
                dma(zlast)

        def zero_acc():
            each_region(lambda m: pltpu.sync_copy(
                zacc.at[pl.ds(0, m)], acc.at[pl.ds(s * zr, m)]))

        zero_acc()
        plsc.subcore_barrier()
        for phase in range(spc):
            sl = c * spc + phase
            for k in range(3):
                fire_idx(sl, k)
            drain_idx()
            fire_gather(0)
            drain_idx()
            fire_gather(1)

            @pl.loop(0, rps)
            def _(j):
                wait_gather()
                fire_scatter(j)

                @pl.when(j >= 1)
                def _():
                    drain_scatter()

                @pl.when(j + 3 < rps)
                def _():
                    fire_idx(sl, j + 3)

                @pl.when(j + 2 < rps)
                def _():
                    drain_idx()
                    fire_gather(j + 2)

            drain_scatter()
            plsc.subcore_barrier()
            each_region(lambda m: pltpu.sync_copy(
                acc.at[pl.ds(s * zr, m)],
                agg_out.at[sl, pl.ds(s * zr, m)]))
            if phase + 1 < spc or with_deg:
                zero_acc()
                plsc.subcore_barrier()
        if with_deg:
            base = (c * NS + s) * rps2
            pltpu.sync_copy(ones_in, rows.at[0])

            def fire_didx(k):
                pltpu.async_copy(d2d.at[base + k], didx.at[lax.rem(k, 4)],
                                 isem)

            def drain_didx():
                pltpu.make_async_copy(d2d.at[0], didx.at[0], isem).wait()

            def drain_scat():
                pltpu.make_async_copy(rows.at[0], acc.at[didx.at[0]],
                                      ssem).wait()

            fire_didx(0)
            fire_didx(1)

            @pl.loop(0, rps2)
            def _(j):
                @pl.when(j >= 2)
                def _():
                    drain_scat()

                @pl.when(j + 2 < rps2)
                def _():
                    fire_didx(j + 2)

                drain_didx()
                pltpu.async_copy(rows.at[0], acc.at[didx.at[lax.rem(j, 4)]],
                                 ssem, add=True)

            drain_scat()
            drain_scat()
            plsc.subcore_barrier()
            each_region(lambda m: pltpu.sync_copy(
                acc.at[pl.ds(s * zr, m)],
                deg_out.at[c, pl.ds(s * zr, m)]))

    return pl.kernel(body, out_type=tuple(out_type), mesh=mesh,
                     scratch_types=scratch)


def _moe_body(h_ref, agg_ref, deg_ref, wr_ref, br_ref, w1_ref, b1_ref,
              w2_ref, b2_ref, out_ref, m_s, w_s, *, n_slices, relu_out):
    e = pl.program_id(1)

    @pl.when(e == 0)
    def _():
        degb = deg_ref[...]
        recip = 1.0 / jnp.maximum(degb, 1.0)
        aggc = jnp.concatenate([agg_ref[s] for s in range(n_slices)], axis=-1)
        m_s[...] = (h_ref[...] + aggc * recip).astype(jnp.bfloat16)
        feat = jnp.log1p(degb)
        logits = feat * wr_ref[...] + br_ref[...]
        it = lax.broadcasted_iota(jnp.int32, logits.shape, 1)
        v1 = jnp.max(logits, axis=-1, keepdims=True)
        i1 = jnp.min(jnp.where(logits == v1, it, NE), axis=-1, keepdims=True)
        oh1 = it == i1
        l2 = jnp.where(oh1, -1e30, logits)
        v2 = jnp.max(l2, axis=-1, keepdims=True)
        i2 = jnp.min(jnp.where(l2 == v2, it, NE), axis=-1, keepdims=True)
        oh2 = it == i2
        t = jnp.exp(v2 - v1)
        g1 = 1.0 / (1.0 + t)
        g2 = t / (1.0 + t)
        w_s[...] = (jnp.where(oh1, g1, 0.0) + jnp.where(oh2, g2, 0.0))

    hid = jnp.maximum(
        jnp.dot(m_s[...], w1_ref[0], preferred_element_type=jnp.float32)
        + b1_ref[0], 0.0).astype(jnp.bfloat16)
    o = jnp.dot(hid, w2_ref[0], preferred_element_type=jnp.float32)
    lane = lax.broadcasted_iota(jnp.int32, w_s.shape, 1)
    wcol = jnp.sum(jnp.where(lane == e, w_s[...], 0.0), axis=-1,
                   keepdims=True)
    contrib = wcol * o

    @pl.when(e == 0)
    def _():
        out_ref[...] = contrib

    @pl.when(e > 0)
    def _():
        out_ref[...] = out_ref[...] + contrib

    @pl.when(e == NE - 1)
    def _():
        res = out_ref[...] + jnp.dot(w_s[...], b2_ref[...],
                                     preferred_element_type=jnp.float32)
        if relu_out:
            res = jnp.maximum(res, 0.0)
        out_ref[...] = res


def _make_moe(n, d_in, d_h, d_out, n_slices, relu_out, block=2000):
    nb = n // block
    grid = (nb, NE)
    body = functools.partial(_moe_body, n_slices=n_slices, relu_out=relu_out)
    return pl.pallas_call(
        body,
        grid=grid,
        in_specs=[
            pl.BlockSpec((block, d_in), lambda i, e: (i, 0)),
            pl.BlockSpec((n_slices, block, LB), lambda i, e: (0, i, 0)),
            pl.BlockSpec((block, 1), lambda i, e: (i, 0)),
            pl.BlockSpec((1, NE), lambda i, e: (0, 0)),
            pl.BlockSpec((1, NE), lambda i, e: (0, 0)),
            pl.BlockSpec((1, d_in, d_h), lambda i, e: (e, 0, 0)),
            pl.BlockSpec((1, 1, d_h), lambda i, e: (e, 0, 0)),
            pl.BlockSpec((1, d_h, d_out), lambda i, e: (e, 0, 0)),
            pl.BlockSpec((NE, d_out), lambda i, e: (0, 0)),
        ],
        out_specs=pl.BlockSpec((block, d_out), lambda i, e: (i, 0)),
        out_shape=jax.ShapeDtypeStruct((n, d_out), jnp.float32),
        scratch_shapes=[
            pltpu.VMEM((block, d_in), jnp.bfloat16),
            pltpu.VMEM((block, NE), jnp.float32),
        ],
        compiler_params=pltpu.CompilerParams(
            dimension_semantics=("parallel", "arbitrary")),
    )


def kernel(x, edge_index, W1_0, b1_0, W2_0, b2_0, Wr_0, br_0,
           W1_1, b1_1, W2_1, b2_1, Wr_1, br_1):
    n, d_in = x.shape
    e_num = edge_index.shape[1]
    d_h = W1_0.shape[2]
    d_out = W2_1.shape[2]
    s0 = d_in // LB
    s1 = d_h // LB

    src = edge_index[0]
    dst = edge_index[1]
    ep = -(-e_num // (NC * NS * LB)) * (NC * NS * LB)
    srcp = jnp.pad(src, (0, ep - e_num))
    dstp = jnp.pad(dst, (0, ep - e_num), constant_values=n)
    nb = ep // LB
    s2d = srcp.reshape(nb, LB)
    d2d = dstp.reshape(nb, LB)
    srcoff0 = jnp.stack([s2d + t * n for t in range(s0)])
    srcoff1 = jnp.stack([s2d + t * n for t in range(s1)])

    acc_rows = ((n + 1) + 31) // 32 * 32
    zr = (-(-acc_rows // NS) + 7) // 8 * 8
    zacc = jnp.zeros((zr, LB), jnp.float32)
    ones = jnp.ones((LB, LB), jnp.float32)

    xflat = jnp.stack([x[:, t * LB:(t + 1) * LB] for t in range(s0)])
    xflat = xflat.reshape(s0 * n, LB)
    seg0 = _make_seg(n, nb, s0, with_deg=True)
    agg0_st, degw = seg0(xflat, srcoff0, d2d, zacc, ones)
    agg0 = agg0_st[:, :n, :]
    deg = (degw[0, :n, 0] + degw[1, :n, 0])[:, None]

    wr0 = Wr_0.reshape(1, NE)
    br0 = br_0.reshape(1, NE)
    moe0 = _make_moe(n, d_in, d_h, d_h, s0, relu_out=True)
    h = moe0(x, agg0, deg, wr0, br0, W1_0.astype(jnp.bfloat16),
             b1_0.reshape(NE, 1, d_h), W2_0.astype(jnp.bfloat16), b2_0)

    hflat = jnp.stack([h[:, t * LB:(t + 1) * LB] for t in range(s1)])
    hflat = hflat.reshape(s1 * n, LB)
    seg1 = _make_seg(n, nb, s1, with_deg=False)
    (agg1_st,) = seg1(hflat, srcoff1, d2d, zacc)
    agg1 = agg1_st[:, :n, :]

    wr1 = Wr_1.reshape(1, NE)
    br1 = br_1.reshape(1, NE)
    moe1 = _make_moe(n, d_h, d_h, d_out, s1, relu_out=False)
    out = moe1(h, agg1, deg, wr1, br1, W1_1.astype(jnp.bfloat16),
               b1_1.reshape(NE, 1, d_h), W2_1.astype(jnp.bfloat16), b2_1)
    return out

# --- scband reference (transcript-rebuilt; emitter-appended) ---
"""Pipeline reference for scband-graph-moe-v02-size-only-18700287607126 (READ-ONLY COPY).

The authoritative reference and input builder live on the scoring server;
editing this copy changes nothing except your own understanding.
"""

import jax, jax.numpy as jnp
import numpy as np

N_EXPERTS = 8
TOP_K = 2


def _moe_layer(h, src, dst, deg, W1, b1, W2, b2, Wr, br):
    n = h.shape[0]
    agg = jax.ops.segment_sum(h[src], dst, num_segments=n)
    agg = agg / jnp.maximum(deg, 1.0)[:, None]
    m = h + agg
    feat = jnp.log1p(deg)[:, None]
    logits = feat @ Wr + br
    topv, topi = jax.lax.top_k(logits, TOP_K)
    gates = jax.nn.softmax(topv, axis=-1)
    hid = jax.nn.relu(jnp.einsum('nd,edh->enh', m, W1) + b1[:, None, :])
    out_all = jnp.einsum('enh,eho->eno', hid, W2) + b2[:, None, :]
    out_ne = jnp.transpose(out_all, (1, 0, 2))
    sel = jnp.take_along_axis(out_ne, topi[:, :, None], axis=1)
    return jnp.sum(gates[:, :, None] * sel, axis=1)


def setup_inputs(seed: int = 0):
    key = jax.random.key(seed)
    ks = jax.random.split(key, 8)
    N, E, D_IN, D_H, D_OUT, NE = 10000, 160000, 256, 512, 256, N_EXPERTS
    x = jax.random.normal(ks[0], (N, D_IN), dtype=jnp.float32)
    edge_index = jax.random.randint(ks[1], (2, E), 0, N, dtype=jnp.int32)
    def w(k, shape):
        return jax.random.normal(k, shape, dtype=jnp.float32) * 0.02
    return {
        'x': x, 'edge_index': edge_index,
        'W1_0': w(ks[2], (NE, D_IN, D_H)), 'b1_0': jnp.zeros((NE, D_H), jnp.float32),
        'W2_0': w(ks[3], (NE, D_H, D_H)), 'b2_0': jnp.zeros((NE, D_H), jnp.float32),
        'Wr_0': w(ks[4], (1, NE)), 'br_0': jnp.zeros((NE,), jnp.float32),
        'W1_1': w(ks[5], (NE, D_H, D_H)), 'b1_1': jnp.zeros((NE, D_H), jnp.float32),
        'W2_1': w(ks[6], (NE, D_H, D_OUT)), 'b2_1': jnp.zeros((NE, D_OUT), jnp.float32),
        'Wr_1': w(ks[7], (1, NE)), 'br_1': jnp.zeros((NE,), jnp.float32),
    }


def reference(x, edge_index, W1_0, b1_0, W2_0, b2_0, Wr_0, br_0, W1_1, b1_1, W2_1, b2_1, Wr_1, br_1):
    src = edge_index[0]
    dst = edge_index[1]
    n = x.shape[0]
    deg = jax.ops.segment_sum(jnp.ones((edge_index.shape[1],), jnp.float32), dst, num_segments=n)
    h = _moe_layer(x, src, dst, deg, W1_0, b1_0, W2_0, b2_0, Wr_0, br_0)
    h = jax.nn.relu(h)
    out = _moe_layer(h, src, dst, deg, W1_1, b1_1, W2_1, b2_1, Wr_1, br_1)
    return out

if __name__ == "__main__":
    import jax
    _d = setup_inputs()
    print(jax.jit(kernel)(*tuple(_d.values())))

</pallas_src>

<mosaic_0001>
#map = affine_map<(d0, d1) -> (0, 0)>
#map1 = affine_map<(d0, d1) -> (0, 0, 0)>
module attributes {stable_mosaic.version = 14 : i64} {
  func.func @body(%arg0: i32, %arg1: i32, %arg2: memref<20000x128xf32, #tpu.memory_space<hbm>>, %arg3: memref<2x1280x128xi32, #tpu.memory_space<hbm>>, %arg4: memref<1280x128xi32, #tpu.memory_space<hbm>>, %arg5: memref<632x128xf32, #tpu.memory_space<hbm>>, %arg6: memref<128x128xf32, #tpu.memory_space<hbm>>, %arg7: memref<2x10016x128xf32, #tpu.memory_space<hbm>>, %arg8: memref<2x10016x128xf32, #tpu.memory_space<hbm>>, %arg9: memref<10016x128xf32, #tpu.memory_space<vmem_shared>>, %arg10: memref<3x128x128xf32, #tpu.memory_space<vmem>>, %arg11: memref<4x128xi32, #tpu.memory_space<vmem>>, %arg12: memref<4x128xi32, #tpu.memory_space<vmem>>, %arg13: memref<!tpu.dma_semaphore, #tpu.memory_space<semaphore_mem>>, %arg14: memref<!tpu.dma_semaphore, #tpu.memory_space<semaphore_mem>>, %arg15: memref<!tpu.dma_semaphore, #tpu.memory_space<semaphore_mem>>) attributes {dimension_semantics = [#tpu.dimension_semantics<core_parallel>, #tpu.dimension_semantics<subcore_parallel>], iteration_bounds = array<i64: 2, 16>, scalar_prefetch = 0 : i64, scratch_operands = 7 : i64, tpu.core_type = #tpu.core_type<sc_vector_subcore>, window_params = [{transform_indices = #map}, {transform_indices = #map1}, {transform_indices = #map}, {transform_indices = #map}, {transform_indices = #map}, {transform_indices = #map1}, {transform_indices = #map1}]} {
    %lt3A = arith.constant 15 : i32
    %lt3A_0 = arith.cmpi slt, %arg1, %lt3A : i32
    %convert_element_type3A = arith.extui %lt3A_0 : i1 to i32
    %cond3A = arith.constant 0 : i32
    %cond3A_1 = arith.cmpi ne, %convert_element_type3A, %cond3A : i32
    scf.if %cond3A_1 {
      %mul3A_315 = arith.constant 632 : i32
      %mul3A_316 = arith.muli %arg1, %mul3A_315 : i32
      "tpu.region"() ({
        %run_scoped3A_317 = tpu.sem_alloc : memref<!tpu.dma_semaphore, #tpu.memory_space<semaphore_mem>>
        %dma_start3A_318 = arith.constant 0 : i32
        %dma_start3A_319 = tpu.memref_slice %arg9[%mul3A_316, %dma_start3A_318] : memref<10016x128xf32, #tpu.memory_space<vmem_shared>> -> memref<632x128xf32, #tpu.memory_space<vmem_shared>>
        %dma_start3A_320 = arith.constant 0 : i32
        %dma_start3A_321 = arith.constant 0 : i32
        %dma_start3A_322 = tpu.memref_slice %arg5[%dma_start3A_320, %dma_start3A_321] : memref<632x128xf32, #tpu.memory_space<hbm>> -> memref<632x128xf32, #tpu.memory_space<hbm>>
        tpu.enqueue_dma source(%dma_start3A_322 : memref<632x128xf32, #tpu.memory_space<hbm>>) target(%dma_start3A_319 : memref<632x128xf32, #tpu.memory_space<vmem_shared>>) target_semaphore(%run_scoped3A_317 : memref<!tpu.dma_semaphore, #tpu.memory_space<semaphore_mem>>)
        %dma_wait3A_323 = arith.constant 0 : i32
        %dma_wait3A_324 = tpu.memref_slice %arg9[%mul3A_316, %dma_wait3A_323] : memref<10016x128xf32, #tpu.memory_space<vmem_shared>> -> memref<632x128xf32, #tpu.memory_space<vmem_shared>>
        %dma_wait3A_325 = arith.constant 0 : i32
        %dma_wait3A_326 = arith.constant 0 : i32
        %dma_wait3A_327 = tpu.memref_slice %arg5[%dma_wait3A_325, %dma_wait3A_326] : memref<632x128xf32, #tpu.memory_space<hbm>> -> memref<632x128xf32, #tpu.memory_space<hbm>>
        tpu.wait_dma2 semaphore(%run_scoped3A_317 : memref<!tpu.dma_semaphore, #tpu.memory_space<semaphore_mem>>) src(%dma_wait3A_327 : memref<632x128xf32, #tpu.memory_space<hbm>>) dst(%dma_wait3A_324 : memref<632x128xf32, #tpu.memory_space<vmem_shared>>)
        tpu.yield
      }) : () -> ()
    } else {
    }
    %eq3A = arith.constant 15 : i32
    %eq3A_2 = arith.cmpi eq, %arg1, %eq3A : i32
    %convert_element_type3A_3 = arith.extui %eq3A_2 : i1 to i32
    %cond3A_4 = arith.constant 0 : i32
    %cond3A_5 = arith.cmpi ne, %convert_element_type3A_3, %cond3A_4 : i32
    scf.if %cond3A_5 {
      %mul3A_315 = arith.constant 632 : i32
      %mul3A_316 = arith.muli %arg1, %mul3A_315 : i32
      "tpu.region"() ({
        %run_scoped3A_317 = tpu.sem_alloc : memref<!tpu.dma_semaphore, #tpu.memory_space<semaphore_mem>>
        %dma_start3A_318 = arith.constant 0 : i32
        %dma_start3A_319 = tpu.memref_slice %arg9[%mul3A_316, %dma_start3A_318] : memref<10016x128xf32, #tpu.memory_space<vmem_shared>> -> memref<536x128xf32, #tpu.memory_space<vmem_shared>>
        %dma_start3A_320 = arith.constant 0 : i32
        %dma_start3A_321 = arith.constant 0 : i32
        %dma_start3A_322 = tpu.memref_slice %arg5[%dma_start3A_320, %dma_start3A_321] : memref<632x128xf32, #tpu.memory_space<hbm>> -> memref<536x128xf32, #tpu.memory_space<hbm>>
        tpu.enqueue_dma source(%dma_start3A_322 : memref<536x128xf32, #tpu.memory_space<hbm>>) target(%dma_start3A_319 : memref<536x128xf32, #tpu.memory_space<vmem_shared>>) target_semaphore(%run_scoped3A_317 : memref<!tpu.dma_semaphore, #tpu.memory_space<semaphore_mem>>)
        %dma_wait3A_323 = arith.constant 0 : i32
        %dma_wait3A_324 = tpu.memref_slice %arg9[%mul3A_316, %dma_wait3A_323] : memref<10016x128xf32, #tpu.memory_space<vmem_shared>> -> memref<536x128xf32, #tpu.memory_space<vmem_shared>>
        %dma_wait3A_325 = arith.constant 0 : i32
        %dma_wait3A_326 = arith.constant 0 : i32
        %dma_wait3A_327 = tpu.memref_slice %arg5[%dma_wait3A_325, %dma_wait3A_326] : memref<632x128xf32, #tpu.memory_space<hbm>> -> memref<536x128xf32, #tpu.memory_space<hbm>>
        tpu.wait_dma2 semaphore(%run_scoped3A_317 : memref<!tpu.dma_semaphore, #tpu.memory_space<semaphore_mem>>) src(%dma_wait3A_327 : memref<536x128xf32, #tpu.memory_space<hbm>>) dst(%dma_wait3A_324 : memref<536x128xf32, #tpu.memory_space<vmem_shared>>)
        tpu.yield
      }) : () -> ()
    } else {
    }
    %barrier3A = arith.constant 0 : index
    tpu.barrier barrier_id(%barrier3A)
    %mul3A = arith.constant 1 : i32
    %mul3A_6 = arith.muli %arg0, %mul3A : i32
    %add3A = arith.constant 0 : i32
    %add3A_7 = arith.addi %mul3A_6, %add3A : i32
    %rem3A = arith.constant 0 : i32
    %rem3A_8 = arith.constant 4 : i32
    %rem3A_9 = arith.remsi %rem3A, %rem3A_8 : i32
    %mul3A_10 = arith.constant 80 : i32
    %mul3A_11 = arith.muli %arg1, %mul3A_10 : i32
    %add3A_12 = arith.constant 0 : i32
    %add3A_13 = arith.addi %mul3A_11, %add3A_12 : i32
    %dma_start3A = arith.constant 0 : i32
    %dma_start3A_14 = tpu.memref_slice %arg11[%rem3A_9, %dma_start3A] : memref<4x128xi32, #tpu.memory_space<vmem>> -> memref<1x128xi32, #tpu.memory_space<vmem>>
    %dma_start3A_15 = tpu.memref_squeeze %dma_start3A_14 : memref<1x128xi32, #tpu.memory_space<vmem>> -> memref<128xi32, #tpu.memory_space<vmem>>
    %dma_start3A_16 = arith.constant 0 : i32
    %dma_start3A_17 = tpu.memref_slice %arg3[%add3A_7, %add3A_13, %dma_start3A_16] : memref<2x1280x128xi32, #tpu.memory_space<hbm>> -> memref<1x1x128xi32, #tpu.memory_space<hbm>>
    %dma_start3A_18 = tpu.memref_squeeze %dma_start3A_17 : memref<1x1x128xi32, #tpu.memory_space<hbm>> -> memref<128xi32, #tpu.memory_space<hbm>>
    %dma_start3A_19 = arith.constant 0 : i32
    %dma_start3A_20 = tpu.memref_slice %arg11[%rem3A_9, %dma_start3A_19] : memref<4x128xi32, #tpu.memory_space<vmem>> -> memref<1x128xi32, #tpu.memory_space<vmem>>
    %dma_start3A_21 = tpu.memref_squeeze %dma_start3A_20 : memref<1x128xi32, #tpu.memory_space<vmem>> -> memref<128xi32, #tpu.memory_space<vmem>>
    %dma_start3A_22 = arith.constant 0 : i32
    %dma_start3A_23 = tpu.memref_slice %arg3[%add3A_7, %add3A_13, %dma_start3A_22] : memref<2x1280x128xi32, #tpu.memory_space<hbm>> -> memref<1x1x128xi32, #tpu.memory_space<hbm>>
    %dma_start3A_24 = tpu.memref_squeeze %dma_start3A_23 : memref<1x1x128xi32, #tpu.memory_space<hbm>> -> memref<128xi32, #tpu.memory_space<hbm>>
    tpu.enqueue_dma source(%dma_start3A_24 : memref<128xi32, #tpu.memory_space<hbm>>) target(%dma_start3A_21 : memref<128xi32, #tpu.memory_space<vmem>>) target_semaphore(%arg13 : memref<!tpu.dma_semaphore, #tpu.memory_space<semaphore_mem>>)
    %mul3A_25 = arith.constant 80 : i32
    %mul3A_26 = arith.muli %arg1, %mul3A_25 : i32
    %add3A_27 = arith.constant 0 : i32
    %add3A_28 = arith.addi %mul3A_26, %add3A_27 : i32
    %dma_start3A_29 = arith.constant 0 : i32
    %dma_start3A_30 = tpu.memref_slice %arg12[%rem3A_9, %dma_start3A_29] : memref<4x128xi32, #tpu.memory_space<vmem>> -> memref<1x128xi32, #tpu.memory_space<vmem>>
    %dma_start3A_31 = tpu.memref_squeeze %dma_start3A_30 : memref<1x128xi32, #tpu.memory_space<vmem>> -> memref<128xi32, #tpu.memory_space<vmem>>
    %dma_start3A_32 = arith.constant 0 : i32
    %dma_start3A_33 = tpu.memref_slice %arg4[%add3A_28, %dma_start3A_32] : memref<1280x128xi32, #tpu.memory_space<hbm>> -> memref<1x128xi32, #tpu.memory_space<hbm>>
    %dma_start3A_34 = tpu.memref_squeeze %dma_start3A_33 : memref<1x128xi32, #tpu.memory_space<hbm>> -> memref<128xi32, #tpu.memory_space<hbm>>
    %dma_start3A_35 = arith.constant 0 : i32
    %dma_start3A_36 = tpu.memref_slice %arg12[%rem3A_9, %dma_start3A_35] : memref<4x128xi32, #tpu.memory_space<vmem>> -> memref<1x128xi32, #tpu.memory_space<vmem>>
    %dma_start3A_37 = tpu.memref_squeeze %dma_start3A_36 : memref<1x128xi32, #tpu.memory_space<vmem>> -> memref<128xi32, #tpu.memory_space<vmem>>
    %dma_start3A_38 = arith.constant 0 : i32
    %dma_start3A_39 = tpu.memref_slice %arg4[%add3A_28, %dma_start3A_38] : memref<1280x128xi32, #tpu.memory_space<hbm>> -> memref<1x128xi32, #tpu.memory_space<hbm>>
    %dma_start3A_40 = tpu.memref_squeeze %dma_start3A_39 : memref<1x128xi32, #tpu.memory_space<hbm>> -> memref<128xi32, #tpu.memory_space<hbm>>
    tpu.enqueue_dma source(%dma_start3A_40 : memref<128xi32, #tpu.memory_space<hbm>>) target(%dma_start3A_37 : memref<128xi32, #tpu.memory_space<vmem>>) target_semaphore(%arg13 : memref<!tpu.dma_semaphore, #tpu.memory_space<semaphore_mem>>)
    %rem3A_41 = arith.constant 1 : i32
    %rem3A_42 = arith.constant 4 : i32
    %rem3A_43 = arith.remsi %rem3A_41, %rem3A_42 : i32
    %mul3A_44 = arith.constant 80 : i32
    %mul3A_45 = arith.muli %arg1, %mul3A_44 : i32
    %add3A_46 = arith.constant 1 : i32
    %add3A_47 = arith.addi %mul3A_45, %add3A_46 : i32
    %dma_start3A_48 = arith.constant 0 : i32
    %dma_start3A_49 = tpu.memref_slice %arg11[%rem3A_43, %dma_start3A_48] : memref<4x128xi32, #tpu.memory_space<vmem>> -> memref<1x128xi32, #tpu.memory_space<vmem>>
    %dma_start3A_50 = tpu.memref_squeeze %dma_start3A_49 : memref<1x128xi32, #tpu.memory_space<vmem>> -> memref<128xi32, #tpu.memory_space<vmem>>
    %dma_start3A_51 = arith.constant 0 : i32
    %dma_start3A_52 = tpu.memref_slice %arg3[%add3A_7, %add3A_47, %dma_start3A_51] : memref<2x1280x128xi32, #tpu.memory_space<hbm>> -> memref<1x1x128xi32, #tpu.memory_space<hbm>>
    %dma_start3A_53 = tpu.memref_squeeze %dma_start3A_52 : memref<1x1x128xi32, #tpu.memory_space<hbm>> -> memref<128xi32, #tpu.memory_space<hbm>>
    %dma_start3A_54 = arith.constant 0 : i32
    %dma_start3A_55 = tpu.memref_slice %arg11[%rem3A_43, %dma_start3A_54] : memref<4x128xi32, #tpu.memory_space<vmem>> -> memref<1x128xi32, #tpu.memory_space<vmem>>
    %dma_start3A_56 = tpu.memref_squeeze %dma_start3A_55 : memref<1x128xi32, #tpu.memory_space<vmem>> -> memref<128xi32, #tpu.memory_space<vmem>>
    %dma_start3A_57 = arith.constant 0 : i32
    %dma_start3A_58 = tpu.memref_slice %arg3[%add3A_7, %add3A_47, %dma_start3A_57] : memref<2x1280x128xi32, #tpu.memory_space<hbm>> -> memref<1x1x128xi32, #tpu.memory_space<hbm>>
    %dma_start3A_59 = tpu.memref_squeeze %dma_start3A_58 : memref<1x1x128xi32, #tpu.memory_space<hbm>> -> memref<128xi32, #tpu.memory_space<hbm>>
    tpu.enqueue_dma source(%dma_start3A_59 : memref<128xi32, #tpu.memory_space<hbm>>) target(%dma_start3A_56 : memref<128xi32, #tpu.memory_space<vmem>>) target_semaphore(%arg13 : memref<!tpu.dma_semaphore, #tpu.memory_space<semaphore_mem>>)
    %mul3A_60 = arith.constant 80 : i32
    %mul3A_61 = arith.muli %arg1, %mul3A_60 : i32
    %add3A_62 = arith.constant 1 : i32
    %add3A_63 = arith.addi %mul3A_61, %add3A_62 : i32
    %dma_start3A_64 = arith.constant 0 : i32
    %dma_start3A_65 = tpu.memref_slice %arg12[%rem3A_43, %dma_start3A_64] : memref<4x128xi32, #tpu.memory_space<vmem>> -> memref<1x128xi32, #tpu.memory_space<vmem>>
    %dma_start3A_66 = tpu.memref_squeeze %dma_start3A_65 : memref<1x128xi32, #tpu.memory_space<vmem>> -> memref<128xi32, #tpu.memory_space<vmem>>
    %dma_start3A_67 = arith.constant 0 : i32
    %dma_start3A_68 = tpu.memref_slice %arg4[%add3A_63, %dma_start3A_67] : memref<1280x128xi32, #tpu.memory_space<hbm>> -> memref<1x128xi32, #tpu.memory_space<hbm>>
    %dma_start3A_69 = tpu.memref_squeeze %dma_start3A_68 : memref<1x128xi32, #tpu.memory_space<hbm>> -> memref<128xi32, #tpu.memory_space<hbm>>
    %dma_start3A_70 = arith.constant 0 : i32
    %dma_start3A_71 = tpu.memref_slice %arg12[%rem3A_43, %dma_start3A_70] : memref<4x128xi32, #tpu.memory_space<vmem>> -> memref<1x128xi32, #tpu.memory_space<vmem>>
    %dma_start3A_72 = tpu.memref_squeeze %dma_start3A_71 : memref<1x128xi32, #tpu.memory_space<vmem>> -> memref<128xi32, #tpu.memory_space<vmem>>
    %dma_start3A_73 = arith.constant 0 : i32
    %dma_start3A_74 = tpu.memref_slice %arg4[%add3A_63, %dma_start3A_73] : memref<1280x128xi32, #tpu.memory_space<hbm>> -> memref<1x128xi32, #tpu.memory_space<hbm>>
    %dma_start3A_75 = tpu.memref_squeeze %dma_start3A_74 : memref<1x128xi32, #tpu.memory_space<hbm>> -> memref<128xi32, #tpu.memory_space<hbm>>
    tpu.enqueue_dma source(%dma_start3A_75 : memref<128xi32, #tpu.memory_space<hbm>>) target(%dma_start3A_72 : memref<128xi32, #tpu.memory_space<vmem>>) target_semaphore(%arg13 : memref<!tpu.dma_semaphore, #tpu.memory_space<semaphore_mem>>)
    %rem3A_76 = arith.constant 2 : i32
    %rem3A_77 = arith.constant 4 : i32
    %rem3A_78 = arith.remsi %rem3A_76, %rem3A_77 : i32
    %mul3A_79 = arith.constant 80 : i32
    %mul3A_80 = arith.muli %arg1, %mul3A_79 : i32
    %add3A_81 = arith.constant 2 : i32
    %add3A_82 = arith.addi %mul3A_80, %add3A_81 : i32
    %dma_start3A_83 = arith.constant 0 : i32
    %dma_start3A_84 = tpu.memref_slice %arg11[%rem3A_78, %dma_start3A_83] : memref<4x128xi32, #tpu.memory_space<vmem>> -> memref<1x128xi32, #tpu.memory_space<vmem>>
    %dma_start3A_85 = tpu.memref_squeeze %dma_start3A_84 : memref<1x128xi32, #tpu.memory_space<vmem>> -> memref<128xi32, #tpu.memory_space<vmem>>
    %dma_start3A_86 = arith.constant 0 : i32
    %dma_start3A_87 = tpu.memref_slice %arg3[%add3A_7, %add3A_82, %dma_start3A_86] : memref<2x1280x128xi32, #tpu.memory_space<hbm>> -> memref<1x1x128xi32, #tpu.memory_space<hbm>>
    %dma_start3A_88 = tpu.memref_squeeze %dma_start3A_87 : memref<1x1x128xi32, #tpu.memory_space<hbm>> -> memref<128xi32, #tpu.memory_space<hbm>>
    %dma_start3A_89 = arith.constant 0 : i32
    %dma_start3A_90 = tpu.memref_slice %arg11[%rem3A_78, %dma_start3A_89] : memref<4x128xi32, #tpu.memory_space<vmem>> -> memref<1x128xi32, #tpu.memory_space<vmem>>
    %dma_start3A_91 = tpu.memref_squeeze %dma_start3A_90 : memref<1x128xi32, #tpu.memory_space<vmem>> -> memref<128xi32, #tpu.memory_space<vmem>>
    %dma_start3A_92 = arith.constant 0 : i32
    %dma_start3A_93 = tpu.memref_slice %arg3[%add3A_7, %add3A_82, %dma_start3A_92] : memref<2x1280x128xi32, #tpu.memory_space<hbm>> -> memref<1x1x128xi32, #tpu.memory_space<hbm>>
    %dma_start3A_94 = tpu.memref_squeeze %dma_start3A_93 : memref<1x1x128xi32, #tpu.memory_space<hbm>> -> memref<128xi32, #tpu.memory_space<hbm>>
    tpu.enqueue_dma source(%dma_start3A_94 : memref<128xi32, #tpu.memory_space<hbm>>) target(%dma_start3A_91 : memref<128xi32, #tpu.memory_space<vmem>>) target_semaphore(%arg13 : memref<!tpu.dma_semaphore, #tpu.memory_space<semaphore_mem>>)
    %mul3A_95 = arith.constant 80 : i32
    %mul3A_96 = arith.muli %arg1, %mul3A_95 : i32
    %add3A_97 = arith.constant 2 : i32
    %add3A_98 = arith.addi %mul3A_96, %add3A_97 : i32
    %dma_start3A_99 = arith.constant 0 : i32
    %dma_start3A_100 = tpu.memref_slice %arg12[%rem3A_78, %dma_start3A_99] : memref<4x128xi32, #tpu.memory_space<vmem>> -> memref<1x128xi32, #tpu.memory_space<vmem>>
    %dma_start3A_101 = tpu.memref_squeeze %dma_start3A_100 : memref<1x128xi32, #tpu.memory_space<vmem>> -> memref<128xi32, #tpu.memory_space<vmem>>
    %dma_start3A_102 = arith.constant 0 : i32
    %dma_start3A_103 = tpu.memref_slice %arg4[%add3A_98, %dma_start3A_102] : memref<1280x128xi32, #tpu.memory_space<hbm>> -> memref<1x128xi32, #tpu.memory_space<hbm>>
    %dma_start3A_104 = tpu.memref_squeeze %dma_start3A_103 : memref<1x128xi32, #tpu.memory_space<hbm>> -> memref<128xi32, #tpu.memory_space<hbm>>
    %dma_start3A_105 = arith.constant 0 : i32
    %dma_start3A_106 = tpu.memref_slice %arg12[%rem3A_78, %dma_start3A_105] : memref<4x128xi32, #tpu.memory_space<vmem>> -> memref<1x128xi32, #tpu.memory_space<vmem>>
    %dma_start3A_107 = tpu.memref_squeeze %dma_start3A_106 : memref<1x128xi32, #tpu.memory_space<vmem>> -> memref<128xi32, #tpu.memory_space<vmem>>
    %dma_start3A_108 = arith.constant 0 : i32
    %dma_start3A_109 = tpu.memref_slice %arg4[%add3A_98, %dma_start3A_108] : memref<1280x128xi32, #tpu.memory_space<hbm>> -> memref<1x128xi32, #tpu.memory_space<hbm>>
    %dma_start3A_110 = tpu.memref_squeeze %dma_start3A_109 : memref<1x128xi32, #tpu.memory_space<hbm>> -> memref<128xi32, #tpu.memory_space<hbm>>
    tpu.enqueue_dma source(%dma_start3A_110 : memref<128xi32, #tpu.memory_space<hbm>>) target(%dma_start3A_107 : memref<128xi32, #tpu.memory_space<vmem>>) target_semaphore(%arg13 : memref<!tpu.dma_semaphore, #tpu.memory_space<semaphore_mem>>)
    %dma_wait3A = arith.constant 0 : i32
    %dma_wait3A_111 = arith.constant 0 : i32
    %dma_wait3A_112 = arith.constant 0 : i32
    %dma_wait3A_113 = tpu.memref_slice %arg12[%dma_wait3A_111, %dma_wait3A_112] : memref<4x128xi32, #tpu.memory_space<vmem>> -> memref<1x128xi32, #tpu.memory_space<vmem>>
    %dma_wait3A_114 = tpu.memref_squeeze %dma_wait3A_113 : memref<1x128xi32, #tpu.memory_space<vmem>> -> memref<128xi32, #tpu.memory_space<vmem>>
    %dma_wait3A_115 = arith.constant 0 : i32
    %dma_wait3A_116 = tpu.memref_slice %arg4[%dma_wait3A, %dma_wait3A_115] : memref<1280x128xi32, #tpu.memory_space<hbm>> -> memref<1x128xi32, #tpu.memory_space<hbm>>
    %dma_wait3A_117 = tpu.memref_squeeze %dma_wait3A_116 : memref<1x128xi32, #tpu.memory_space<hbm>> -> memref<128xi32, #tpu.memory_space<hbm>>
    %dma_wait3A_118 = arith.constant 0 : i32
    %dma_wait3A_119 = tpu.memref_slice %arg12[%dma_wait3A_111, %dma_wait3A_118] : memref<4x128xi32, #tpu.memory_space<vmem>> -> memref<1x128xi32, #tpu.memory_space<vmem>>
    %dma_wait3A_120 = tpu.memref_squeeze %dma_wait3A_119 : memref<1x128xi32, #tpu.memory_space<vmem>> -> memref<128xi32, #tpu.memory_space<vmem>>
    %dma_wait3A_121 = arith.constant 0 : i32
    %dma_wait3A_122 = tpu.memref_slice %arg4[%dma_wait3A, %dma_wait3A_121] : memref<1280x128xi32, #tpu.memory_space<hbm>> -> memref<1x128xi32, #tpu.memory_space<hbm>>
    %dma_wait3A_123 = tpu.memref_squeeze %dma_wait3A_122 : memref<1x128xi32, #tpu.memory_space<hbm>> -> memref<128xi32, #tpu.memory_space<hbm>>
    tpu.wait_dma2 semaphore(%arg13 : memref<!tpu.dma_semaphore, #tpu.memory_space<semaphore_mem>>) src(%dma_wait3A_123 : memref<128xi32, #tpu.memory_space<hbm>>) dst(%dma_wait3A_120 : memref<128xi32, #tpu.memory_space<vmem>>)
    %dma_wait3A_124 = arith.constant 0 : i32
    %dma_wait3A_125 = arith.constant 0 : i32
    %dma_wait3A_126 = arith.constant 0 : i32
    %dma_wait3A_127 = tpu.memref_slice %arg12[%dma_wait3A_125, %dma_wait3A_126] : memref<4x128xi32, #tpu.memory_space<vmem>> -> memref<1x128xi32, #tpu.memory_space<vmem>>
    %dma_wait3A_128 = tpu.memref_squeeze %dma_wait3A_127 : memref<1x128xi32, #tpu.memory_space<vmem>> -> memref<128xi32, #tpu.memory_space<vmem>>
    %dma_wait3A_129 = arith.constant 0 : i32
    %dma_wait3A_130 = tpu.memref_slice %arg4[%dma_wait3A_124, %dma_wait3A_129] : memref<1280x128xi32, #tpu.memory_space<hbm>> -> memref<1x128xi32, #tpu.memory_space<hbm>>
    %dma_wait3A_131 = tpu.memref_squeeze %dma_wait3A_130 : memref<1x128xi32, #tpu.memory_space<hbm>> -> memref<128xi32, #tpu.memory_space<hbm>>
    %dma_wait3A_132 = arith.constant 0 : i32
    %dma_wait3A_133 = tpu.memref_slice %arg12[%dma_wait3A_125, %dma_wait3A_132] : memref<4x128xi32, #tpu.memory_space<vmem>> -> memref<1x128xi32, #tpu.memory_space<vmem>>
    %dma_wait3A_134 = tpu.memref_squeeze %dma_wait3A_133 : memref<1x128xi32, #tpu.memory_space<vmem>> -> memref<128xi32, #tpu.memory_space<vmem>>
    %dma_wait3A_135 = arith.constant 0 : i32
    %dma_wait3A_136 = tpu.memref_slice %arg4[%dma_wait3A_124, %dma_wait3A_135] : memref<1280x128xi32, #tpu.memory_space<hbm>> -> memref<1x128xi32, #tpu.memory_space<hbm>>
    %dma_wait3A_137 = tpu.memref_squeeze %dma_wait3A_136 : memref<1x128xi32, #tpu.memory_space<hbm>> -> memref<128xi32, #tpu.memory_space<hbm>>
    tpu.wait_dma2 semaphore(%arg13 : memref<!tpu.dma_semaphore, #tpu.memory_space<semaphore_mem>>) src(%dma_wait3A_137 : memref<128xi32, #tpu.memory_space<hbm>>) dst(%dma_wait3A_134 : memref<128xi32, #tpu.memory_space<vmem>>)
    %rem3A_138 = arith.constant 0 : i32
    %rem3A_139 = arith.constant 4 : i32
    %rem3A_140 = arith.remsi %rem3A_138, %rem3A_139 : i32
    %rem3A_141 = arith.constant 0 : i32
    %rem3A_142 = arith.constant 3 : i32
    %rem3A_143 = arith.remsi %rem3A_141, %rem3A_142 : i32
    %dma_start3A_144 = arith.constant 0 : i32
    %dma_start3A_145 = arith.constant 0 : i32
    %dma_start3A_146 = tpu.memref_slice %arg10[%rem3A_143, %dma_start3A_144, %dma_start3A_145] : memref<3x128x128xf32, #tpu.memory_space<vmem>> -> memref<1x128x128xf32, #tpu.memory_space<vmem>>
    %dma_start3A_147 = tpu.memref_squeeze %dma_start3A_146 : memref<1x128x128xf32, #tpu.memory_space<vmem>> -> memref<128x128xf32, #tpu.memory_space<vmem>>
    %dma_start3A_148 = arith.constant 0 : i32
    %dma_start3A_149 = tpu.memref_slice %arg11[%rem3A_140, %dma_start3A_148] : memref<4x128xi32, #tpu.memory_space<vmem>> -> memref<1x128xi32, #tpu.memory_space<vmem>>
    %dma_start3A_150 = tpu.memref_squeeze %dma_start3A_149 : memref<1x128xi32, #tpu.memory_space<vmem>> -> memref<128xi32, #tpu.memory_space<vmem>>
    %dma_start3A_151 = arith.constant 0 : i32
    %dma_start3A_152 = arith.constant 0 : i32
    %dma_start3A_153 = tpu.memref_slice %arg2[%dma_start3A_151, %dma_start3A_152] : memref<20000x128xf32, #tpu.memory_space<hbm>> -> memref<20000x128xf32, #tpu.memory_space<hbm>>
    tpu.enqueue_indirect_dma source(%dma_start3A_153 : memref<20000x128xf32, #tpu.memory_space<hbm>>) target(%dma_start3A_147 : memref<128x128xf32, #tpu.memory_space<vmem>>) offsets(%dma_start3A_150 : memref<128xi32, #tpu.memory_space<vmem>>) semaphore(%arg14 : memref<!tpu.dma_semaphore, #tpu.memory_space<semaphore_mem>>)
    %dma_wait3A_154 = arith.constant 0 : i32
    %dma_wait3A_155 = arith.constant 0 : i32
    %dma_wait3A_156 = arith.constant 0 : i32
    %dma_wait3A_157 = tpu.memref_slice %arg12[%dma_wait3A_155, %dma_wait3A_156] : memref<4x128xi32, #tpu.memory_space<vmem>> -> memref<1x128xi32, #tpu.memory_space<vmem>>
    %dma_wait3A_158 = tpu.memref_squeeze %dma_wait3A_157 : memref<1x128xi32, #tpu.memory_space<vmem>> -> memref<128xi32, #tpu.memory_space<vmem>>
    %dma_wait3A_159 = arith.constant 0 : i32
    %dma_wait3A_160 = tpu.memref_slice %arg4[%dma_wait3A_154, %dma_wait3A_159] : memref<1280x128xi32, #tpu.memory_space<hbm>> -> memref<1x128xi32, #tpu.memory_space<hbm>>
    %dma_wait3A_161 = tpu.memref_squeeze %dma_wait3A_160 : memref<1x128xi32, #tpu.memory_space<hbm>> -> memref<128xi32, #tpu.memory_space<hbm>>
    %dma_wait3A_162 = arith.constant 0 : i32
    %dma_wait3A_163 = tpu.memref_slice %arg12[%dma_wait3A_155, %dma_wait3A_162] : memref<4x128xi32, #tpu.memory_space<vmem>> -> memref<1x128xi32, #tpu.memory_space<vmem>>
    %dma_wait3A_164 = tpu.memref_squeeze %dma_wait3A_163 : memref<1x128xi32, #tpu.memory_space<vmem>> -> memref<128xi32, #tpu.memory_space<vmem>>
    %dma_wait3A_165 = arith.constant 0 : i32
    %dma_wait3A_166 = tpu.memref_slice %arg4[%dma_wait3A_154, %dma_wait3A_165] : memref<1280x128xi32, #tpu.memory_space<hbm>> -> memref<1x128xi32, #tpu.memory_space<hbm>>
    %dma_wait3A_167 = tpu.memref_squeeze %dma_wait3A_166 : memref<1x128xi32, #tpu.memory_space<hbm>> -> memref<128xi32, #tpu.memory_space<hbm>>
    tpu.wait_dma2 semaphore(%arg13 : memref<!tpu.dma_semaphore, #tpu.memory_space<semaphore_mem>>) src(%dma_wait3A_167 : memref<128xi32, #tpu.memory_space<hbm>>) dst(%dma_wait3A_164 : memref<128xi32, #tpu.memory_space<vmem>>)
    %dma_wait3A_168 = arith.constant 0 : i32
    %dma_wait3A_169 = arith.constant 0 : i32
    %dma_wait3A_170 = arith.constant 0 : i32
    %dma_wait3A_171 = tpu.memref_slice %arg12[%dma_wait3A_169, %dma_wait3A_170] : memref<4x128xi32, #tpu.memory_space<vmem>> -> memref<1x128xi32, #tpu.memory_space<vmem>>
    %dma_wait3A_172 = tpu.memref_squeeze %dma_wait3A_171 : memref<1x128xi32, #tpu.memory_space<vmem>> -> memref<128xi32, #tpu.memory_space<vmem>>
    %dma_wait3A_173 = arith.constant 0 : i32
    %dma_wait3A_174 = tpu.memref_slice %arg4[%dma_wait3A_168, %dma_wait3A_173] : memref<1280x128xi32, #tpu.memory_space<hbm>> -> memref<1x128xi32, #tpu.memory_space<hbm>>
    %dma_wait3A_175 = tpu.memref_squeeze %dma_wait3A_174 : memref<1x128xi32, #tpu.memory_space<hbm>> -> memref<128xi32, #tpu.memory_space<hbm>>
    %dma_wait3A_176 = arith.constant 0 : i32
    %dma_wait3A_177 = tpu.memref_slice %arg12[%dma_wait3A_169, %dma_wait3A_176] : memref<4x128xi32, #tpu.memory_space<vmem>> -> memref<1x128xi32, #tpu.memory_space<vmem>>
    %dma_wait3A_178 = tpu.memref_squeeze %dma_wait3A_177 : memref<1x128xi32, #tpu.memory_space<vmem>> -> memref<128xi32, #tpu.memory_space<vmem>>
    %dma_wait3A_179 = arith.constant 0 : i32
    %dma_wait3A_180 = tpu.memref_slice %arg4[%dma_wait3A_168, %dma_wait3A_179] : memref<1280x128xi32, #tpu.memory_space<hbm>> -> memref<1x128xi32, #tpu.memory_space<hbm>>
    %dma_wait3A_181 = tpu.memref_squeeze %dma_wait3A_180 : memref<1x128xi32, #tpu.memory_space<hbm>> -> memref<128xi32, #tpu.memory_space<hbm>>
    tpu.wait_dma2 semaphore(%arg13 : memref<!tpu.dma_semaphore, #tpu.memory_space<semaphore_mem>>) src(%dma_wait3A_181 : memref<128xi32, #tpu.memory_space<hbm>>) dst(%dma_wait3A_178 : memref<128xi32, #tpu.memory_space<vmem>>)
    %rem3A_182 = arith.constant 1 : i32
    %rem3A_183 = arith.constant 4 : i32
    %rem3A_184 = arith.remsi %rem3A_182, %rem3A_183 : i32
    %rem3A_185 = arith.constant 1 : i32
    %rem3A_186 = arith.constant 3 : i32
    %rem3A_187 = arith.remsi %rem3A_185, %rem3A_186 : i32
    %dma_start3A_188 = arith.constant 0 : i32
    %dma_start3A_189 = arith.constant 0 : i32
    %dma_start3A_190 = tpu.memref_slice %arg10[%rem3A_187, %dma_start3A_188, %dma_start3A_189] : memref<3x128x128xf32, #tpu.memory_space<vmem>> -> memref<1x128x128xf32, #tpu.memory_space<vmem>>
    %dma_start3A_191 = tpu.memref_squeeze %dma_start3A_190 : memref<1x128x128xf32, #tpu.memory_space<vmem>> -> memref<128x128xf32, #tpu.memory_space<vmem>>
    %dma_start3A_192 = arith.constant 0 : i32
    %dma_start3A_193 = tpu.memref_slice %arg11[%rem3A_184, %dma_start3A_192] : memref<4x128xi32, #tpu.memory_space<vmem>> -> memref<1x128xi32, #tpu.memory_space<vmem>>
    %dma_start3A_194 = tpu.memref_squeeze %dma_start3A_193 : memref<1x128xi32, #tpu.memory_space<vmem>> -> memref<128xi32, #tpu.memory_space<vmem>>
    %dma_start3A_195 = arith.constant 0 : i32
    %dma_start3A_196 = arith.constant 0 : i32
    %dma_start3A_197 = tpu.memref_slice %arg2[%dma_start3A_195, %dma_start3A_196] : memref<20000x128xf32, #tpu.memory_space<hbm>> -> memref<20000x128xf32, #tpu.memory_space<hbm>>
    tpu.enqueue_indirect_dma source(%dma_start3A_197 : memref<20000x128xf32, #tpu.memory_space<hbm>>) target(%dma_start3A_191 : memref<128x128xf32, #tpu.memory_space<vmem>>) offsets(%dma_start3A_194 : memref<128xi32, #tpu.memory_space<vmem>>) semaphore(%arg14 : memref<!tpu.dma_semaphore, #tpu.memory_space<semaphore_mem>>)
    %scan3A = arith.constant 0 : i32
    %scan3A_198 = arith.constant 80 : i32
    %scan3A_199 = arith.addi %scan3A, %scan3A_198 : i32
    %scan3A_200 = arith.constant 1 : i32
    scf.for %scan3A_315 = %scan3A to %scan3A_199 step %scan3A_200  : i32 {
      %mul3A_316 = arith.constant 1 : i32
      %mul3A_317 = arith.muli %scan3A_315, %mul3A_316 : i32
      %add3A_318 = arith.constant 0 : i32
      %add3A_319 = arith.addi %add3A_318, %mul3A_317 : i32
      %dma_wait3A_320 = arith.constant 0 : i32
      %dma_wait3A_321 = arith.constant 0 : i32
      %dma_wait3A_322 = arith.constant 0 : i32
      %dma_wait3A_323 = arith.constant 0 : i32
      %dma_wait3A_324 = tpu.memref_slice %arg10[%dma_wait3A_321, %dma_wait3A_322, %dma_wait3A_323] : memref<3x128x128xf32, #tpu.memory_space<vmem>> -> memref<1x128x128xf32, #tpu.memory_space<vmem>>
      %dma_wait3A_325 = tpu.memref_squeeze %dma_wait3A_324 : memref<1x128x128xf32, #tpu.memory_space<vmem>> -> memref<128x128xf32, #tpu.memory_space<vmem>>
      %dma_wait3A_326 = arith.constant 0 : i32
      %dma_wait3A_327 = tpu.memref_slice %arg11[%dma_wait3A_320, %dma_wait3A_326] : memref<4x128xi32, #tpu.memory_space<vmem>> -> memref<1x128xi32, #tpu.memory_space<vmem>>
      %dma_wait3A_328 = tpu.memref_squeeze %dma_wait3A_327 : memref<1x128xi32, #tpu.memory_space<vmem>> -> memref<128xi32, #tpu.memory_space<vmem>>
      %dma_wait3A_329 = arith.constant 0 : i32
      %dma_wait3A_330 = arith.constant 0 : i32
      %dma_wait3A_331 = tpu.memref_slice %arg2[%dma_wait3A_329, %dma_wait3A_330] : memref<20000x128xf32, #tpu.memory_space<hbm>> -> memref<20000x128xf32, #tpu.memory_space<hbm>>
      tpu.wait_indirect_dma semaphore(%arg14 : memref<!tpu.dma_semaphore, #tpu.memory_space<semaphore_mem>>) src(%dma_wait3A_331 : memref<20000x128xf32, #tpu.memory_space<hbm>>) dst(%dma_wait3A_325 : memref<128x128xf32, #tpu.memory_space<vmem>>)
      %rem3A_332 = arith.constant 3 : i32
      %rem3A_333 = arith.remsi %add3A_319, %rem3A_332 : i32
      %rem3A_334 = arith.constant 4 : i32
      %rem3A_335 = arith.remsi %add3A_319, %rem3A_334 : i32
      %dma_start3A_336 = arith.constant 0 : i32
      %dma_start3A_337 = arith.constant 0 : i32
      %dma_start3A_338 = tpu.memref_slice %arg10[%rem3A_333, %dma_start3A_336, %dma_start3A_337] : memref<3x128x128xf32, #tpu.memory_space<vmem>> -> memref<1x128x128xf32, #tpu.memory_space<vmem>>
      %dma_start3A_339 = tpu.memref_squeeze %dma_start3A_338 : memref<1x128x128xf32, #tpu.memory_space<vmem>> -> memref<128x128xf32, #tpu.memory_space<vmem>>
      %dma_start3A_340 = arith.constant 0 : i32
      %dma_start3A_341 = tpu.memref_slice %arg12[%rem3A_335, %dma_start3A_340] : memref<4x128xi32, #tpu.memory_space<vmem>> -> memref<1x128xi32, #tpu.memory_space<vmem>>
      %dma_start3A_342 = tpu.memref_squeeze %dma_start3A_341 : memref<1x128xi32, #tpu.memory_space<vmem>> -> memref<128xi32, #tpu.memory_space<vmem>>
      %dma_start3A_343 = arith.constant 0 : i32
      %dma_start3A_344 = arith.constant 0 : i32
      %dma_start3A_345 = tpu.memref_slice %arg9[%dma_start3A_343, %dma_start3A_344] : memref<10016x128xf32, #tpu.memory_space<vmem_shared>> -> memref<10016x128xf32, #tpu.memory_space<vmem_shared>>
      tpu.enqueue_indirect_dma source(%dma_start3A_339 : memref<128x128xf32, #tpu.memory_space<vmem>>) target(%dma_start3A_345 : memref<10016x128xf32, #tpu.memory_space<vmem_shared>>) offsets(%dma_start3A_342 : memref<128xi32, #tpu.memory_space<vmem>>) semaphore(%arg15 : memref<!tpu.dma_semaphore, #tpu.memory_space<semaphore_mem>>) {add = true}
      %ge3A = arith.constant 1 : i32
      %ge3A_346 = arith.cmpi sge, %add3A_319, %ge3A : i32
      %convert_element_type3A_347 = arith.extui %ge3A_346 : i1 to i32
      %cond3A_348 = arith.constant 0 : i32
      %cond3A_349 = arith.cmpi ne, %convert_element_type3A_347, %cond3A_348 : i32
      scf.if %cond3A_349 {
        %dma_wait3A_364 = arith.constant 0 : i32
        %dma_wait3A_365 = arith.constant 0 : i32
        %dma_wait3A_366 = arith.constant 0 : i32
        %dma_wait3A_367 = arith.constant 0 : i32
        %dma_wait3A_368 = tpu.memref_slice %arg10[%dma_wait3A_364, %dma_wait3A_366, %dma_wait3A_367] : memref<3x128x128xf32, #tpu.memory_space<vmem>> -> memref<1x128x128xf32, #tpu.memory_space<vmem>>
        %dma_wait3A_369 = tpu.memref_squeeze %dma_wait3A_368 : memref<1x128x128xf32, #tpu.memory_space<vmem>> -> memref<128x128xf32, #tpu.memory_space<vmem>>
        %dma_wait3A_370 = arith.constant 0 : i32
        %dma_wait3A_371 = tpu.memref_slice %arg12[%dma_wait3A_365, %dma_wait3A_370] : memref<4x128xi32, #tpu.memory_space<vmem>> -> memref<1x128xi32, #tpu.memory_space<vmem>>
        %dma_wait3A_372 = tpu.memref_squeeze %dma_wait3A_371 : memref<1x128xi32, #tpu.memory_space<vmem>> -> memref<128xi32, #tpu.memory_space<vmem>>
        %dma_wait3A_373 = arith.constant 0 : i32
        %dma_wait3A_374 = arith.constant 0 : i32
        %dma_wait3A_375 = tpu.memref_slice %arg9[%dma_wait3A_373, %dma_wait3A_374] : memref<10016x128xf32, #tpu.memory_space<vmem_shared>> -> memref<10016x128xf32, #tpu.memory_space<vmem_shared>>
        tpu.wait_indirect_dma semaphore(%arg15 : memref<!tpu.dma_semaphore, #tpu.memory_space<semaphore_mem>>) src(%dma_wait3A_369 : memref<128x128xf32, #tpu.memory_space<vmem>>) dst(%dma_wait3A_375 : memref<10016x128xf32, #tpu.memory_space<vmem_shared>>)
      } else {
      }
      %add3A_350 = arith.constant 3 : i32
      %add3A_351 = arith.addi %add3A_319, %add3A_350 : i32
      %lt3A_352 = arith.constant 80 : i32
      %lt3A_353 = arith.cmpi slt, %add3A_351, %lt3A_352 : i32
      %convert_element_type3A_354 = arith.extui %lt3A_353 : i1 to i32
      %cond3A_355 = arith.constant 0 : i32
      %cond3A_356 = arith.cmpi ne, %convert_element_type3A_354, %cond3A_355 : i32
      scf.if %cond3A_356 {
        %add3A_364 = arith.constant 3 : i32
        %add3A_365 = arith.addi %add3A_319, %add3A_364 : i32
        %rem3A_366 = arith.constant 4 : i32
        %rem3A_367 = arith.remsi %add3A_365, %rem3A_366 : i32
        %mul3A_368 = arith.constant 80 : i32
        %mul3A_369 = arith.muli %arg1, %mul3A_368 : i32
        %add3A_370 = arith.addi %mul3A_369, %add3A_365 : i32
        %dma_start3A_371 = arith.constant 0 : i32
        %dma_start3A_372 = tpu.memref_slice %arg11[%rem3A_367, %dma_start3A_371] : memref<4x128xi32, #tpu.memory_space<vmem>> -> memref<1x128xi32, #tpu.memory_space<vmem>>
        %dma_start3A_373 = tpu.memref_squeeze %dma_start3A_372 : memref<1x128xi32, #tpu.memory_space<vmem>> -> memref<128xi32, #tpu.memory_space<vmem>>
        %dma_start3A_374 = arith.constant 0 : i32
        %dma_start3A_375 = tpu.memref_slice %arg3[%add3A_7, %add3A_370, %dma_start3A_374] : memref<2x1280x128xi32, #tpu.memory_space<hbm>> -> memref<1x1x128xi32, #tpu.memory_space<hbm>>
        %dma_start3A_376 = tpu.memref_squeeze %dma_start3A_375 : memref<1x1x128xi32, #tpu.memory_space<hbm>> -> memref<128xi32, #tpu.memory_space<hbm>>
        %dma_start3A_377 = arith.constant 0 : i32
        %dma_start3A_378 = tpu.memref_slice %arg11[%rem3A_367, %dma_start3A_377] : memref<4x128xi32, #tpu.memory_space<vmem>> -> memref<1x128xi32, #tpu.memory_space<vmem>>
        %dma_start3A_379 = tpu.memref_squeeze %dma_start3A_378 : memref<1x128xi32, #tpu.memory_space<vmem>> -> memref<128xi32, #tpu.memory_space<vmem>>
        %dma_start3A_380 = arith.constant 0 : i32
        %dma_start3A_381 = tpu.memref_slice %arg3[%add3A_7, %add3A_370, %dma_start3A_380] : memref<2x1280x128xi32, #tpu.memory_space<hbm>> -> memref<1x1x128xi32, #tpu.memory_space<hbm>>
        %dma_start3A_382 = tpu.memref_squeeze %dma_start3A_381 : memref<1x1x128xi32, #tpu.memory_space<hbm>> -> memref<128xi32, #tpu.memory_space<hbm>>
        tpu.enqueue_dma source(%dma_start3A_382 : memref<128xi32, #tpu.memory_space<hbm>>) target(%dma_start3A_379 : memref<128xi32, #tpu.memory_space<vmem>>) target_semaphore(%arg13 : memref<!tpu.dma_semaphore, #tpu.memory_space<semaphore_mem>>)
        %mul3A_383 = arith.constant 80 : i32
        %mul3A_384 = arith.muli %arg1, %mul3A_383 : i32
        %add3A_385 = arith.addi %mul3A_384, %add3A_365 : i32
        %dma_start3A_386 = arith.constant 0 : i32
        %dma_start3A_387 = tpu.memref_slice %arg12[%rem3A_367, %dma_start3A_386] : memref<4x128xi32, #tpu.memory_space<vmem>> -> memref<1x128xi32, #tpu.memory_space<vmem>>
        %dma_start3A_388 = tpu.memref_squeeze %dma_start3A_387 : memref<1x128xi32, #tpu.memory_space<vmem>> -> memref<128xi32, #tpu.memory_space<vmem>>
        %dma_start3A_389 = arith.constant 0 : i32
        %dma_start3A_390 = tpu.memref_slice %arg4[%add3A_385, %dma_start3A_389] : memref<1280x128xi32, #tpu.memory_space<hbm>> -> memref<1x128xi32, #tpu.memory_space<hbm>>
        %dma_start3A_391 = tpu.memref_squeeze %dma_start3A_390 : memref<1x128xi32, #tpu.memory_space<hbm>> -> memref<128xi32, #tpu.memory_space<hbm>>
        %dma_start3A_392 = arith.constant 0 : i32
        %dma_start3A_393 = tpu.memref_slice %arg12[%rem3A_367, %dma_start3A_392] : memref<4x128xi32, #tpu.memory_space<vmem>> -> memref<1x128xi32, #tpu.memory_space<vmem>>
        %dma_start3A_394 = tpu.memref_squeeze %dma_start3A_393 : memref<1x128xi32, #tpu.memory_space<vmem>> -> memref<128xi32, #tpu.memory_space<vmem>>
        %dma_start3A_395 = arith.constant 0 : i32
        %dma_start3A_396 = tpu.memref_slice %arg4[%add3A_385, %dma_start3A_395] : memref<1280x128xi32, #tpu.memory_space<hbm>> -> memref<1x128xi32, #tpu.memory_space<hbm>>
        %dma_start3A_397 = tpu.memref_squeeze %dma_start3A_396 : memref<1x128xi32, #tpu.memory_space<hbm>> -> memref<128xi32, #tpu.memory_space<hbm>>
        tpu.enqueue_dma source(%dma_start3A_397 : memref<128xi32, #tpu.memory_space<hbm>>) target(%dma_start3A_394 : memref<128xi32, #tpu.memory_space<vmem>>) target_semaphore(%arg13 : memref<!tpu.dma_semaphore, #tpu.memory_space<semaphore_mem>>)
      } else {
      }
      %add3A_357 = arith.constant 2 : i32
      %add3A_358 = arith.addi %add3A_319, %add3A_357 : i32
      %lt3A_359 = arith.constant 80 : i32
      %lt3A_360 = arith.cmpi slt, %add3A_358, %lt3A_359 : i32
      %convert_element_type3A_361 = arith.extui %lt3A_360 : i1 to i32
      %cond3A_362 = arith.constant 0 : i32
      %cond3A_363 = arith.cmpi ne, %convert_element_type3A_361, %cond3A_362 : i32
      scf.if %cond3A_363 {
        %dma_wait3A_364 = arith.constant 0 : i32
        %dma_wait3A_365 = arith.constant 0 : i32
        %dma_wait3A_366 = arith.constant 0 : i32
        %dma_wait3A_367 = tpu.memref_slice %arg12[%dma_wait3A_365, %dma_wait3A_366] : memref<4x128xi32, #tpu.memory_space<vmem>> -> memref<1x128xi32, #tpu.memory_space<vmem>>
        %dma_wait3A_368 = tpu.memref_squeeze %dma_wait3A_367 : memref<1x128xi32, #tpu.memory_space<vmem>> -> memref<128xi32, #tpu.memory_space<vmem>>
        %dma_wait3A_369 = arith.constant 0 : i32
        %dma_wait3A_370 = tpu.memref_slice %arg4[%dma_wait3A_364, %dma_wait3A_369] : memref<1280x128xi32, #tpu.memory_space<hbm>> -> memref<1x128xi32, #tpu.memory_space<hbm>>
        %dma_wait3A_371 = tpu.memref_squeeze %dma_wait3A_370 : memref<1x128xi32, #tpu.memory_space<hbm>> -> memref<128xi32, #tpu.memory_space<hbm>>
        %dma_wait3A_372 = arith.constant 0 : i32
        %dma_wait3A_373 = tpu.memref_slice %arg12[%dma_wait3A_365, %dma_wait3A_372] : memref<4x128xi32, #tpu.memory_space<vmem>> -> memref<1x128xi32, #tpu.memory_space<vmem>>
        %dma_wait3A_374 = tpu.memref_squeeze %dma_wait3A_373 : memref<1x128xi32, #tpu.memory_space<vmem>> -> memref<128xi32, #tpu.memory_space<vmem>>
        %dma_wait3A_375 = arith.constant 0 : i32
        %dma_wait3A_376 = tpu.memref_slice %arg4[%dma_wait3A_364, %dma_wait3A_375] : memref<1280x128xi32, #tpu.memory_space<hbm>> -> memref<1x128xi32, #tpu.memory_space<hbm>>
        %dma_wait3A_377 = tpu.memref_squeeze %dma_wait3A_376 : memref<1x128xi32, #tpu.memory_space<hbm>> -> memref<128xi32, #tpu.memory_space<hbm>>
        tpu.wait_dma2 semaphore(%arg13 : memref<!tpu.dma_semaphore, #tpu.memory_space<semaphore_mem>>) src(%dma_wait3A_377 : memref<128xi32, #tpu.memory_space<hbm>>) dst(%dma_wait3A_374 : memref<128xi32, #tpu.memory_space<vmem>>)
        %dma_wait3A_378 = arith.constant 0 : i32
        %dma_wait3A_379 = arith.constant 0 : i32
        %dma_wait3A_380 = arith.constant 0 : i32
        %dma_wait3A_381 = tpu.memref_slice %arg12[%dma_wait3A_379, %dma_wait3A_380] : memref<4x128xi32, #tpu.memory_space<vmem>> -> memref<1x128xi32, #tpu.memory_space<vmem>>
        %dma_wait3A_382 = tpu.memref_squeeze %dma_wait3A_381 : memref<1x128xi32, #tpu.memory_space<vmem>> -> memref<128xi32, #tpu.memory_space<vmem>>
        %dma_wait3A_383 = arith.constant 0 : i32
        %dma_wait3A_384 = tpu.memref_slice %arg4[%dma_wait3A_378, %dma_wait3A_383] : memref<1280x128xi32, #tpu.memory_space<hbm>> -> memref<1x128xi32, #tpu.memory_space<hbm>>
        %dma_wait3A_385 = tpu.memref_squeeze %dma_wait3A_384 : memref<1x128xi32, #tpu.memory_space<hbm>> -> memref<128xi32, #tpu.memory_space<hbm>>
        %dma_wait3A_386 = arith.constant 0 : i32
        %dma_wait3A_387 = tpu.memref_slice %arg12[%dma_wait3A_379, %dma_wait3A_386] : memref<4x128xi32, #tpu.memory_space<vmem>> -> memref<1x128xi32, #tpu.memory_space<vmem>>
        %dma_wait3A_388 = tpu.memref_squeeze %dma_wait3A_387 : memref<1x128xi32, #tpu.memory_space<vmem>> -> memref<128xi32, #tpu.memory_space<vmem>>
        %dma_wait3A_389 = arith.constant 0 : i32
        %dma_wait3A_390 = tpu.memref_slice %arg4[%dma_wait3A_378, %dma_wait3A_389] : memref<1280x128xi32, #tpu.memory_space<hbm>> -> memref<1x128xi32, #tpu.memory_space<hbm>>
        %dma_wait3A_391 = tpu.memref_squeeze %dma_wait3A_390 : memref<1x128xi32, #tpu.memory_space<hbm>> -> memref<128xi32, #tpu.memory_space<hbm>>
        tpu.wait_dma2 semaphore(%arg13 : memref<!tpu.dma_semaphore, #tpu.memory_space<semaphore_mem>>) src(%dma_wait3A_391 : memref<128xi32, #tpu.memory_space<hbm>>) dst(%dma_wait3A_388 : memref<128xi32, #tpu.memory_space<vmem>>)
        %add3A_392 = arith.constant 2 : i32
        %add3A_393 = arith.addi %add3A_319, %add3A_392 : i32
        %rem3A_394 = arith.constant 4 : i32
        %rem3A_395 = arith.remsi %add3A_393, %rem3A_394 : i32
        %rem3A_396 = arith.constant 3 : i32
        %rem3A_397 = arith.remsi %add3A_393, %rem3A_396 : i32
        %dma_start3A_398 = arith.constant 0 : i32
        %dma_start3A_399 = arith.constant 0 : i32
        %dma_start3A_400 = tpu.memref_slice %arg10[%rem3A_397, %dma_start3A_398, %dma_start3A_399] : memref<3x128x128xf32, #tpu.memory_space<vmem>> -> memref<1x128x128xf32, #tpu.memory_space<vmem>>
        %dma_start3A_401 = tpu.memref_squeeze %dma_start3A_400 : memref<1x128x128xf32, #tpu.memory_space<vmem>> -> memref<128x128xf32, #tpu.memory_space<vmem>>
        %dma_start3A_402 = arith.constant 0 : i32
        %dma_start3A_403 = tpu.memref_slice %arg11[%rem3A_395, %dma_start3A_402] : memref<4x128xi32, #tpu.memory_space<vmem>> -> memref<1x128xi32, #tpu.memory_space<vmem>>
        %dma_start3A_404 = tpu.memref_squeeze %dma_start3A_403 : memref<1x128xi32, #tpu.memory_space<vmem>> -> memref<128xi32, #tpu.memory_space<vmem>>
        %dma_start3A_405 = arith.constant 0 : i32
        %dma_start3A_406 = arith.constant 0 : i32
        %dma_start3A_407 = tpu.memref_slice %arg2[%dma_start3A_405, %dma_start3A_406] : memref<20000x128xf32, #tpu.memory_space<hbm>> -> memref<20000x128xf32, #tpu.memory_space<hbm>>
        tpu.enqueue_indirect_dma source(%dma_start3A_407 : memref<20000x128xf32, #tpu.memory_space<hbm>>) target(%dma_start3A_401 : memref<128x128xf32, #tpu.memory_space<vmem>>) offsets(%dma_start3A_404 : memref<128xi32, #tpu.memory_space<vmem>>) semaphore(%arg14 : memref<!tpu.dma_semaphore, #tpu.memory_space<semaphore_mem>>)
      } else {
      }
    }
    %scan3A_201 = arith.constant 80 : i32
    %dma_wait3A_202 = arith.constant 0 : i32
    %dma_wait3A_203 = arith.constant 0 : i32
    %dma_wait3A_204 = arith.constant 0 : i32
    %dma_wait3A_205 = arith.constant 0 : i32
    %dma_wait3A_206 = tpu.memref_slice %arg10[%dma_wait3A_202, %dma_wait3A_204, %dma_wait3A_205] : memref<3x128x128xf32, #tpu.memory_space<vmem>> -> memref<1x128x128xf32, #tpu.memory_space<vmem>>
    %dma_wait3A_207 = tpu.memref_squeeze %dma_wait3A_206 : memref<1x128x128xf32, #tpu.memory_space<vmem>> -> memref<128x128xf32, #tpu.memory_space<vmem>>
    %dma_wait3A_208 = arith.constant 0 : i32
    %dma_wait3A_209 = tpu.memref_slice %arg12[%dma_wait3A_203, %dma_wait3A_208] : memref<4x128xi32, #tpu.memory_space<vmem>> -> memref<1x128xi32, #tpu.memory_space<vmem>>
    %dma_wait3A_210 = tpu.memref_squeeze %dma_wait3A_209 : memref<1x128xi32, #tpu.memory_space<vmem>> -> memref<128xi32, #tpu.memory_space<vmem>>
    %dma_wait3A_211 = arith.constant 0 : i32
    %dma_wait3A_212 = arith.constant 0 : i32
    %dma_wait3A_213 = tpu.memref_slice %arg9[%dma_wait3A_211, %dma_wait3A_212] : memref<10016x128xf32, #tpu.memory_space<vmem_shared>> -> memref<10016x128xf32, #tpu.memory_space<vmem_shared>>
    tpu.wait_indirect_dma semaphore(%arg15 : memref<!tpu.dma_semaphore, #tpu.memory_space<semaphore_mem>>) src(%dma_wait3A_207 : memref<128x128xf32, #tpu.memory_space<vmem>>) dst(%dma_wait3A_213 : memref<10016x128xf32, #tpu.memory_space<vmem_shared>>)
    %barrier3A_214 = arith.constant 0 : index
    tpu.barrier barrier_id(%barrier3A_214)
    %lt3A_215 = arith.constant 15 : i32
    %lt3A_216 = arith.cmpi slt, %arg1, %lt3A_215 : i32
    %convert_element_type3A_217 = arith.extui %lt3A_216 : i1 to i32
    %cond3A_218 = arith.constant 0 : i32
    %cond3A_219 = arith.cmpi ne, %convert_element_type3A_217, %cond3A_218 : i32
    scf.if %cond3A_219 {
      %mul3A_315 = arith.constant 632 : i32
      %mul3A_316 = arith.muli %arg1, %mul3A_315 : i32
      %mul3A_317 = arith.constant 632 : i32
      %mul3A_318 = arith.muli %arg1, %mul3A_317 : i32
      "tpu.region"() ({
        %run_scoped3A_319 = tpu.sem_alloc : memref<!tpu.dma_semaphore, #tpu.memory_space<semaphore_mem>>
        %dma_start3A_320 = arith.constant 0 : i32
        %dma_start3A_321 = tpu.memref_slice %arg7[%add3A_7, %mul3A_318, %dma_start3A_320] : memref<2x10016x128xf32, #tpu.memory_space<hbm>> -> memref<1x632x128xf32, #tpu.memory_space<hbm>>
        %dma_start3A_322 = tpu.memref_squeeze %dma_start3A_321 : memref<1x632x128xf32, #tpu.memory_space<hbm>> -> memref<632x128xf32, #tpu.memory_space<hbm>>
        %dma_start3A_323 = arith.constant 0 : i32
        %dma_start3A_324 = tpu.memref_slice %arg9[%mul3A_316, %dma_start3A_323] : memref<10016x128xf32, #tpu.memory_space<vmem_shared>> -> memref<632x128xf32, #tpu.memory_space<vmem_shared>>
        tpu.enqueue_dma source(%dma_start3A_324 : memref<632x128xf32, #tpu.memory_space<vmem_shared>>) target(%dma_start3A_322 : memref<632x128xf32, #tpu.memory_space<hbm>>) target_semaphore(%run_scoped3A_319 : memref<!tpu.dma_semaphore, #tpu.memory_space<semaphore_mem>>)
        %dma_wait3A_325 = arith.constant 0 : i32
        %dma_wait3A_326 = tpu.memref_slice %arg7[%add3A_7, %mul3A_318, %dma_wait3A_325] : memref<2x10016x128xf32, #tpu.memory_space<hbm>> -> memref<1x632x128xf32, #tpu.memory_space<hbm>>
        %dma_wait3A_327 = tpu.memref_squeeze %dma_wait3A_326 : memref<1x632x128xf32, #tpu.memory_space<hbm>> -> memref<632x128xf32, #tpu.memory_space<hbm>>
        %dma_wait3A_328 = arith.constant 0 : i32
        %dma_wait3A_329 = tpu.memref_slice %arg9[%mul3A_316, %dma_wait3A_328] : memref<10016x128xf32, #tpu.memory_space<vmem_shared>> -> memref<632x128xf32, #tpu.memory_space<vmem_shared>>
        tpu.wait_dma2 semaphore(%run_scoped3A_319 : memref<!tpu.dma_semaphore, #tpu.memory_space<semaphore_mem>>) src(%dma_wait3A_329 : memref<632x128xf32, #tpu.memory_space<vmem_shared>>) dst(%dma_wait3A_327 : memref<632x128xf32, #tpu.memory_space<hbm>>)
        tpu.yield
      }) : () -> ()
    } else {
    }
    %eq3A_220 = arith.constant 15 : i32
    %eq3A_221 = arith.cmpi eq, %arg1, %eq3A_220 : i32
    %convert_element_type3A_222 = arith.extui %eq3A_221 : i1 to i32
    %cond3A_223 = arith.constant 0 : i32
    %cond3A_224 = arith.cmpi ne, %convert_element_type3A_222, %cond3A_223 : i32
    scf.if %cond3A_224 {
      %mul3A_315 = arith.constant 632 : i32
      %mul3A_316 = arith.muli %arg1, %mul3A_315 : i32
      %mul3A_317 = arith.constant 632 : i32
      %mul3A_318 = arith.muli %arg1, %mul3A_317 : i32
      "tpu.region"() ({
        %run_scoped3A_319 = tpu.sem_alloc : memref<!tpu.dma_semaphore, #tpu.memory_space<semaphore_mem>>
        %dma_start3A_320 = arith.constant 0 : i32
        %dma_start3A_321 = tpu.memref_slice %arg7[%add3A_7, %mul3A_318, %dma_start3A_320] : memref<2x10016x128xf32, #tpu.memory_space<hbm>> -> memref<1x536x128xf32, #tpu.memory_space<hbm>>
        %dma_start3A_322 = tpu.memref_squeeze %dma_start3A_321 : memref<1x536x128xf32, #tpu.memory_space<hbm>> -> memref<536x128xf32, #tpu.memory_space<hbm>>
        %dma_start3A_323 = arith.constant 0 : i32
        %dma_start3A_324 = tpu.memref_slice %arg9[%mul3A_316, %dma_start3A_323] : memref<10016x128xf32, #tpu.memory_space<vmem_shared>> -> memref<536x128xf32, #tpu.memory_space<vmem_shared>>
        tpu.enqueue_dma source(%dma_start3A_324 : memref<536x128xf32, #tpu.memory_space<vmem_shared>>) target(%dma_start3A_322 : memref<536x128xf32, #tpu.memory_space<hbm>>) target_semaphore(%run_scoped3A_319 : memref<!tpu.dma_semaphore, #tpu.memory_space<semaphore_mem>>)
        %dma_wait3A_325 = arith.constant 0 : i32
        %dma_wait3A_326 = tpu.memref_slice %arg7[%add3A_7, %mul3A_318, %dma_wait3A_325] : memref<2x10016x128xf32, #tpu.memory_space<hbm>> -> memref<1x536x128xf32, #tpu.memory_space<hbm>>
        %dma_wait3A_327 = tpu.memref_squeeze %dma_wait3A_326 : memref<1x536x128xf32, #tpu.memory_space<hbm>> -> memref<536x128xf32, #tpu.memory_space<hbm>>
        %dma_wait3A_328 = arith.constant 0 : i32
        %dma_wait3A_329 = tpu.memref_slice %arg9[%mul3A_316, %dma_wait3A_328] : memref<10016x128xf32, #tpu.memory_space<vmem_shared>> -> memref<536x128xf32, #tpu.memory_space<vmem_shared>>
        tpu.wait_dma2 semaphore(%run_scoped3A_319 : memref<!tpu.dma_semaphore, #tpu.memory_space<semaphore_mem>>) src(%dma_wait3A_329 : memref<536x128xf32, #tpu.memory_space<vmem_shared>>) dst(%dma_wait3A_327 : memref<536x128xf32, #tpu.memory_space<hbm>>)
        tpu.yield
      }) : () -> ()
    } else {
    }
    %lt3A_225 = arith.constant 15 : i32
    %lt3A_226 = arith.cmpi slt, %arg1, %lt3A_225 : i32
    %convert_element_type3A_227 = arith.extui %lt3A_226 : i1 to i32
    %cond3A_228 = arith.constant 0 : i32
    %cond3A_229 = arith.cmpi ne, %convert_element_type3A_227, %cond3A_228 : i32
    scf.if %cond3A_229 {
      %mul3A_315 = arith.constant 632 : i32
      %mul3A_316 = arith.muli %arg1, %mul3A_315 : i32
      "tpu.region"() ({
        %run_scoped3A_317 = tpu.sem_alloc : memref<!tpu.dma_semaphore, #tpu.memory_space<semaphore_mem>>
        %dma_start3A_318 = arith.constant 0 : i32
        %dma_start3A_319 = tpu.memref_slice %arg9[%mul3A_316, %dma_start3A_318] : memref<10016x128xf32, #tpu.memory_space<vmem_shared>> -> memref<632x128xf32, #tpu.memory_space<vmem_shared>>
        %dma_start3A_320 = arith.constant 0 : i32
        %dma_start3A_321 = arith.constant 0 : i32
        %dma_start3A_322 = tpu.memref_slice %arg5[%dma_start3A_320, %dma_start3A_321] : memref<632x128xf32, #tpu.memory_space<hbm>> -> memref<632x128xf32, #tpu.memory_space<hbm>>
        tpu.enqueue_dma source(%dma_start3A_322 : memref<632x128xf32, #tpu.memory_space<hbm>>) target(%dma_start3A_319 : memref<632x128xf32, #tpu.memory_space<vmem_shared>>) target_semaphore(%run_scoped3A_317 : memref<!tpu.dma_semaphore, #tpu.memory_space<semaphore_mem>>)
        %dma_wait3A_323 = arith.constant 0 : i32
        %dma_wait3A_324 = tpu.memref_slice %arg9[%mul3A_316, %dma_wait3A_323] : memref<10016x128xf32, #tpu.memory_space<vmem_shared>> -> memref<632x128xf32, #tpu.memory_space<vmem_shared>>
        %dma_wait3A_325 = arith.constant 0 : i32
        %dma_wait3A_326 = arith.constant 0 : i32
        %dma_wait3A_327 = tpu.memref_slice %arg5[%dma_wait3A_325, %dma_wait3A_326] : memref<632x128xf32, #tpu.memory_space<hbm>> -> memref<632x128xf32, #tpu.memory_space<hbm>>
        tpu.wait_dma2 semaphore(%run_scoped3A_317 : memref<!tpu.dma_semaphore, #tpu.memory_space<semaphore_mem>>) src(%dma_wait3A_327 : memref<632x128xf32, #tpu.memory_space<hbm>>) dst(%dma_wait3A_324 : memref<632x128xf32, #tpu.memory_space<vmem_shared>>)
        tpu.yield
      }) : () -> ()
    } else {
    }
    %eq3A_230 = arith.constant 15 : i32
    %eq3A_231 = arith.cmpi eq, %arg1, %eq3A_230 : i32
    %convert_element_type3A_232 = arith.extui %eq3A_231 : i1 to i32
    %cond3A_233 = arith.constant 0 : i32
    %cond3A_234 = arith.cmpi ne, %convert_element_type3A_232, %cond3A_233 : i32
    scf.if %cond3A_234 {
      %mul3A_315 = arith.constant 632 : i32
      %mul3A_316 = arith.muli %arg1, %mul3A_315 : i32
      "tpu.region"() ({
        %run_scoped3A_317 = tpu.sem_alloc : memref<!tpu.dma_semaphore, #tpu.memory_space<semaphore_mem>>
        %dma_start3A_318 = arith.constant 0 : i32
        %dma_start3A_319 = tpu.memref_slice %arg9[%mul3A_316, %dma_start3A_318] : memref<10016x128xf32, #tpu.memory_space<vmem_shared>> -> memref<536x128xf32, #tpu.memory_space<vmem_shared>>
        %dma_start3A_320 = arith.constant 0 : i32
        %dma_start3A_321 = arith.constant 0 : i32
        %dma_start3A_322 = tpu.memref_slice %arg5[%dma_start3A_320, %dma_start3A_321] : memref<632x128xf32, #tpu.memory_space<hbm>> -> memref<536x128xf32, #tpu.memory_space<hbm>>
        tpu.enqueue_dma source(%dma_start3A_322 : memref<536x128xf32, #tpu.memory_space<hbm>>) target(%dma_start3A_319 : memref<536x128xf32, #tpu.memory_space<vmem_shared>>) target_semaphore(%run_scoped3A_317 : memref<!tpu.dma_semaphore, #tpu.memory_space<semaphore_mem>>)
        %dma_wait3A_323 = arith.constant 0 : i32
        %dma_wait3A_324 = tpu.memref_slice %arg9[%mul3A_316, %dma_wait3A_323] : memref<10016x128xf32, #tpu.memory_space<vmem_shared>> -> memref<536x128xf32, #tpu.memory_space<vmem_shared>>
        %dma_wait3A_325 = arith.constant 0 : i32
        %dma_wait3A_326 = arith.constant 0 : i32
        %dma_wait3A_327 = tpu.memref_slice %arg5[%dma_wait3A_325, %dma_wait3A_326] : memref<632x128xf32, #tpu.memory_space<hbm>> -> memref<536x128xf32, #tpu.memory_space<hbm>>
        tpu.wait_dma2 semaphore(%run_scoped3A_317 : memref<!tpu.dma_semaphore, #tpu.memory_space<semaphore_mem>>) src(%dma_wait3A_327 : memref<536x128xf32, #tpu.memory_space<hbm>>) dst(%dma_wait3A_324 : memref<536x128xf32, #tpu.memory_space<vmem_shared>>)
        tpu.yield
      }) : () -> ()
    } else {
    }
    %barrier3A_235 = arith.constant 0 : index
    tpu.barrier barrier_id(%barrier3A_235)
    %mul3A_236 = arith.constant 16 : i32
    %mul3A_237 = arith.muli %arg0, %mul3A_236 : i32
    %add3A_238 = arith.addi %mul3A_237, %arg1 : i32
    %mul3A_239 = arith.constant 40 : i32
    %mul3A_240 = arith.muli %add3A_238, %mul3A_239 : i32
    %run_scoped3A = arith.constant 0 : i32
    "tpu.region"() ({
      %run_scoped3A_315 = tpu.sem_alloc : memref<!tpu.dma_semaphore, #tpu.memory_space<semaphore_mem>>
      %dma_start3A_316 = arith.constant 0 : i32
      %dma_start3A_317 = arith.constant 0 : i32
      %dma_start3A_318 = tpu.memref_slice %arg10[%run_scoped3A, %dma_start3A_316, %dma_start3A_317] : memref<3x128x128xf32, #tpu.memory_space<vmem>> -> memref<1x128x128xf32, #tpu.memory_space<vmem>>
      %dma_start3A_319 = tpu.memref_squeeze %dma_start3A_318 : memref<1x128x128xf32, #tpu.memory_space<vmem>> -> memref<128x128xf32, #tpu.memory_space<vmem>>
      %dma_start3A_320 = arith.constant 0 : i32
      %dma_start3A_321 = arith.constant 0 : i32
      %dma_start3A_322 = tpu.memref_slice %arg10[%run_scoped3A, %dma_start3A_320, %dma_start3A_321] : memref<3x128x128xf32, #tpu.memory_space<vmem>> -> memref<1x128x128xf32, #tpu.memory_space<vmem>>
      %dma_start3A_323 = tpu.memref_squeeze %dma_start3A_322 : memref<1x128x128xf32, #tpu.memory_space<vmem>> -> memref<128x128xf32, #tpu.memory_space<vmem>>
      tpu.enqueue_dma source(%arg6 : memref<128x128xf32, #tpu.memory_space<hbm>>) target(%dma_start3A_323 : memref<128x128xf32, #tpu.memory_space<vmem>>) target_semaphore(%run_scoped3A_315 : memref<!tpu.dma_semaphore, #tpu.memory_space<semaphore_mem>>)
      %dma_wait3A_324 = arith.constant 0 : i32
      %dma_wait3A_325 = arith.constant 0 : i32
      %dma_wait3A_326 = tpu.memref_slice %arg10[%run_scoped3A, %dma_wait3A_324, %dma_wait3A_325] : memref<3x128x128xf32, #tpu.memory_space<vmem>> -> memref<1x128x128xf32, #tpu.memory_space<vmem>>
      %dma_wait3A_327 = tpu.memref_squeeze %dma_wait3A_326 : memref<1x128x128xf32, #tpu.memory_space<vmem>> -> memref<128x128xf32, #tpu.memory_space<vmem>>
      %dma_wait3A_328 = arith.constant 0 : i32
      %dma_wait3A_329 = arith.constant 0 : i32
      %dma_wait3A_330 = tpu.memref_slice %arg10[%run_scoped3A, %dma_wait3A_328, %dma_wait3A_329] : memref<3x128x128xf32, #tpu.memory_space<vmem>> -> memref<1x128x128xf32, #tpu.memory_space<vmem>>
      %dma_wait3A_331 = tpu.memref_squeeze %dma_wait3A_330 : memref<1x128x128xf32, #tpu.memory_space<vmem>> -> memref<128x128xf32, #tpu.memory_space<vmem>>
      tpu.wait_dma2 semaphore(%run_scoped3A_315 : memref<!tpu.dma_semaphore, #tpu.memory_space<semaphore_mem>>) src(%arg6 : memref<128x128xf32, #tpu.memory_space<hbm>>) dst(%dma_wait3A_331 : memref<128x128xf32, #tpu.memory_space<vmem>>)
      tpu.yield
    }) : () -> ()
    %add3A_241 = arith.constant 0 : i32
    %add3A_242 = arith.addi %mul3A_240, %add3A_241 : i32
    %rem3A_243 = arith.constant 0 : i32
    %rem3A_244 = arith.constant 4 : i32
    %rem3A_245 = arith.remsi %rem3A_243, %rem3A_244 : i32
    %dma_start3A_246 = arith.constant 0 : i32
    %dma_start3A_247 = tpu.memref_slice %arg12[%rem3A_245, %dma_start3A_246] : memref<4x128xi32, #tpu.memory_space<vmem>> -> memref<1x128xi32, #tpu.memory_space<vmem>>
    %dma_start3A_248 = tpu.memref_squeeze %dma_start3A_247 : memref<1x128xi32, #tpu.memory_space<vmem>> -> memref<128xi32, #tpu.memory_space<vmem>>
    %dma_start3A_249 = arith.constant 0 : i32
    %dma_start3A_250 = tpu.memref_slice %arg4[%add3A_242, %dma_start3A_249] : memref<1280x128xi32, #tpu.memory_space<hbm>> -> memref<1x128xi32, #tpu.memory_space<hbm>>
    %dma_start3A_251 = tpu.memref_squeeze %dma_start3A_250 : memref<1x128xi32, #tpu.memory_space<hbm>> -> memref<128xi32, #tpu.memory_space<hbm>>
    %dma_start3A_252 = arith.constant 0 : i32
    %dma_start3A_253 = tpu.memref_slice %arg12[%rem3A_245, %dma_start3A_252] : memref<4x128xi32, #tpu.memory_space<vmem>> -> memref<1x128xi32, #tpu.memory_space<vmem>>
    %dma_start3A_254 = tpu.memref_squeeze %dma_start3A_253 : memref<1x128xi32, #tpu.memory_space<vmem>> -> memref<128xi32, #tpu.memory_space<vmem>>
    %dma_start3A_255 = arith.constant 0 : i32
    %dma_start3A_256 = tpu.memref_slice %arg4[%add3A_242, %dma_start3A_255] : memref<1280x128xi32, #tpu.memory_space<hbm>> -> memref<1x128xi32, #tpu.memory_space<hbm>>
    %dma_start3A_257 = tpu.memref_squeeze %dma_start3A_256 : memref<1x128xi32, #tpu.memory_space<hbm>> -> memref<128xi32, #tpu.memory_space<hbm>>
    tpu.enqueue_dma source(%dma_start3A_257 : memref<128xi32, #tpu.memory_space<hbm>>) target(%dma_start3A_254 : memref<128xi32, #tpu.memory_space<vmem>>) target_semaphore(%arg13 : memref<!tpu.dma_semaphore, #tpu.memory_space<semaphore_mem>>)
    %add3A_258 = arith.constant 1 : i32
    %add3A_259 = arith.addi %mul3A_240, %add3A_258 : i32
    %rem3A_260 = arith.constant 1 : i32
    %rem3A_261 = arith.constant 4 : i32
    %rem3A_262 = arith.remsi %rem3A_260, %rem3A_261 : i32
    %dma_start3A_263 = arith.constant 0 : i32
    %dma_start3A_264 = tpu.memref_slice %arg12[%rem3A_262, %dma_start3A_263] : memref<4x128xi32, #tpu.memory_space<vmem>> -> memref<1x128xi32, #tpu.memory_space<vmem>>
    %dma_start3A_265 = tpu.memref_squeeze %dma_start3A_264 : memref<1x128xi32, #tpu.memory_space<vmem>> -> memref<128xi32, #tpu.memory_space<vmem>>
    %dma_start3A_266 = arith.constant 0 : i32
    %dma_start3A_267 = tpu.memref_slice %arg4[%add3A_259, %dma_start3A_266] : memref<1280x128xi32, #tpu.memory_space<hbm>> -> memref<1x128xi32, #tpu.memory_space<hbm>>
    %dma_start3A_268 = tpu.memref_squeeze %dma_start3A_267 : memref<1x128xi32, #tpu.memory_space<hbm>> -> memref<128xi32, #tpu.memory_space<hbm>>
    %dma_start3A_269 = arith.constant 0 : i32
    %dma_start3A_270 = tpu.memref_slice %arg12[%rem3A_262, %dma_start3A_269] : memref<4x128xi32, #tpu.memory_space<vmem>> -> memref<1x128xi32, #tpu.memory_space<vmem>>
    %dma_start3A_271 = tpu.memref_squeeze %dma_start3A_270 : memref<1x128xi32, #tpu.memory_space<vmem>> -> memref<128xi32, #tpu.memory_space<vmem>>
    %dma_start3A_272 = arith.constant 0 : i32
    %dma_start3A_273 = tpu.memref_slice %arg4[%add3A_259, %dma_start3A_272] : memref<1280x128xi32, #tpu.memory_space<hbm>> -> memref<1x128xi32, #tpu.memory_space<hbm>>
    %dma_start3A_274 = tpu.memref_squeeze %dma_start3A_273 : memref<1x128xi32, #tpu.memory_space<hbm>> -> memref<128xi32, #tpu.memory_space<hbm>>
    tpu.enqueue_dma source(%dma_start3A_274 : memref<128xi32, #tpu.memory_space<hbm>>) target(%dma_start3A_271 : memref<128xi32, #tpu.memory_space<vmem>>) target_semaphore(%arg13 : memref<!tpu.dma_semaphore, #tpu.memory_space<semaphore_mem>>)
    %scan3A_275 = arith.constant 0 : i32
    %scan3A_276 = arith.constant 40 : i32
    %scan3A_277 = arith.addi %scan3A_275, %scan3A_276 : i32
    %scan3A_278 = arith.constant 1 : i32
    scf.for %scan3A_315 = %scan3A_275 to %scan3A_277 step %scan3A_278  : i32 {
      %mul3A_316 = arith.constant 1 : i32
      %mul3A_317 = arith.muli %scan3A_315, %mul3A_316 : i32
      %add3A_318 = arith.constant 0 : i32
      %add3A_319 = arith.addi %add3A_318, %mul3A_317 : i32
      %ge3A = arith.constant 2 : i32
      %ge3A_320 = arith.cmpi sge, %add3A_319, %ge3A : i32
      %convert_element_type3A_321 = arith.extui %ge3A_320 : i1 to i32
      %cond3A_322 = arith.constant 0 : i32
      %cond3A_323 = arith.cmpi ne, %convert_element_type3A_321, %cond3A_322 : i32
      scf.if %cond3A_323 {
        %dma_wait3A_358 = arith.constant 0 : i32
        %dma_wait3A_359 = arith.constant 0 : i32
        %dma_wait3A_360 = arith.constant 0 : i32
        %dma_wait3A_361 = arith.constant 0 : i32
        %dma_wait3A_362 = tpu.memref_slice %arg10[%dma_wait3A_358, %dma_wait3A_360, %dma_wait3A_361] : memref<3x128x128xf32, #tpu.memory_space<vmem>> -> memref<1x128x128xf32, #tpu.memory_space<vmem>>
        %dma_wait3A_363 = tpu.memref_squeeze %dma_wait3A_362 : memref<1x128x128xf32, #tpu.memory_space<vmem>> -> memref<128x128xf32, #tpu.memory_space<vmem>>
        %dma_wait3A_364 = arith.constant 0 : i32
        %dma_wait3A_365 = tpu.memref_slice %arg12[%dma_wait3A_359, %dma_wait3A_364] : memref<4x128xi32, #tpu.memory_space<vmem>> -> memref<1x128xi32, #tpu.memory_space<vmem>>
        %dma_wait3A_366 = tpu.memref_squeeze %dma_wait3A_365 : memref<1x128xi32, #tpu.memory_space<vmem>> -> memref<128xi32, #tpu.memory_space<vmem>>
        %dma_wait3A_367 = arith.constant 0 : i32
        %dma_wait3A_368 = arith.constant 0 : i32
        %dma_wait3A_369 = tpu.memref_slice %arg9[%dma_wait3A_367, %dma_wait3A_368] : memref<10016x128xf32, #tpu.memory_space<vmem_shared>> -> memref<10016x128xf32, #tpu.memory_space<vmem_shared>>
        tpu.wait_indirect_dma semaphore(%arg15 : memref<!tpu.dma_semaphore, #tpu.memory_space<semaphore_mem>>) src(%dma_wait3A_363 : memref<128x128xf32, #tpu.memory_space<vmem>>) dst(%dma_wait3A_369 : memref<10016x128xf32, #tpu.memory_space<vmem_shared>>)
      } else {
      }
      %add3A_324 = arith.constant 2 : i32
      %add3A_325 = arith.addi %add3A_319, %add3A_324 : i32
      %lt3A_326 = arith.constant 40 : i32
      %lt3A_327 = arith.cmpi slt, %add3A_325, %lt3A_326 : i32
      %convert_element_type3A_328 = arith.extui %lt3A_327 : i1 to i32
      %cond3A_329 = arith.constant 0 : i32
      %cond3A_330 = arith.cmpi ne, %convert_element_type3A_328, %cond3A_329 : i32
      scf.if %cond3A_330 {
        %add3A_358 = arith.constant 2 : i32
        %add3A_359 = arith.addi %add3A_319, %add3A_358 : i32
        %add3A_360 = arith.addi %mul3A_240, %add3A_359 : i32
        %rem3A_361 = arith.constant 4 : i32
        %rem3A_362 = arith.remsi %add3A_359, %rem3A_361 : i32
        %dma_start3A_363 = arith.constant 0 : i32
        %dma_start3A_364 = tpu.memref_slice %arg12[%rem3A_362, %dma_start3A_363] : memref<4x128xi32, #tpu.memory_space<vmem>> -> memref<1x128xi32, #tpu.memory_space<vmem>>
        %dma_start3A_365 = tpu.memref_squeeze %dma_start3A_364 : memref<1x128xi32, #tpu.memory_space<vmem>> -> memref<128xi32, #tpu.memory_space<vmem>>
        %dma_start3A_366 = arith.constant 0 : i32
        %dma_start3A_367 = tpu.memref_slice %arg4[%add3A_360, %dma_start3A_366] : memref<1280x128xi32, #tpu.memory_space<hbm>> -> memref<1x128xi32, #tpu.memory_space<hbm>>
        %dma_start3A_368 = tpu.memref_squeeze %dma_start3A_367 : memref<1x128xi32, #tpu.memory_space<hbm>> -> memref<128xi32, #tpu.memory_space<hbm>>
        %dma_start3A_369 = arith.constant 0 : i32
        %dma_start3A_370 = tpu.memref_slice %arg12[%rem3A_362, %dma_start3A_369] : memref<4x128xi32, #tpu.memory_space<vmem>> -> memref<1x128xi32, #tpu.memory_space<vmem>>
        %dma_start3A_371 = tpu.memref_squeeze %dma_start3A_370 : memref<1x128xi32, #tpu.memory_space<vmem>> -> memref<128xi32, #tpu.memory_space<vmem>>
        %dma_start3A_372 = arith.constant 0 : i32
        %dma_start3A_373 = tpu.memref_slice %arg4[%add3A_360, %dma_start3A_372] : memref<1280x128xi32, #tpu.memory_space<hbm>> -> memref<1x128xi32, #tpu.memory_space<hbm>>
        %dma_start3A_374 = tpu.memref_squeeze %dma_start3A_373 : memref<1x128xi32, #tpu.memory_space<hbm>> -> memref<128xi32, #tpu.memory_space<hbm>>
        tpu.enqueue_dma source(%dma_start3A_374 : memref<128xi32, #tpu.memory_space<hbm>>) target(%dma_start3A_371 : memref<128xi32, #tpu.memory_space<vmem>>) target_semaphore(%arg13 : memref<!tpu.dma_semaphore, #tpu.memory_space<semaphore_mem>>)
      } else {
      }
      %dma_wait3A_331 = arith.constant 0 : i32
      %dma_wait3A_332 = arith.constant 0 : i32
      %dma_wait3A_333 = arith.constant 0 : i32
      %dma_wait3A_334 = tpu.memref_slice %arg12[%dma_wait3A_332, %dma_wait3A_333] : memref<4x128xi32, #tpu.memory_space<vmem>> -> memref<1x128xi32, #tpu.memory_space<vmem>>
      %dma_wait3A_335 = tpu.memref_squeeze %dma_wait3A_334 : memref<1x128xi32, #tpu.memory_space<vmem>> -> memref<128xi32, #tpu.memory_space<vmem>>
      %dma_wait3A_336 = arith.constant 0 : i32
      %dma_wait3A_337 = tpu.memref_slice %arg4[%dma_wait3A_331, %dma_wait3A_336] : memref<1280x128xi32, #tpu.memory_space<hbm>> -> memref<1x128xi32, #tpu.memory_space<hbm>>
      %dma_wait3A_338 = tpu.memref_squeeze %dma_wait3A_337 : memref<1x128xi32, #tpu.memory_space<hbm>> -> memref<128xi32, #tpu.memory_space<hbm>>
      %dma_wait3A_339 = arith.constant 0 : i32
      %dma_wait3A_340 = tpu.memref_slice %arg12[%dma_wait3A_332, %dma_wait3A_339] : memref<4x128xi32, #tpu.memory_space<vmem>> -> memref<1x128xi32, #tpu.memory_space<vmem>>
      %dma_wait3A_341 = tpu.memref_squeeze %dma_wait3A_340 : memref<1x128xi32, #tpu.memory_space<vmem>> -> memref<128xi32, #tpu.memory_space<vmem>>
      %dma_wait3A_342 = arith.constant 0 : i32
      %dma_wait3A_343 = tpu.memref_slice %arg4[%dma_wait3A_331, %dma_wait3A_342] : memref<1280x128xi32, #tpu.memory_space<hbm>> -> memref<1x128xi32, #tpu.memory_space<hbm>>
      %dma_wait3A_344 = tpu.memref_squeeze %dma_wait3A_343 : memref<1x128xi32, #tpu.memory_space<hbm>> -> memref<128xi32, #tpu.memory_space<hbm>>
      tpu.wait_dma2 semaphore(%arg13 : memref<!tpu.dma_semaphore, #tpu.memory_space<semaphore_mem>>) src(%dma_wait3A_344 : memref<128xi32, #tpu.memory_space<hbm>>) dst(%dma_wait3A_341 : memref<128xi32, #tpu.memory_space<vmem>>)
      %rem3A_345 = arith.constant 4 : i32
      %rem3A_346 = arith.remsi %add3A_319, %rem3A_345 : i32
      %dma_start3A_347 = arith.constant 0 : i32
      %dma_start3A_348 = arith.constant 0 : i32
      %dma_start3A_349 = arith.constant 0 : i32
      %dma_start3A_350 = tpu.memref_slice %arg10[%dma_start3A_347, %dma_start3A_348, %dma_start3A_349] : memref<3x128x128xf32, #tpu.memory_space<vmem>> -> memref<1x128x128xf32, #tpu.memory_space<vmem>>
      %dma_start3A_351 = tpu.memref_squeeze %dma_start3A_350 : memref<1x128x128xf32, #tpu.memory_space<vmem>> -> memref<128x128xf32, #tpu.memory_space<vmem>>
      %dma_start3A_352 = arith.constant 0 : i32
      %dma_start3A_353 = tpu.memref_slice %arg12[%rem3A_346, %dma_start3A_352] : memref<4x128xi32, #tpu.memory_space<vmem>> -> memref<1x128xi32, #tpu.memory_space<vmem>>
      %dma_start3A_354 = tpu.memref_squeeze %dma_start3A_353 : memref<1x128xi32, #tpu.memory_space<vmem>> -> memref<128xi32, #tpu.memory_space<vmem>>
      %dma_start3A_355 = arith.constant 0 : i32
      %dma_start3A_356 = arith.constant 0 : i32
      %dma_start3A_357 = tpu.memref_slice %arg9[%dma_start3A_355, %dma_start3A_356] : memref<10016x128xf32, #tpu.memory_space<vmem_shared>> -> memref<10016x128xf32, #tpu.memory_space<vmem_shared>>
      tpu.enqueue_indirect_dma source(%dma_start3A_351 : memref<128x128xf32, #tpu.memory_space<vmem>>) target(%dma_start3A_357 : memref<10016x128xf32, #tpu.memory_space<vmem_shared>>) offsets(%dma_start3A_354 : memref<128xi32, #tpu.memory_space<vmem>>) semaphore(%arg15 : memref<!tpu.dma_semaphore, #tpu.memory_space<semaphore_mem>>) {add = true}
    }
    %scan3A_279 = arith.constant 40 : i32
    %dma_wait3A_280 = arith.constant 0 : i32
    %dma_wait3A_281 = arith.constant 0 : i32
    %dma_wait3A_282 = arith.constant 0 : i32
    %dma_wait3A_283 = arith.constant 0 : i32
    %dma_wait3A_284 = tpu.memref_slice %arg10[%dma_wait3A_280, %dma_wait3A_282, %dma_wait3A_283] : memref<3x128x128xf32, #tpu.memory_space<vmem>> -> memref<1x128x128xf32, #tpu.memory_space<vmem>>
    %dma_wait3A_285 = tpu.memref_squeeze %dma_wait3A_284 : memref<1x128x128xf32, #tpu.memory_space<vmem>> -> memref<128x128xf32, #tpu.memory_space<vmem>>
    %dma_wait3A_286 = arith.constant 0 : i32
    %dma_wait3A_287 = tpu.memref_slice %arg12[%dma_wait3A_281, %dma_wait3A_286] : memref<4x128xi32, #tpu.memory_space<vmem>> -> memref<1x128xi32, #tpu.memory_space<vmem>>
    %dma_wait3A_288 = tpu.memref_squeeze %dma_wait3A_287 : memref<1x128xi32, #tpu.memory_space<vmem>> -> memref<128xi32, #tpu.memory_space<vmem>>
    %dma_wait3A_289 = arith.constant 0 : i32
    %dma_wait3A_290 = arith.constant 0 : i32
    %dma_wait3A_291 = tpu.memref_slice %arg9[%dma_wait3A_289, %dma_wait3A_290] : memref<10016x128xf32, #tpu.memory_space<vmem_shared>> -> memref<10016x128xf32, #tpu.memory_space<vmem_shared>>
    tpu.wait_indirect_dma semaphore(%arg15 : memref<!tpu.dma_semaphore, #tpu.memory_space<semaphore_mem>>) src(%dma_wait3A_285 : memref<128x128xf32, #tpu.memory_space<vmem>>) dst(%dma_wait3A_291 : memref<10016x128xf32, #tpu.memory_space<vmem_shared>>)
    %dma_wait3A_292 = arith.constant 0 : i32
    %dma_wait3A_293 = arith.constant 0 : i32
    %dma_wait3A_294 = arith.constant 0 : i32
    %dma_wait3A_295 = arith.constant 0 : i32
    %dma_wait3A_296 = tpu.memref_slice %arg10[%dma_wait3A_292, %dma_wait3A_294, %dma_wait3A_295] : memref<3x128x128xf32, #tpu.memory_space<vmem>> -> memref<1x128x128xf32, #tpu.memory_space<vmem>>
    %dma_wait3A_297 = tpu.memref_squeeze %dma_wait3A_296 : memref<1x128x128xf32, #tpu.memory_space<vmem>> -> memref<128x128xf32, #tpu.memory_space<vmem>>
    %dma_wait3A_298 = arith.constant 0 : i32
    %dma_wait3A_299 = tpu.memref_slice %arg12[%dma_wait3A_293, %dma_wait3A_298] : memref<4x128xi32, #tpu.memory_space<vmem>> -> memref<1x128xi32, #tpu.memory_space<vmem>>
    %dma_wait3A_300 = tpu.memref_squeeze %dma_wait3A_299 : memref<1x128xi32, #tpu.memory_space<vmem>> -> memref<128xi32, #tpu.memory_space<vmem>>
    %dma_wait3A_301 = arith.constant 0 : i32
    %dma_wait3A_302 = arith.constant 0 : i32
    %dma_wait3A_303 = tpu.memref_slice %arg9[%dma_wait3A_301, %dma_wait3A_302] : memref<10016x128xf32, #tpu.memory_space<vmem_shared>> -> memref<10016x128xf32, #tpu.memory_space<vmem_shared>>
    tpu.wait_indirect_dma semaphore(%arg15 : memref<!tpu.dma_semaphore, #tpu.memory_space<semaphore_mem>>) src(%dma_wait3A_297 : memref<128x128xf32, #tpu.memory_space<vmem>>) dst(%dma_wait3A_303 : memref<10016x128xf32, #tpu.memory_space<vmem_shared>>)
    %barrier3A_304 = arith.constant 0 : index
    tpu.barrier barrier_id(%barrier3A_304)
    %lt3A_305 = arith.constant 15 : i32
    %lt3A_306 = arith.cmpi slt, %arg1, %lt3A_305 : i32
    %convert_element_type3A_307 = arith.extui %lt3A_306 : i1 to i32
    %cond3A_308 = arith.constant 0 : i32
    %cond3A_309 = arith.cmpi ne, %convert_element_type3A_307, %cond3A_308 : i32
    scf.if %cond3A_309 {
      %mul3A_315 = arith.constant 632 : i32
      %mul3A_316 = arith.muli %arg1, %mul3A_315 : i32
      %mul3A_317 = arith.constant 632 : i32
      %mul3A_318 = arith.muli %arg1, %mul3A_317 : i32
      "tpu.region"() ({
        %run_scoped3A_319 = tpu.sem_alloc : memref<!tpu.dma_semaphore, #tpu.memory_space<semaphore_mem>>
        %dma_start3A_320 = arith.constant 0 : i32
        %dma_start3A_321 = tpu.memref_slice %arg8[%arg0, %mul3A_318, %dma_start3A_320] : memref<2x10016x128xf32, #tpu.memory_space<hbm>> -> memref<1x632x128xf32, #tpu.memory_space<hbm>>
        %dma_start3A_322 = tpu.memref_squeeze %dma_start3A_321 : memref<1x632x128xf32, #tpu.memory_space<hbm>> -> memref<632x128xf32, #tpu.memory_space<hbm>>
        %dma_start3A_323 = arith.constant 0 : i32
        %dma_start3A_324 = tpu.memref_slice %arg9[%mul3A_316, %dma_start3A_323] : memref<10016x128xf32, #tpu.memory_space<vmem_shared>> -> memref<632x128xf32, #tpu.memory_space<vmem_shared>>
        tpu.enqueue_dma source(%dma_start3A_324 : memref<632x128xf32, #tpu.memory_space<vmem_shared>>) target(%dma_start3A_322 : memref<632x128xf32, #tpu.memory_space<hbm>>) target_semaphore(%run_scoped3A_319 : memref<!tpu.dma_semaphore, #tpu.memory_space<semaphore_mem>>)
        %dma_wait3A_325 = arith.constant 0 : i32
        %dma_wait3A_326 = tpu.memref_slice %arg8[%arg0, %mul3A_318, %dma_wait3A_325] : memref<2x10016x128xf32, #tpu.memory_space<hbm>> -> memref<1x632x128xf32, #tpu.memory_space<hbm>>
        %dma_wait3A_327 = tpu.memref_squeeze %dma_wait3A_326 : memref<1x632x128xf32, #tpu.memory_space<hbm>> -> memref<632x128xf32, #tpu.memory_space<hbm>>
        %dma_wait3A_328 = arith.constant 0 : i32
        %dma_wait3A_329 = tpu.memref_slice %arg9[%mul3A_316, %dma_wait3A_328] : memref<10016x128xf32, #tpu.memory_space<vmem_shared>> -> memref<632x128xf32, #tpu.memory_space<vmem_shared>>
        tpu.wait_dma2 semaphore(%run_scoped3A_319 : memref<!tpu.dma_semaphore, #tpu.memory_space<semaphore_mem>>) src(%dma_wait3A_329 : memref<632x128xf32, #tpu.memory_space<vmem_shared>>) dst(%dma_wait3A_327 : memref<632x128xf32, #tpu.memory_space<hbm>>)
        tpu.yield
      }) : () -> ()
    } else {
    }
    %eq3A_310 = arith.constant 15 : i32
    %eq3A_311 = arith.cmpi eq, %arg1, %eq3A_310 : i32
    %convert_element_type3A_312 = arith.extui %eq3A_311 : i1 to i32
    %cond3A_313 = arith.constant 0 : i32
    %cond3A_314 = arith.cmpi ne, %convert_element_type3A_312, %cond3A_313 : i32
    scf.if %cond3A_314 {
      %mul3A_315 = arith.constant 632 : i32
      %mul3A_316 = arith.muli %arg1, %mul3A_315 : i32
      %mul3A_317 = arith.constant 632 : i32
      %mul3A_318 = arith.muli %arg1, %mul3A_317 : i32
      "tpu.region"() ({
        %run_scoped3A_319 = tpu.sem_alloc : memref<!tpu.dma_semaphore, #tpu.memory_space<semaphore_mem>>
        %dma_start3A_320 = arith.constant 0 : i32
        %dma_start3A_321 = tpu.memref_slice %arg8[%arg0, %mul3A_318, %dma_start3A_320] : memref<2x10016x128xf32, #tpu.memory_space<hbm>> -> memref<1x536x128xf32, #tpu.memory_space<hbm>>
        %dma_start3A_322 = tpu.memref_squeeze %dma_start3A_321 : memref<1x536x128xf32, #tpu.memory_space<hbm>> -> memref<536x128xf32, #tpu.memory_space<hbm>>
        %dma_start3A_323 = arith.constant 0 : i32
        %dma_start3A_324 = tpu.memref_slice %arg9[%mul3A_316, %dma_start3A_323] : memref<10016x128xf32, #tpu.memory_space<vmem_shared>> -> memref<536x128xf32, #tpu.memory_space<vmem_shared>>
        tpu.enqueue_dma source(%dma_start3A_324 : memref<536x128xf32, #tpu.memory_space<vmem_shared>>) target(%dma_start3A_322 : memref<536x128xf32, #tpu.memory_space<hbm>>) target_semaphore(%run_scoped3A_319 : memref<!tpu.dma_semaphore, #tpu.memory_space<semaphore_mem>>)
        %dma_wait3A_325 = arith.constant 0 : i32
        %dma_wait3A_326 = tpu.memref_slice %arg8[%arg0, %mul3A_318, %dma_wait3A_325] : memref<2x10016x128xf32, #tpu.memory_space<hbm>> -> memref<1x536x128xf32, #tpu.memory_space<hbm>>
        %dma_wait3A_327 = tpu.memref_squeeze %dma_wait3A_326 : memref<1x536x128xf32, #tpu.memory_space<hbm>> -> memref<536x128xf32, #tpu.memory_space<hbm>>
        %dma_wait3A_328 = arith.constant 0 : i32
        %dma_wait3A_329 = tpu.memref_slice %arg9[%mul3A_316, %dma_wait3A_328] : memref<10016x128xf32, #tpu.memory_space<vmem_shared>> -> memref<536x128xf32, #tpu.memory_space<vmem_shared>>
        tpu.wait_dma2 semaphore(%run_scoped3A_319 : memref<!tpu.dma_semaphore, #tpu.memory_space<semaphore_mem>>) src(%dma_wait3A_329 : memref<536x128xf32, #tpu.memory_space<vmem_shared>>) dst(%dma_wait3A_327 : memref<536x128xf32, #tpu.memory_space<hbm>>)
        tpu.yield
      }) : () -> ()
    } else {
    }
    return
  }
}

#map = affine_map<(d0, d1) -> (0, 0)>
#map1 = affine_map<(d0, d1) -> (0, 0, 0)>
module attributes {stable_mosaic.version = 14 : i64} {
  func.func @body(%arg0: i32, %arg1: i32, %arg2: memref<40000x128xf32, #tpu.memory_space<hbm>>, %arg3: memref<4x1280x128xi32, #tpu.memory_space<hbm>>, %arg4: memref<1280x128xi32, #tpu.memory_space<hbm>>, %arg5: memref<632x128xf32, #tpu.memory_space<hbm>>, %arg6: memref<4x10016x128xf32, #tpu.memory_space<hbm>>, %arg7: memref<10016x128xf32, #tpu.memory_space<vmem_shared>>, %arg8: memref<3x128x128xf32, #tpu.memory_space<vmem>>, %arg9: memref<4x128xi32, #tpu.memory_space<vmem>>, %arg10: memref<4x128xi32, #tpu.memory_space<vmem>>, %arg11: memref<!tpu.dma_semaphore, #tpu.memory_space<semaphore_mem>>, %arg12: memref<!tpu.dma_semaphore, #tpu.memory_space<semaphore_mem>>, %arg13: memref<!tpu.dma_semaphore, #tpu.memory_space<semaphore_mem>>) attributes {dimension_semantics = [#tpu.dimension_semantics<core_parallel>, #tpu.dimension_semantics<subcore_parallel>], iteration_bounds = array<i64: 2, 16>, scalar_prefetch = 0 : i64, scratch_operands = 7 : i64, tpu.core_type = #tpu.core_type<sc_vector_subcore>, window_params = [{transform_indices = #map}, {transform_indices = #map1}, {transform_indices = #map}, {transform_indices = #map}, {transform_indices = #map1}]} {
    %lt3A = arith.constant 15 : i32
    %lt3A_0 = arith.cmpi slt, %arg1, %lt3A : i32
    %convert_element_type3A = arith.extui %lt3A_0 : i1 to i32
    %cond3A = arith.constant 0 : i32
    %cond3A_1 = arith.cmpi ne, %convert_element_type3A, %cond3A : i32
    scf.if %cond3A_1 {
      %mul3A_461 = arith.constant 632 : i32
      %mul3A_462 = arith.muli %arg1, %mul3A_461 : i32
      "tpu.region"() ({
        %run_scoped3A = tpu.sem_alloc : memref<!tpu.dma_semaphore, #tpu.memory_space<semaphore_mem>>
        %dma_start3A_463 = arith.constant 0 : i32
        %dma_start3A_464 = tpu.memref_slice %arg7[%mul3A_462, %dma_start3A_463] : memref<10016x128xf32, #tpu.memory_space<vmem_shared>> -> memref<632x128xf32, #tpu.memory_space<vmem_shared>>
        %dma_start3A_465 = arith.constant 0 : i32
        %dma_start3A_466 = arith.constant 0 : i32
        %dma_start3A_467 = tpu.memref_slice %arg5[%dma_start3A_465, %dma_start3A_466] : memref<632x128xf32, #tpu.memory_space<hbm>> -> memref<632x128xf32, #tpu.memory_space<hbm>>
        tpu.enqueue_dma source(%dma_start3A_467 : memref<632x128xf32, #tpu.memory_space<hbm>>) target(%dma_start3A_464 : memref<632x128xf32, #tpu.memory_space<vmem_shared>>) target_semaphore(%run_scoped3A : memref<!tpu.dma_semaphore, #tpu.memory_space<semaphore_mem>>)
        %dma_wait3A_468 = arith.constant 0 : i32
        %dma_wait3A_469 = tpu.memref_slice %arg7[%mul3A_462, %dma_wait3A_468] : memref<10016x128xf32, #tpu.memory_space<vmem_shared>> -> memref<632x128xf32, #tpu.memory_space<vmem_shared>>
        %dma_wait3A_470 = arith.constant 0 : i32
        %dma_wait3A_471 = arith.constant 0 : i32
        %dma_wait3A_472 = tpu.memref_slice %arg5[%dma_wait3A_470, %dma_wait3A_471] : memref<632x128xf32, #tpu.memory_space<hbm>> -> memref<632x128xf32, #tpu.memory_space<hbm>>
        tpu.wait_dma2 semaphore(%run_scoped3A : memref<!tpu.dma_semaphore, #tpu.memory_space<semaphore_mem>>) src(%dma_wait3A_472 : memref<632x128xf32, #tpu.memory_space<hbm>>) dst(%dma_wait3A_469 : memref<632x128xf32, #tpu.memory_space<vmem_shared>>)
        tpu.yield
      }) : () -> ()
    } else {
    }
    %eq3A = arith.constant 15 : i32
    %eq3A_2 = arith.cmpi eq, %arg1, %eq3A : i32
    %convert_element_type3A_3 = arith.extui %eq3A_2 : i1 to i32
    %cond3A_4 = arith.constant 0 : i32
    %cond3A_5 = arith.cmpi ne, %convert_element_type3A_3, %cond3A_4 : i32
    scf.if %cond3A_5 {
      %mul3A_461 = arith.constant 632 : i32
      %mul3A_462 = arith.muli %arg1, %mul3A_461 : i32
      "tpu.region"() ({
        %run_scoped3A = tpu.sem_alloc : memref<!tpu.dma_semaphore, #tpu.memory_space<semaphore_mem>>
        %dma_start3A_463 = arith.constant 0 : i32
        %dma_start3A_464 = tpu.memref_slice %arg7[%mul3A_462, %dma_start3A_463] : memref<10016x128xf32, #tpu.memory_space<vmem_shared>> -> memref<536x128xf32, #tpu.memory_space<vmem_shared>>
        %dma_start3A_465 = arith.constant 0 : i32
        %dma_start3A_466 = arith.constant 0 : i32
        %dma_start3A_467 = tpu.memref_slice %arg5[%dma_start3A_465, %dma_start3A_466] : memref<632x128xf32, #tpu.memory_space<hbm>> -> memref<536x128xf32, #tpu.memory_space<hbm>>
        tpu.enqueue_dma source(%dma_start3A_467 : memref<536x128xf32, #tpu.memory_space<hbm>>) target(%dma_start3A_464 : memref<536x128xf32, #tpu.memory_space<vmem_shared>>) target_semaphore(%run_scoped3A : memref<!tpu.dma_semaphore, #tpu.memory_space<semaphore_mem>>)
        %dma_wait3A_468 = arith.constant 0 : i32
        %dma_wait3A_469 = tpu.memref_slice %arg7[%mul3A_462, %dma_wait3A_468] : memref<10016x128xf32, #tpu.memory_space<vmem_shared>> -> memref<536x128xf32, #tpu.memory_space<vmem_shared>>
        %dma_wait3A_470 = arith.constant 0 : i32
        %dma_wait3A_471 = arith.constant 0 : i32
        %dma_wait3A_472 = tpu.memref_slice %arg5[%dma_wait3A_470, %dma_wait3A_471] : memref<632x128xf32, #tpu.memory_space<hbm>> -> memref<536x128xf32, #tpu.memory_space<hbm>>
        tpu.wait_dma2 semaphore(%run_scoped3A : memref<!tpu.dma_semaphore, #tpu.memory_space<semaphore_mem>>) src(%dma_wait3A_472 : memref<536x128xf32, #tpu.memory_space<hbm>>) dst(%dma_wait3A_469 : memref<536x128xf32, #tpu.memory_space<vmem_shared>>)
        tpu.yield
      }) : () -> ()
    } else {
    }
    %barrier3A = arith.constant 0 : index
    tpu.barrier barrier_id(%barrier3A)
    %mul3A = arith.constant 2 : i32
    %mul3A_6 = arith.muli %arg0, %mul3A : i32
    %add3A = arith.constant 0 : i32
    %add3A_7 = arith.addi %mul3A_6, %add3A : i32
    %rem3A = arith.constant 0 : i32
    %rem3A_8 = arith.constant 4 : i32
    %rem3A_9 = arith.remsi %rem3A, %rem3A_8 : i32
    %mul3A_10 = arith.constant 80 : i32
    %mul3A_11 = arith.muli %arg1, %mul3A_10 : i32
    %add3A_12 = arith.constant 0 : i32
    %add3A_13 = arith.addi %mul3A_11, %add3A_12 : i32
    %dma_start3A = arith.constant 0 : i32
    %dma_start3A_14 = tpu.memref_slice %arg9[%rem3A_9, %dma_start3A] : memref<4x128xi32, #tpu.memory_space<vmem>> -> memref<1x128xi32, #tpu.memory_space<vmem>>
    %dma_start3A_15 = tpu.memref_squeeze %dma_start3A_14 : memref<1x128xi32, #tpu.memory_space<vmem>> -> memref<128xi32, #tpu.memory_space<vmem>>
    %dma_start3A_16 = arith.constant 0 : i32
    %dma_start3A_17 = tpu.memref_slice %arg3[%add3A_7, %add3A_13, %dma_start3A_16] : memref<4x1280x128xi32, #tpu.memory_space<hbm>> -> memref<1x1x128xi32, #tpu.memory_space<hbm>>
    %dma_start3A_18 = tpu.memref_squeeze %dma_start3A_17 : memref<1x1x128xi32, #tpu.memory_space<hbm>> -> memref<128xi32, #tpu.memory_space<hbm>>
    %dma_start3A_19 = arith.constant 0 : i32
    %dma_start3A_20 = tpu.memref_slice %arg9[%rem3A_9, %dma_start3A_19] : memref<4x128xi32, #tpu.memory_space<vmem>> -> memref<1x128xi32, #tpu.memory_space<vmem>>
    %dma_start3A_21 = tpu.memref_squeeze %dma_start3A_20 : memref<1x128xi32, #tpu.memory_space<vmem>> -> memref<128xi32, #tpu.memory_space<vmem>>
    %dma_start3A_22 = arith.constant 0 : i32
    %dma_start3A_23 = tpu.memref_slice %arg3[%add3A_7, %add3A_13, %dma_start3A_22] : memref<4x1280x128xi32, #tpu.memory_space<hbm>> -> memref<1x1x128xi32, #tpu.memory_space<hbm>>
    %dma_start3A_24 = tpu.memref_squeeze %dma_start3A_23 : memref<1x1x128xi32, #tpu.memory_space<hbm>> -> memref<128xi32, #tpu.memory_space<hbm>>
    tpu.enqueue_dma source(%dma_start3A_24 : memref<128xi32, #tpu.memory_space<hbm>>) target(%dma_start3A_21 : memref<128xi32, #tpu.memory_space<vmem>>) target_semaphore(%arg11 : memref<!tpu.dma_semaphore, #tpu.memory_space<semaphore_mem>>)
    %mul3A_25 = arith.constant 80 : i32
    %mul3A_26 = arith.muli %arg1, %mul3A_25 : i32
    %add3A_27 = arith.constant 0 : i32
    %add3A_28 = arith.addi %mul3A_26, %add3A_27 : i32
    %dma_start3A_29 = arith.constant 0 : i32
    %dma_start3A_30 = tpu.memref_slice %arg10[%rem3A_9, %dma_start3A_29] : memref<4x128xi32, #tpu.memory_space<vmem>> -> memref<1x128xi32, #tpu.memory_space<vmem>>
    %dma_start3A_31 = tpu.memref_squeeze %dma_start3A_30 : memref<1x128xi32, #tpu.memory_space<vmem>> -> memref<128xi32, #tpu.memory_space<vmem>>
    %dma_start3A_32 = arith.constant 0 : i32
    %dma_start3A_33 = tpu.memref_slice %arg4[%add3A_28, %dma_start3A_32] : memref<1280x128xi32, #tpu.memory_space<hbm>> -> memref<1x128xi32, #tpu.memory_space<hbm>>
    %dma_start3A_34 = tpu.memref_squeeze %dma_start3A_33 : memref<1x128xi32, #tpu.memory_space<hbm>> -> memref<128xi32, #tpu.memory_space<hbm>>
    %dma_start3A_35 = arith.constant 0 : i32
    %dma_start3A_36 = tpu.memref_slice %arg10[%rem3A_9, %dma_start3A_35] : memref<4x128xi32, #tpu.memory_space<vmem>> -> memref<1x128xi32, #tpu.memory_space<vmem>>
    %dma_start3A_37 = tpu.memref_squeeze %dma_start3A_36 : memref<1x128xi32, #tpu.memory_space<vmem>> -> memref<128xi32, #tpu.memory_space<vmem>>
    %dma_start3A_38 = arith.constant 0 : i32
    %dma_start3A_39 = tpu.memref_slice %arg4[%add3A_28, %dma_start3A_38] : memref<1280x128xi32, #tpu.memory_space<hbm>> -> memref<1x128xi32, #tpu.memory_space<hbm>>
    %dma_start3A_40 = tpu.memref_squeeze %dma_start3A_39 : memref<1x128xi32, #tpu.memory_space<hbm>> -> memref<128xi32, #tpu.memory_space<hbm>>
    tpu.enqueue_dma source(%dma_start3A_40 : memref<128xi32, #tpu.memory_space<hbm>>) target(%dma_start3A_37 : memref<128xi32, #tpu.memory_space<vmem>>) target_semaphore(%arg11 : memref<!tpu.dma_semaphore, #tpu.memory_space<semaphore_mem>>)
    %rem3A_41 = arith.constant 1 : i32
    %rem3A_42 = arith.constant 4 : i32
    %rem3A_43 = arith.remsi %rem3A_41, %rem3A_42 : i32
    %mul3A_44 = arith.constant 80 : i32
    %mul3A_45 = arith.muli %arg1, %mul3A_44 : i32
    %add3A_46 = arith.constant 1 : i32
    %add3A_47 = arith.addi %mul3A_45, %add3A_46 : i32
    %dma_start3A_48 = arith.constant 0 : i32
    %dma_start3A_49 = tpu.memref_slice %arg9[%rem3A_43, %dma_start3A_48] : memref<4x128xi32, #tpu.memory_space<vmem>> -> memref<1x128xi32, #tpu.memory_space<vmem>>
    %dma_start3A_50 = tpu.memref_squeeze %dma_start3A_49 : memref<1x128xi32, #tpu.memory_space<vmem>> -> memref<128xi32, #tpu.memory_space<vmem>>
    %dma_start3A_51 = arith.constant 0 : i32
    %dma_start3A_52 = tpu.memref_slice %arg3[%add3A_7, %add3A_47, %dma_start3A_51] : memref<4x1280x128xi32, #tpu.memory_space<hbm>> -> memref<1x1x128xi32, #tpu.memory_space<hbm>>
    %dma_start3A_53 = tpu.memref_squeeze %dma_start3A_52 : memref<1x1x128xi32, #tpu.memory_space<hbm>> -> memref<128xi32, #tpu.memory_space<hbm>>
    %dma_start3A_54 = arith.constant 0 : i32
    %dma_start3A_55 = tpu.memref_slice %arg9[%rem3A_43, %dma_start3A_54] : memref<4x128xi32, #tpu.memory_space<vmem>> -> memref<1x128xi32, #tpu.memory_space<vmem>>
    %dma_start3A_56 = tpu.memref_squeeze %dma_start3A_55 : memref<1x128xi32, #tpu.memory_space<vmem>> -> memref<128xi32, #tpu.memory_space<vmem>>
    %dma_start3A_57 = arith.constant 0 : i32
    %dma_start3A_58 = tpu.memref_slice %arg3[%add3A_7, %add3A_47, %dma_start3A_57] : memref<4x1280x128xi32, #tpu.memory_space<hbm>> -> memref<1x1x128xi32, #tpu.memory_space<hbm>>
    %dma_start3A_59 = tpu.memref_squeeze %dma_start3A_58 : memref<1x1x128xi32, #tpu.memory_space<hbm>> -> memref<128xi32, #tpu.memory_space<hbm>>
    tpu.enqueue_dma source(%dma_start3A_59 : memref<128xi32, #tpu.memory_space<hbm>>) target(%dma_start3A_56 : memref<128xi32, #tpu.memory_space<vmem>>) target_semaphore(%arg11 : memref<!tpu.dma_semaphore, #tpu.memory_space<semaphore_mem>>)
    %mul3A_60 = arith.constant 80 : i32
    %mul3A_61 = arith.muli %arg1, %mul3A_60 : i32
    %add3A_62 = arith.constant 1 : i32
    %add3A_63 = arith.addi %mul3A_61, %add3A_62 : i32
    %dma_start3A_64 = arith.constant 0 : i32
    %dma_start3A_65 = tpu.memref_slice %arg10[%rem3A_43, %dma_start3A_64] : memref<4x128xi32, #tpu.memory_space<vmem>> -> memref<1x128xi32, #tpu.memory_space<vmem>>
    %dma_start3A_66 = tpu.memref_squeeze %dma_start3A_65 : memref<1x128xi32, #tpu.memory_space<vmem>> -> memref<128xi32, #tpu.memory_space<vmem>>
    %dma_start3A_67 = arith.constant 0 : i32
    %dma_start3A_68 = tpu.memref_slice %arg4[%add3A_63, %dma_start3A_67] : memref<1280x128xi32, #tpu.memory_space<hbm>> -> memref<1x128xi32, #tpu.memory_space<hbm>>
    %dma_start3A_69 = tpu.memref_squeeze %dma_start3A_68 : memref<1x128xi32, #tpu.memory_space<hbm>> -> memref<128xi32, #tpu.memory_space<hbm>>
    %dma_start3A_70 = arith.constant 0 : i32
    %dma_start3A_71 = tpu.memref_slice %arg10[%rem3A_43, %dma_start3A_70] : memref<4x128xi32, #tpu.memory_space<vmem>> -> memref<1x128xi32, #tpu.memory_space<vmem>>
    %dma_start3A_72 = tpu.memref_squeeze %dma_start3A_71 : memref<1x128xi32, #tpu.memory_space<vmem>> -> memref<128xi32, #tpu.memory_space<vmem>>
    %dma_start3A_73 = arith.constant 0 : i32
    %dma_start3A_74 = tpu.memref_slice %arg4[%add3A_63, %dma_start3A_73] : memref<1280x128xi32, #tpu.memory_space<hbm>> -> memref<1x128xi32, #tpu.memory_space<hbm>>
    %dma_start3A_75 = tpu.memref_squeeze %dma_start3A_74 : memref<1x128xi32, #tpu.memory_space<hbm>> -> memref<128xi32, #tpu.memory_space<hbm>>
    tpu.enqueue_dma source(%dma_start3A_75 : memref<128xi32, #tpu.memory_space<hbm>>) target(%dma_start3A_72 : memref<128xi32, #tpu.memory_space<vmem>>) target_semaphore(%arg11 : memref<!tpu.dma_semaphore, #tpu.memory_space<semaphore_mem>>)
    %rem3A_76 = arith.constant 2 : i32
    %rem3A_77 = arith.constant 4 : i32
    %rem3A_78 = arith.remsi %rem3A_76, %rem3A_77 : i32
    %mul3A_79 = arith.constant 80 : i32
    %mul3A_80 = arith.muli %arg1, %mul3A_79 : i32
    %add3A_81 = arith.constant 2 : i32
    %add3A_82 = arith.addi %mul3A_80, %add3A_81 : i32
    %dma_start3A_83 = arith.constant 0 : i32
    %dma_start3A_84 = tpu.memref_slice %arg9[%rem3A_78, %dma_start3A_83] : memref<4x128xi32, #tpu.memory_space<vmem>> -> memref<1x128xi32, #tpu.memory_space<vmem>>
    %dma_start3A_85 = tpu.memref_squeeze %dma_start3A_84 : memref<1x128xi32, #tpu.memory_space<vmem>> -> memref<128xi32, #tpu.memory_space<vmem>>
    %dma_start3A_86 = arith.constant 0 : i32
    %dma_start3A_87 = tpu.memref_slice %arg3[%add3A_7, %add3A_82, %dma_start3A_86] : memref<4x1280x128xi32, #tpu.memory_space<hbm>> -> memref<1x1x128xi32, #tpu.memory_space<hbm>>
    %dma_start3A_88 = tpu.memref_squeeze %dma_start3A_87 : memref<1x1x128xi32, #tpu.memory_space<hbm>> -> memref<128xi32, #tpu.memory_space<hbm>>
    %dma_start3A_89 = arith.constant 0 : i32
    %dma_start3A_90 = tpu.memref_slice %arg9[%rem3A_78, %dma_start3A_89] : memref<4x128xi32, #tpu.memory_space<vmem>> -> memref<1x128xi32, #tpu.memory_space<vmem>>
    %dma_start3A_91 = tpu.memref_squeeze %dma_start3A_90 : memref<1x128xi32, #tpu.memory_space<vmem>> -> memref<128xi32, #tpu.memory_space<vmem>>
    %dma_start3A_92 = arith.constant 0 : i32
    %dma_start3A_93 = tpu.memref_slice %arg3[%add3A_7, %add3A_82, %dma_start3A_92] : memref<4x1280x128xi32, #tpu.memory_space<hbm>> -> memref<1x1x128xi32, #tpu.memory_space<hbm>>
    %dma_start3A_94 = tpu.memref_squeeze %dma_start3A_93 : memref<1x1x128xi32, #tpu.memory_space<hbm>> -> memref<128xi32, #tpu.memory_space<hbm>>
    tpu.enqueue_dma source(%dma_start3A_94 : memref<128xi32, #tpu.memory_space<hbm>>) target(%dma_start3A_91 : memref<128xi32, #tpu.memory_space<vmem>>) target_semaphore(%arg11 : memref<!tpu.dma_semaphore, #tpu.memory_space<semaphore_mem>>)
    %mul3A_95 = arith.constant 80 : i32
    %mul3A_96 = arith.muli %arg1, %mul3A_95 : i32
    %add3A_97 = arith.constant 2 : i32
    %add3A_98 = arith.addi %mul3A_96, %add3A_97 : i32
    %dma_start3A_99 = arith.constant 0 : i32
    %dma_start3A_100 = tpu.memref_slice %arg10[%rem3A_78, %dma_start3A_99] : memref<4x128xi32, #tpu.memory_space<vmem>> -> memref<1x128xi32, #tpu.memory_space<vmem>>
    %dma_start3A_101 = tpu.memref_squeeze %dma_start3A_100 : memref<1x128xi32, #tpu.memory_space<vmem>> -> memref<128xi32, #tpu.memory_space<vmem>>
    %dma_start3A_102 = arith.constant 0 : i32
    %dma_start3A_103 = tpu.memref_slice %arg4[%add3A_98, %dma_start3A_102] : memref<1280x128xi32, #tpu.memory_space<hbm>> -> memref<1x128xi32, #tpu.memory_space<hbm>>
    %dma_start3A_104 = tpu.memref_squeeze %dma_start3A_103 : memref<1x128xi32, #tpu.memory_space<hbm>> -> memref<128xi32, #tpu.memory_space<hbm>>
    %dma_start3A_105 = arith.constant 0 : i32
    %dma_start3A_106 = tpu.memref_slice %arg10[%rem3A_78, %dma_start3A_105] : memref<4x128xi32, #tpu.memory_space<vmem>> -> memref<1x128xi32, #tpu.memory_space<vmem>>
    %dma_start3A_107 = tpu.memref_squeeze %dma_start3A_106 : memref<1x128xi32, #tpu.memory_space<vmem>> -> memref<128xi32, #tpu.memory_space<vmem>>
    %dma_start3A_108 = arith.constant 0 : i32
    %dma_start3A_109 = tpu.memref_slice %arg4[%add3A_98, %dma_start3A_108] : memref<1280x128xi32, #tpu.memory_space<hbm>> -> memref<1x128xi32, #tpu.memory_space<hbm>>
    %dma_start3A_110 = tpu.memref_squeeze %dma_start3A_109 : memref<1x128xi32, #tpu.memory_space<hbm>> -> memref<128xi32, #tpu.memory_space<hbm>>
    tpu.enqueue_dma source(%dma_start3A_110 : memref<128xi32, #tpu.memory_space<hbm>>) target(%dma_start3A_107 : memref<128xi32, #tpu.memory_space<vmem>>) target_semaphore(%arg11 : memref<!tpu.dma_semaphore, #tpu.memory_space<semaphore_mem>>)
    %dma_wait3A = arith.constant 0 : i32
    %dma_wait3A_111 = arith.constant 0 : i32
    %dma_wait3A_112 = arith.constant 0 : i32
    %dma_wait3A_113 = tpu.memref_slice %arg10[%dma_wait3A_111, %dma_wait3A_112] : memref<4x128xi32, #tpu.memory_space<vmem>> -> memref<1x128xi32, #tpu.memory_space<vmem>>
    %dma_wait3A_114 = tpu.memref_squeeze %dma_wait3A_113 : memref<1x128xi32, #tpu.memory_space<vmem>> -> memref<128xi32, #tpu.memory_space<vmem>>
    %dma_wait3A_115 = arith.constant 0 : i32
    %dma_wait3A_116 = tpu.memref_slice %arg4[%dma_wait3A, %dma_wait3A_115] : memref<1280x128xi32, #tpu.memory_space<hbm>> -> memref<1x128xi32, #tpu.memory_space<hbm>>
    %dma_wait3A_117 = tpu.memref_squeeze %dma_wait3A_116 : memref<1x128xi32, #tpu.memory_space<hbm>> -> memref<128xi32, #tpu.memory_space<hbm>>
    %dma_wait3A_118 = arith.constant 0 : i32
    %dma_wait3A_119 = tpu.memref_slice %arg10[%dma_wait3A_111, %dma_wait3A_118] : memref<4x128xi32, #tpu.memory_space<vmem>> -> memref<1x128xi32, #tpu.memory_space<vmem>>
    %dma_wait3A_120 = tpu.memref_squeeze %dma_wait3A_119 : memref<1x128xi32, #tpu.memory_space<vmem>> -> memref<128xi32, #tpu.memory_space<vmem>>
    %dma_wait3A_121 = arith.constant 0 : i32
    %dma_wait3A_122 = tpu.memref_slice %arg4[%dma_wait3A, %dma_wait3A_121] : memref<1280x128xi32, #tpu.memory_space<hbm>> -> memref<1x128xi32, #tpu.memory_space<hbm>>
    %dma_wait3A_123 = tpu.memref_squeeze %dma_wait3A_122 : memref<1x128xi32, #tpu.memory_space<hbm>> -> memref<128xi32, #tpu.memory_space<hbm>>
    tpu.wait_dma2 semaphore(%arg11 : memref<!tpu.dma_semaphore, #tpu.memory_space<semaphore_mem>>) src(%dma_wait3A_123 : memref<128xi32, #tpu.memory_space<hbm>>) dst(%dma_wait3A_120 : memref<128xi32, #tpu.memory_space<vmem>>)
    %dma_wait3A_124 = arith.constant 0 : i32
    %dma_wait3A_125 = arith.constant 0 : i32
    %dma_wait3A_126 = arith.constant 0 : i32
    %dma_wait3A_127 = tpu.memref_slice %arg10[%dma_wait3A_125, %dma_wait3A_126] : memref<4x128xi32, #tpu.memory_space<vmem>> -> memref<1x128xi32, #tpu.memory_space<vmem>>
    %dma_wait3A_128 = tpu.memref_squeeze %dma_wait3A_127 : memref<1x128xi32, #tpu.memory_space<vmem>> -> memref<128xi32, #tpu.memory_space<vmem>>
    %dma_wait3A_129 = arith.constant 0 : i32
    %dma_wait3A_130 = tpu.memref_slice %arg4[%dma_wait3A_124, %dma_wait3A_129] : memref<1280x128xi32, #tpu.memory_space<hbm>> -> memref<1x128xi32, #tpu.memory_space<hbm>>
    %dma_wait3A_131 = tpu.memref_squeeze %dma_wait3A_130 : memref<1x128xi32, #tpu.memory_space<hbm>> -> memref<128xi32, #tpu.memory_space<hbm>>
    %dma_wait3A_132 = arith.constant 0 : i32
    %dma_wait3A_133 = tpu.memref_slice %arg10[%dma_wait3A_125, %dma_wait3A_132] : memref<4x128xi32, #tpu.memory_space<vmem>> -> memref<1x128xi32, #tpu.memory_space<vmem>>
    %dma_wait3A_134 = tpu.memref_squeeze %dma_wait3A_133 : memref<1x128xi32, #tpu.memory_space<vmem>> -> memref<128xi32, #tpu.memory_space<vmem>>
    %dma_wait3A_135 = arith.constant 0 : i32
    %dma_wait3A_136 = tpu.memref_slice %arg4[%dma_wait3A_124, %dma_wait3A_135] : memref<1280x128xi32, #tpu.memory_space<hbm>> -> memref<1x128xi32, #tpu.memory_space<hbm>>
    %dma_wait3A_137 = tpu.memref_squeeze %dma_wait3A_136 : memref<1x128xi32, #tpu.memory_space<hbm>> -> memref<128xi32, #tpu.memory_space<hbm>>
    tpu.wait_dma2 semaphore(%arg11 : memref<!tpu.dma_semaphore, #tpu.memory_space<semaphore_mem>>) src(%dma_wait3A_137 : memref<128xi32, #tpu.memory_space<hbm>>) dst(%dma_wait3A_134 : memref<128xi32, #tpu.memory_space<vmem>>)
    %rem3A_138 = arith.constant 0 : i32
    %rem3A_139 = arith.constant 4 : i32
    %rem3A_140 = arith.remsi %rem3A_138, %rem3A_139 : i32
    %rem3A_141 = arith.constant 0 : i32
    %rem3A_142 = arith.constant 3 : i32
    %rem3A_143 = arith.remsi %rem3A_141, %rem3A_142 : i32
    %dma_start3A_144 = arith.constant 0 : i32
    %dma_start3A_145 = arith.constant 0 : i32
    %dma_start3A_146 = tpu.memref_slice %arg8[%rem3A_143, %dma_start3A_144, %dma_start3A_145] : memref<3x128x128xf32, #tpu.memory_space<vmem>> -> memref<1x128x128xf32, #tpu.memory_space<vmem>>
    %dma_start3A_147 = tpu.memref_squeeze %dma_start3A_146 : memref<1x128x128xf32, #tpu.memory_space<vmem>> -> memref<128x128xf32, #tpu.memory_space<vmem>>
    %dma_start3A_148 = arith.constant 0 : i32
    %dma_start3A_149 = tpu.memref_slice %arg9[%rem3A_140, %dma_start3A_148] : memref<4x128xi32, #tpu.memory_space<vmem>> -> memref<1x128xi32, #tpu.memory_space<vmem>>
    %dma_start3A_150 = tpu.memref_squeeze %dma_start3A_149 : memref<1x128xi32, #tpu.memory_space<vmem>> -> memref<128xi32, #tpu.memory_space<vmem>>
    %dma_start3A_151 = arith.constant 0 : i32
    %dma_start3A_152 = arith.constant 0 : i32
    %dma_start3A_153 = tpu.memref_slice %arg2[%dma_start3A_151, %dma_start3A_152] : memref<40000x128xf32, #tpu.memory_space<hbm>> -> memref<40000x128xf32, #tpu.memory_space<hbm>>
    tpu.enqueue_indirect_dma source(%dma_start3A_153 : memref<40000x128xf32, #tpu.memory_space<hbm>>) target(%dma_start3A_147 : memref<128x128xf32, #tpu.memory_space<vmem>>) offsets(%dma_start3A_150 : memref<128xi32, #tpu.memory_space<vmem>>) semaphore(%arg12 : memref<!tpu.dma_semaphore, #tpu.memory_space<semaphore_mem>>)
    %dma_wait3A_154 = arith.constant 0 : i32
    %dma_wait3A_155 = arith.constant 0 : i32
    %dma_wait3A_156 = arith.constant 0 : i32
    %dma_wait3A_157 = tpu.memref_slice %arg10[%dma_wait3A_155, %dma_wait3A_156] : memref<4x128xi32, #tpu.memory_space<vmem>> -> memref<1x128xi32, #tpu.memory_space<vmem>>
    %dma_wait3A_158 = tpu.memref_squeeze %dma_wait3A_157 : memref<1x128xi32, #tpu.memory_space<vmem>> -> memref<128xi32, #tpu.memory_space<vmem>>
    %dma_wait3A_159 = arith.constant 0 : i32
    %dma_wait3A_160 = tpu.memref_slice %arg4[%dma_wait3A_154, %dma_wait3A_159] : memref<1280x128xi32, #tpu.memory_space<hbm>> -> memref<1x128xi32, #tpu.memory_space<hbm>>
    %dma_wait3A_161 = tpu.memref_squeeze %dma_wait3A_160 : memref<1x128xi32, #tpu.memory_space<hbm>> -> memref<128xi32, #tpu.memory_space<hbm>>
    %dma_wait3A_162 = arith.constant 0 : i32
    %dma_wait3A_163 = tpu.memref_slice %arg10[%dma_wait3A_155, %dma_wait3A_162] : memref<4x128xi32, #tpu.memory_space<vmem>> -> memref<1x128xi32, #tpu.memory_space<vmem>>
    %dma_wait3A_164 = tpu.memref_squeeze %dma_wait3A_163 : memref<1x128xi32, #tpu.memory_space<vmem>> -> memref<128xi32, #tpu.memory_space<vmem>>
    %dma_wait3A_165 = arith.constant 0 : i32
    %dma_wait3A_166 = tpu.memref_slice %arg4[%dma_wait3A_154, %dma_wait3A_165] : memref<1280x128xi32, #tpu.memory_space<hbm>> -> memref<1x128xi32, #tpu.memory_space<hbm>>
    %dma_wait3A_167 = tpu.memref_squeeze %dma_wait3A_166 : memref<1x128xi32, #tpu.memory_space<hbm>> -> memref<128xi32, #tpu.memory_space<hbm>>
    tpu.wait_dma2 semaphore(%arg11 : memref<!tpu.dma_semaphore, #tpu.memory_space<semaphore_mem>>) src(%dma_wait3A_167 : memref<128xi32, #tpu.memory_space<hbm>>) dst(%dma_wait3A_164 : memref<128xi32, #tpu.memory_space<vmem>>)
    %dma_wait3A_168 = arith.constant 0 : i32
    %dma_wait3A_169 = arith.constant 0 : i32
    %dma_wait3A_170 = arith.constant 0 : i32
    %dma_wait3A_171 = tpu.memref_slice %arg10[%dma_wait3A_169, %dma_wait3A_170] : memref<4x128xi32, #tpu.memory_space<vmem>> -> memref<1x128xi32, #tpu.memory_space<vmem>>
    %dma_wait3A_172 = tpu.memref_squeeze %dma_wait3A_171 : memref<1x128xi32, #tpu.memory_space<vmem>> -> memref<128xi32, #tpu.memory_space<vmem>>
    %dma_wait3A_173 = arith.constant 0 : i32
    %dma_wait3A_174 = tpu.memref_slice %arg4[%dma_wait3A_168, %dma_wait3A_173] : memref<1280x128xi32, #tpu.memory_space<hbm>> -> memref<1x128xi32, #tpu.memory_space<hbm>>
    %dma_wait3A_175 = tpu.memref_squeeze %dma_wait3A_174 : memref<1x128xi32, #tpu.memory_space<hbm>> -> memref<128xi32, #tpu.memory_space<hbm>>
    %dma_wait3A_176 = arith.constant 0 : i32
    %dma_wait3A_177 = tpu.memref_slice %arg10[%dma_wait3A_169, %dma_wait3A_176] : memref<4x128xi32, #tpu.memory_space<vmem>> -> memref<1x128xi32, #tpu.memory_space<vmem>>
    %dma_wait3A_178 = tpu.memref_squeeze %dma_wait3A_177 : memref<1x128xi32, #tpu.memory_space<vmem>> -> memref<128xi32, #tpu.memory_space<vmem>>
    %dma_wait3A_179 = arith.constant 0 : i32
    %dma_wait3A_180 = tpu.memref_slice %arg4[%dma_wait3A_168, %dma_wait3A_179] : memref<1280x128xi32, #tpu.memory_space<hbm>> -> memref<1x128xi32, #tpu.memory_space<hbm>>
    %dma_wait3A_181 = tpu.memref_squeeze %dma_wait3A_180 : memref<1x128xi32, #tpu.memory_space<hbm>> -> memref<128xi32, #tpu.memory_space<hbm>>
    tpu.wait_dma2 semaphore(%arg11 : memref<!tpu.dma_semaphore, #tpu.memory_space<semaphore_mem>>) src(%dma_wait3A_181 : memref<128xi32, #tpu.memory_space<hbm>>) dst(%dma_wait3A_178 : memref<128xi32, #tpu.memory_space<vmem>>)
    %rem3A_182 = arith.constant 1 : i32
    %rem3A_183 = arith.constant 4 : i32
    %rem3A_184 = arith.remsi %rem3A_182, %rem3A_183 : i32
    %rem3A_185 = arith.constant 1 : i32
    %rem3A_186 = arith.constant 3 : i32
    %rem3A_187 = arith.remsi %rem3A_185, %rem3A_186 : i32
    %dma_start3A_188 = arith.constant 0 : i32
    %dma_start3A_189 = arith.constant 0 : i32
    %dma_start3A_190 = tpu.memref_slice %arg8[%rem3A_187, %dma_start3A_188, %dma_start3A_189] : memref<3x128x128xf32, #tpu.memory_space<vmem>> -> memref<1x128x128xf32, #tpu.memory_space<vmem>>
    %dma_start3A_191 = tpu.memref_squeeze %dma_start3A_190 : memref<1x128x128xf32, #tpu.memory_space<vmem>> -> memref<128x128xf32, #tpu.memory_space<vmem>>
    %dma_start3A_192 = arith.constant 0 : i32
    %dma_start3A_193 = tpu.memref_slice %arg9[%rem3A_184, %dma_start3A_192] : memref<4x128xi32, #tpu.memory_space<vmem>> -> memref<1x128xi32, #tpu.memory_space<vmem>>
    %dma_start3A_194 = tpu.memref_squeeze %dma_start3A_193 : memref<1x128xi32, #tpu.memory_space<vmem>> -> memref<128xi32, #tpu.memory_space<vmem>>
    %dma_start3A_195 = arith.constant 0 : i32
    %dma_start3A_196 = arith.constant 0 : i32
    %dma_start3A_197 = tpu.memref_slice %arg2[%dma_start3A_195, %dma_start3A_196] : memref<40000x128xf32, #tpu.memory_space<hbm>> -> memref<40000x128xf32, #tpu.memory_space<hbm>>
    tpu.enqueue_indirect_dma source(%dma_start3A_197 : memref<40000x128xf32, #tpu.memory_space<hbm>>) target(%dma_start3A_191 : memref<128x128xf32, #tpu.memory_space<vmem>>) offsets(%dma_start3A_194 : memref<128xi32, #tpu.memory_space<vmem>>) semaphore(%arg12 : memref<!tpu.dma_semaphore, #tpu.memory_space<semaphore_mem>>)
    %scan3A = arith.constant 0 : i32
    %scan3A_198 = arith.constant 80 : i32
    %scan3A_199 = arith.addi %scan3A, %scan3A_198 : i32
    %scan3A_200 = arith.constant 1 : i32
    scf.for %scan3A_461 = %scan3A to %scan3A_199 step %scan3A_200  : i32 {
      %mul3A_462 = arith.constant 1 : i32
      %mul3A_463 = arith.muli %scan3A_461, %mul3A_462 : i32
      %add3A_464 = arith.constant 0 : i32
      %add3A_465 = arith.addi %add3A_464, %mul3A_463 : i32
      %dma_wait3A_466 = arith.constant 0 : i32
      %dma_wait3A_467 = arith.constant 0 : i32
      %dma_wait3A_468 = arith.constant 0 : i32
      %dma_wait3A_469 = arith.constant 0 : i32
      %dma_wait3A_470 = tpu.memref_slice %arg8[%dma_wait3A_467, %dma_wait3A_468, %dma_wait3A_469] : memref<3x128x128xf32, #tpu.memory_space<vmem>> -> memref<1x128x128xf32, #tpu.memory_space<vmem>>
      %dma_wait3A_471 = tpu.memref_squeeze %dma_wait3A_470 : memref<1x128x128xf32, #tpu.memory_space<vmem>> -> memref<128x128xf32, #tpu.memory_space<vmem>>
      %dma_wait3A_472 = arith.constant 0 : i32
      %dma_wait3A_473 = tpu.memref_slice %arg9[%dma_wait3A_466, %dma_wait3A_472] : memref<4x128xi32, #tpu.memory_space<vmem>> -> memref<1x128xi32, #tpu.memory_space<vmem>>
      %dma_wait3A_474 = tpu.memref_squeeze %dma_wait3A_473 : memref<1x128xi32, #tpu.memory_space<vmem>> -> memref<128xi32, #tpu.memory_space<vmem>>
      %dma_wait3A_475 = arith.constant 0 : i32
      %dma_wait3A_476 = arith.constant 0 : i32
      %dma_wait3A_477 = tpu.memref_slice %arg2[%dma_wait3A_475, %dma_wait3A_476] : memref<40000x128xf32, #tpu.memory_space<hbm>> -> memref<40000x128xf32, #tpu.memory_space<hbm>>
      tpu.wait_indirect_dma semaphore(%arg12 : memref<!tpu.dma_semaphore, #tpu.memory_space<semaphore_mem>>) src(%dma_wait3A_477 : memref<40000x128xf32, #tpu.memory_space<hbm>>) dst(%dma_wait3A_471 : memref<128x128xf32, #tpu.memory_space<vmem>>)
      %rem3A_478 = arith.constant 3 : i32
      %rem3A_479 = arith.remsi %add3A_465, %rem3A_478 : i32
      %rem3A_480 = arith.constant 4 : i32
      %rem3A_481 = arith.remsi %add3A_465, %rem3A_480 : i32
      %dma_start3A_482 = arith.constant 0 : i32
      %dma_start3A_483 = arith.constant 0 : i32
      %dma_start3A_484 = tpu.memref_slice %arg8[%rem3A_479, %dma_start3A_482, %dma_start3A_483] : memref<3x128x128xf32, #tpu.memory_space<vmem>> -> memref<1x128x128xf32, #tpu.memory_space<vmem>>
      %dma_start3A_485 = tpu.memref_squeeze %dma_start3A_484 : memref<1x128x128xf32, #tpu.memory_space<vmem>> -> memref<128x128xf32, #tpu.memory_space<vmem>>
      %dma_start3A_486 = arith.constant 0 : i32
      %dma_start3A_487 = tpu.memref_slice %arg10[%rem3A_481, %dma_start3A_486] : memref<4x128xi32, #tpu.memory_space<vmem>> -> memref<1x128xi32, #tpu.memory_space<vmem>>
      %dma_start3A_488 = tpu.memref_squeeze %dma_start3A_487 : memref<1x128xi32, #tpu.memory_space<vmem>> -> memref<128xi32, #tpu.memory_space<vmem>>
      %dma_start3A_489 = arith.constant 0 : i32
      %dma_start3A_490 = arith.constant 0 : i32
      %dma_start3A_491 = tpu.memref_slice %arg7[%dma_start3A_489, %dma_start3A_490] : memref<10016x128xf32, #tpu.memory_space<vmem_shared>> -> memref<10016x128xf32, #tpu.memory_space<vmem_shared>>
      tpu.enqueue_indirect_dma source(%dma_start3A_485 : memref<128x128xf32, #tpu.memory_space<vmem>>) target(%dma_start3A_491 : memref<10016x128xf32, #tpu.memory_space<vmem_shared>>) offsets(%dma_start3A_488 : memref<128xi32, #tpu.memory_space<vmem>>) semaphore(%arg13 : memref<!tpu.dma_semaphore, #tpu.memory_space<semaphore_mem>>) {add = true}
      %ge3A = arith.constant 1 : i32
      %ge3A_492 = arith.cmpi sge, %add3A_465, %ge3A : i32
      %convert_element_type3A_493 = arith.extui %ge3A_492 : i1 to i32
      %cond3A_494 = arith.constant 0 : i32
      %cond3A_495 = arith.cmpi ne, %convert_element_type3A_493, %cond3A_494 : i32
      scf.if %cond3A_495 {
        %dma_wait3A_510 = arith.constant 0 : i32
        %dma_wait3A_511 = arith.constant 0 : i32
        %dma_wait3A_512 = arith.constant 0 : i32
        %dma_wait3A_513 = arith.constant 0 : i32
        %dma_wait3A_514 = tpu.memref_slice %arg8[%dma_wait3A_510, %dma_wait3A_512, %dma_wait3A_513] : memref<3x128x128xf32, #tpu.memory_space<vmem>> -> memref<1x128x128xf32, #tpu.memory_space<vmem>>
        %dma_wait3A_515 = tpu.memref_squeeze %dma_wait3A_514 : memref<1x128x128xf32, #tpu.memory_space<vmem>> -> memref<128x128xf32, #tpu.memory_space<vmem>>
        %dma_wait3A_516 = arith.constant 0 : i32
        %dma_wait3A_517 = tpu.memref_slice %arg10[%dma_wait3A_511, %dma_wait3A_516] : memref<4x128xi32, #tpu.memory_space<vmem>> -> memref<1x128xi32, #tpu.memory_space<vmem>>
        %dma_wait3A_518 = tpu.memref_squeeze %dma_wait3A_517 : memref<1x128xi32, #tpu.memory_space<vmem>> -> memref<128xi32, #tpu.memory_space<vmem>>
        %dma_wait3A_519 = arith.constant 0 : i32
        %dma_wait3A_520 = arith.constant 0 : i32
        %dma_wait3A_521 = tpu.memref_slice %arg7[%dma_wait3A_519, %dma_wait3A_520] : memref<10016x128xf32, #tpu.memory_space<vmem_shared>> -> memref<10016x128xf32, #tpu.memory_space<vmem_shared>>
        tpu.wait_indirect_dma semaphore(%arg13 : memref<!tpu.dma_semaphore, #tpu.memory_space<semaphore_mem>>) src(%dma_wait3A_515 : memref<128x128xf32, #tpu.memory_space<vmem>>) dst(%dma_wait3A_521 : memref<10016x128xf32, #tpu.memory_space<vmem_shared>>)
      } else {
      }
      %add3A_496 = arith.constant 3 : i32
      %add3A_497 = arith.addi %add3A_465, %add3A_496 : i32
      %lt3A_498 = arith.constant 80 : i32
      %lt3A_499 = arith.cmpi slt, %add3A_497, %lt3A_498 : i32
      %convert_element_type3A_500 = arith.extui %lt3A_499 : i1 to i32
      %cond3A_501 = arith.constant 0 : i32
      %cond3A_502 = arith.cmpi ne, %convert_element_type3A_500, %cond3A_501 : i32
      scf.if %cond3A_502 {
        %add3A_510 = arith.constant 3 : i32
        %add3A_511 = arith.addi %add3A_465, %add3A_510 : i32
        %rem3A_512 = arith.constant 4 : i32
        %rem3A_513 = arith.remsi %add3A_511, %rem3A_512 : i32
        %mul3A_514 = arith.constant 80 : i32
        %mul3A_515 = arith.muli %arg1, %mul3A_514 : i32
        %add3A_516 = arith.addi %mul3A_515, %add3A_511 : i32
        %dma_start3A_517 = arith.constant 0 : i32
        %dma_start3A_518 = tpu.memref_slice %arg9[%rem3A_513, %dma_start3A_517] : memref<4x128xi32, #tpu.memory_space<vmem>> -> memref<1x128xi32, #tpu.memory_space<vmem>>
        %dma_start3A_519 = tpu.memref_squeeze %dma_start3A_518 : memref<1x128xi32, #tpu.memory_space<vmem>> -> memref<128xi32, #tpu.memory_space<vmem>>
        %dma_start3A_520 = arith.constant 0 : i32
        %dma_start3A_521 = tpu.memref_slice %arg3[%add3A_7, %add3A_516, %dma_start3A_520] : memref<4x1280x128xi32, #tpu.memory_space<hbm>> -> memref<1x1x128xi32, #tpu.memory_space<hbm>>
        %dma_start3A_522 = tpu.memref_squeeze %dma_start3A_521 : memref<1x1x128xi32, #tpu.memory_space<hbm>> -> memref<128xi32, #tpu.memory_space<hbm>>
        %dma_start3A_523 = arith.constant 0 : i32
        %dma_start3A_524 = tpu.memref_slice %arg9[%rem3A_513, %dma_start3A_523] : memref<4x128xi32, #tpu.memory_space<vmem>> -> memref<1x128xi32, #tpu.memory_space<vmem>>
        %dma_start3A_525 = tpu.memref_squeeze %dma_start3A_524 : memref<1x128xi32, #tpu.memory_space<vmem>> -> memref<128xi32, #tpu.memory_space<vmem>>
        %dma_start3A_526 = arith.constant 0 : i32
        %dma_start3A_527 = tpu.memref_slice %arg3[%add3A_7, %add3A_516, %dma_start3A_526] : memref<4x1280x128xi32, #tpu.memory_space<hbm>> -> memref<1x1x128xi32, #tpu.memory_space<hbm>>
        %dma_start3A_528 = tpu.memref_squeeze %dma_start3A_527 : memref<1x1x128xi32, #tpu.memory_space<hbm>> -> memref<128xi32, #tpu.memory_space<hbm>>
        tpu.enqueue_dma source(%dma_start3A_528 : memref<128xi32, #tpu.memory_space<hbm>>) target(%dma_start3A_525 : memref<128xi32, #tpu.memory_space<vmem>>) target_semaphore(%arg11 : memref<!tpu.dma_semaphore, #tpu.memory_space<semaphore_mem>>)
        %mul3A_529 = arith.constant 80 : i32
        %mul3A_530 = arith.muli %arg1, %mul3A_529 : i32
        %add3A_531 = arith.addi %mul3A_530, %add3A_511 : i32
        %dma_start3A_532 = arith.constant 0 : i32
        %dma_start3A_533 = tpu.memref_slice %arg10[%rem3A_513, %dma_start3A_532] : memref<4x128xi32, #tpu.memory_space<vmem>> -> memref<1x128xi32, #tpu.memory_space<vmem>>
        %dma_start3A_534 = tpu.memref_squeeze %dma_start3A_533 : memref<1x128xi32, #tpu.memory_space<vmem>> -> memref<128xi32, #tpu.memory_space<vmem>>
        %dma_start3A_535 = arith.constant 0 : i32
        %dma_start3A_536 = tpu.memref_slice %arg4[%add3A_531, %dma_start3A_535] : memref<1280x128xi32, #tpu.memory_space<hbm>> -> memref<1x128xi32, #tpu.memory_space<hbm>>
        %dma_start3A_537 = tpu.memref_squeeze %dma_start3A_536 : memref<1x128xi32, #tpu.memory_space<hbm>> -> memref<128xi32, #tpu.memory_space<hbm>>
        %dma_start3A_538 = arith.constant 0 : i32
        %dma_start3A_539 = tpu.memref_slice %arg10[%rem3A_513, %dma_start3A_538] : memref<4x128xi32, #tpu.memory_space<vmem>> -> memref<1x128xi32, #tpu.memory_space<vmem>>
        %dma_start3A_540 = tpu.memref_squeeze %dma_start3A_539 : memref<1x128xi32, #tpu.memory_space<vmem>> -> memref<128xi32, #tpu.memory_space<vmem>>
        %dma_start3A_541 = arith.constant 0 : i32
        %dma_start3A_542 = tpu.memref_slice %arg4[%add3A_531, %dma_start3A_541] : memref<1280x128xi32, #tpu.memory_space<hbm>> -> memref<1x128xi32, #tpu.memory_space<hbm>>
        %dma_start3A_543 = tpu.memref_squeeze %dma_start3A_542 : memref<1x128xi32, #tpu.memory_space<hbm>> -> memref<128xi32, #tpu.memory_space<hbm>>
        tpu.enqueue_dma source(%dma_start3A_543 : memref<128xi32, #tpu.memory_space<hbm>>) target(%dma_start3A_540 : memref<128xi32, #tpu.memory_space<vmem>>) target_semaphore(%arg11 : memref<!tpu.dma_semaphore, #tpu.memory_space<semaphore_mem>>)
      } else {
      }
      %add3A_503 = arith.constant 2 : i32
      %add3A_504 = arith.addi %add3A_465, %add3A_503 : i32
      %lt3A_505 = arith.constant 80 : i32
      %lt3A_506 = arith.cmpi slt, %add3A_504, %lt3A_505 : i32
      %convert_element_type3A_507 = arith.extui %lt3A_506 : i1 to i32
      %cond3A_508 = arith.constant 0 : i32
      %cond3A_509 = arith.cmpi ne, %convert_element_type3A_507, %cond3A_508 : i32
      scf.if %cond3A_509 {
        %dma_wait3A_510 = arith.constant 0 : i32
        %dma_wait3A_511 = arith.constant 0 : i32
        %dma_wait3A_512 = arith.constant 0 : i32
        %dma_wait3A_513 = tpu.memref_slice %arg10[%dma_wait3A_511, %dma_wait3A_512] : memref<4x128xi32, #tpu.memory_space<vmem>> -> memref<1x128xi32, #tpu.memory_space<vmem>>
        %dma_wait3A_514 = tpu.memref_squeeze %dma_wait3A_513 : memref<1x128xi32, #tpu.memory_space<vmem>> -> memref<128xi32, #tpu.memory_space<vmem>>
        %dma_wait3A_515 = arith.constant 0 : i32
        %dma_wait3A_516 = tpu.memref_slice %arg4[%dma_wait3A_510, %dma_wait3A_515] : memref<1280x128xi32, #tpu.memory_space<hbm>> -> memref<1x128xi32, #tpu.memory_space<hbm>>
        %dma_wait3A_517 = tpu.memref_squeeze %dma_wait3A_516 : memref<1x128xi32, #tpu.memory_space<hbm>> -> memref<128xi32, #tpu.memory_space<hbm>>
        %dma_wait3A_518 = arith.constant 0 : i32
        %dma_wait3A_519 = tpu.memref_slice %arg10[%dma_wait3A_511, %dma_wait3A_518] : memref<4x128xi32, #tpu.memory_space<vmem>> -> memref<1x128xi32, #tpu.memory_space<vmem>>
        %dma_wait3A_520 = tpu.memref_squeeze %dma_wait3A_519 : memref<1x128xi32, #tpu.memory_space<vmem>> -> memref<128xi32, #tpu.memory_space<vmem>>
        %dma_wait3A_521 = arith.constant 0 : i32
        %dma_wait3A_522 = tpu.memref_slice %arg4[%dma_wait3A_510, %dma_wait3A_521] : memref<1280x128xi32, #tpu.memory_space<hbm>> -> memref<1x128xi32, #tpu.memory_space<hbm>>
        %dma_wait3A_523 = tpu.memref_squeeze %dma_wait3A_522 : memref<1x128xi32, #tpu.memory_space<hbm>> -> memref<128xi32, #tpu.memory_space<hbm>>
        tpu.wait_dma2 semaphore(%arg11 : memref<!tpu.dma_semaphore, #tpu.memory_space<semaphore_mem>>) src(%dma_wait3A_523 : memref<128xi32, #tpu.memory_space<hbm>>) dst(%dma_wait3A_520 : memref<128xi32, #tpu.memory_space<vmem>>)
        %dma_wait3A_524 = arith.constant 0 : i32
        %dma_wait3A_525 = arith.constant 0 : i32
        %dma_wait3A_526 = arith.constant 0 : i32
        %dma_wait3A_527 = tpu.memref_slice %arg10[%dma_wait3A_525, %dma_wait3A_526] : memref<4x128xi32, #tpu.memory_space<vmem>> -> memref<1x128xi32, #tpu.memory_space<vmem>>
        %dma_wait3A_528 = tpu.memref_squeeze %dma_wait3A_527 : memref<1x128xi32, #tpu.memory_space<vmem>> -> memref<128xi32, #tpu.memory_space<vmem>>
        %dma_wait3A_529 = arith.constant 0 : i32
        %dma_wait3A_530 = tpu.memref_slice %arg4[%dma_wait3A_524, %dma_wait3A_529] : memref<1280x128xi32, #tpu.memory_space<hbm>> -> memref<1x128xi32, #tpu.memory_space<hbm>>
        %dma_wait3A_531 = tpu.memref_squeeze %dma_wait3A_530 : memref<1x128xi32, #tpu.memory_space<hbm>> -> memref<128xi32, #tpu.memory_space<hbm>>
        %dma_wait3A_532 = arith.constant 0 : i32
        %dma_wait3A_533 = tpu.memref_slice %arg10[%dma_wait3A_525, %dma_wait3A_532] : memref<4x128xi32, #tpu.memory_space<vmem>> -> memref<1x128xi32, #tpu.memory_space<vmem>>
        %dma_wait3A_534 = tpu.memref_squeeze %dma_wait3A_533 : memref<1x128xi32, #tpu.memory_space<vmem>> -> memref<128xi32, #tpu.memory_space<vmem>>
        %dma_wait3A_535 = arith.constant 0 : i32
        %dma_wait3A_536 = tpu.memref_slice %arg4[%dma_wait3A_524, %dma_wait3A_535] : memref<1280x128xi32, #tpu.memory_space<hbm>> -> memref<1x128xi32, #tpu.memory_space<hbm>>
        %dma_wait3A_537 = tpu.memref_squeeze %dma_wait3A_536 : memref<1x128xi32, #tpu.memory_space<hbm>> -> memref<128xi32, #tpu.memory_space<hbm>>
        tpu.wait_dma2 semaphore(%arg11 : memref<!tpu.dma_semaphore, #tpu.memory_space<semaphore_mem>>) src(%dma_wait3A_537 : memref<128xi32, #tpu.memory_space<hbm>>) dst(%dma_wait3A_534 : memref<128xi32, #tpu.memory_space<vmem>>)
        %add3A_538 = arith.constant 2 : i32
        %add3A_539 = arith.addi %add3A_465, %add3A_538 : i32
        %rem3A_540 = arith.constant 4 : i32
        %rem3A_541 = arith.remsi %add3A_539, %rem3A_540 : i32
        %rem3A_542 = arith.constant 3 : i32
        %rem3A_543 = arith.remsi %add3A_539, %rem3A_542 : i32
        %dma_start3A_544 = arith.constant 0 : i32
        %dma_start3A_545 = arith.constant 0 : i32
        %dma_start3A_546 = tpu.memref_slice %arg8[%rem3A_543, %dma_start3A_544, %dma_start3A_545] : memref<3x128x128xf32, #tpu.memory_space<vmem>> -> memref<1x128x128xf32, #tpu.memory_space<vmem>>
        %dma_start3A_547 = tpu.memref_squeeze %dma_start3A_546 : memref<1x128x128xf32, #tpu.memory_space<vmem>> -> memref<128x128xf32, #tpu.memory_space<vmem>>
        %dma_start3A_548 = arith.constant 0 : i32
        %dma_start3A_549 = tpu.memref_slice %arg9[%rem3A_541, %dma_start3A_548] : memref<4x128xi32, #tpu.memory_space<vmem>> -> memref<1x128xi32, #tpu.memory_space<vmem>>
        %dma_start3A_550 = tpu.memref_squeeze %dma_start3A_549 : memref<1x128xi32, #tpu.memory_space<vmem>> -> memref<128xi32, #tpu.memory_space<vmem>>
        %dma_start3A_551 = arith.constant 0 : i32
        %dma_start3A_552 = arith.constant 0 : i32
        %dma_start3A_553 = tpu.memref_slice %arg2[%dma_start3A_551, %dma_start3A_552] : memref<40000x128xf32, #tpu.memory_space<hbm>> -> memref<40000x128xf32, #tpu.memory_space<hbm>>
        tpu.enqueue_indirect_dma source(%dma_start3A_553 : memref<40000x128xf32, #tpu.memory_space<hbm>>) target(%dma_start3A_547 : memref<128x128xf32, #tpu.memory_space<vmem>>) offsets(%dma_start3A_550 : memref<128xi32, #tpu.memory_space<vmem>>) semaphore(%arg12 : memref<!tpu.dma_semaphore, #tpu.memory_space<semaphore_mem>>)
      } else {
      }
    }
    %scan3A_201 = arith.constant 80 : i32
    %dma_wait3A_202 = arith.constant 0 : i32
    %dma_wait3A_203 = arith.constant 0 : i32
    %dma_wait3A_204 = arith.constant 0 : i32
    %dma_wait3A_205 = arith.constant 0 : i32
    %dma_wait3A_206 = tpu.memref_slice %arg8[%dma_wait3A_202, %dma_wait3A_204, %dma_wait3A_205] : memref<3x128x128xf32, #tpu.memory_space<vmem>> -> memref<1x128x128xf32, #tpu.memory_space<vmem>>
    %dma_wait3A_207 = tpu.memref_squeeze %dma_wait3A_206 : memref<1x128x128xf32, #tpu.memory_space<vmem>> -> memref<128x128xf32, #tpu.memory_space<vmem>>
    %dma_wait3A_208 = arith.constant 0 : i32
    %dma_wait3A_209 = tpu.memref_slice %arg10[%dma_wait3A_203, %dma_wait3A_208] : memref<4x128xi32, #tpu.memory_space<vmem>> -> memref<1x128xi32, #tpu.memory_space<vmem>>
    %dma_wait3A_210 = tpu.memref_squeeze %dma_wait3A_209 : memref<1x128xi32, #tpu.memory_space<vmem>> -> memref<128xi32, #tpu.memory_space<vmem>>
    %dma_wait3A_211 = arith.constant 0 : i32
    %dma_wait3A_212 = arith.constant 0 : i32
    %dma_wait3A_213 = tpu.memref_slice %arg7[%dma_wait3A_211, %dma_wait3A_212] : memref<10016x128xf32, #tpu.memory_space<vmem_shared>> -> memref<10016x128xf32, #tpu.memory_space<vmem_shared>>
    tpu.wait_indirect_dma semaphore(%arg13 : memref<!tpu.dma_semaphore, #tpu.memory_space<semaphore_mem>>) src(%dma_wait3A_207 : memref<128x128xf32, #tpu.memory_space<vmem>>) dst(%dma_wait3A_213 : memref<10016x128xf32, #tpu.memory_space<vmem_shared>>)
    %barrier3A_214 = arith.constant 0 : index
    tpu.barrier barrier_id(%barrier3A_214)
    %lt3A_215 = arith.constant 15 : i32
    %lt3A_216 = arith.cmpi slt, %arg1, %lt3A_215 : i32
    %convert_element_type3A_217 = arith.extui %lt3A_216 : i1 to i32
    %cond3A_218 = arith.constant 0 : i32
    %cond3A_219 = arith.cmpi ne, %convert_element_type3A_217, %cond3A_218 : i32
    scf.if %cond3A_219 {
      %mul3A_461 = arith.constant 632 : i32
      %mul3A_462 = arith.muli %arg1, %mul3A_461 : i32
      %mul3A_463 = arith.constant 632 : i32
      %mul3A_464 = arith.muli %arg1, %mul3A_463 : i32
      "tpu.region"() ({
        %run_scoped3A = tpu.sem_alloc : memref<!tpu.dma_semaphore, #tpu.memory_space<semaphore_mem>>
        %dma_start3A_465 = arith.constant 0 : i32
        %dma_start3A_466 = tpu.memref_slice %arg6[%add3A_7, %mul3A_464, %dma_start3A_465] : memref<4x10016x128xf32, #tpu.memory_space<hbm>> -> memref<1x632x128xf32, #tpu.memory_space<hbm>>
        %dma_start3A_467 = tpu.memref_squeeze %dma_start3A_466 : memref<1x632x128xf32, #tpu.memory_space<hbm>> -> memref<632x128xf32, #tpu.memory_space<hbm>>
        %dma_start3A_468 = arith.constant 0 : i32
        %dma_start3A_469 = tpu.memref_slice %arg7[%mul3A_462, %dma_start3A_468] : memref<10016x128xf32, #tpu.memory_space<vmem_shared>> -> memref<632x128xf32, #tpu.memory_space<vmem_shared>>
        tpu.enqueue_dma source(%dma_start3A_469 : memref<632x128xf32, #tpu.memory_space<vmem_shared>>) target(%dma_start3A_467 : memref<632x128xf32, #tpu.memory_space<hbm>>) target_semaphore(%run_scoped3A : memref<!tpu.dma_semaphore, #tpu.memory_space<semaphore_mem>>)
        %dma_wait3A_470 = arith.constant 0 : i32
        %dma_wait3A_471 = tpu.memref_slice %arg6[%add3A_7, %mul3A_464, %dma_wait3A_470] : memref<4x10016x128xf32, #tpu.memory_space<hbm>> -> memref<1x632x128xf32, #tpu.memory_space<hbm>>
        %dma_wait3A_472 = tpu.memref_squeeze %dma_wait3A_471 : memref<1x632x128xf32, #tpu.memory_space<hbm>> -> memref<632x128xf32, #tpu.memory_space<hbm>>
        %dma_wait3A_473 = arith.constant 0 : i32
        %dma_wait3A_474 = tpu.memref_slice %arg7[%mul3A_462, %dma_wait3A_473] : memref<10016x128xf32, #tpu.memory_space<vmem_shared>> -> memref<632x128xf32, #tpu.memory_space<vmem_shared>>
        tpu.wait_dma2 semaphore(%run_scoped3A : memref<!tpu.dma_semaphore, #tpu.memory_space<semaphore_mem>>) src(%dma_wait3A_474 : memref<632x128xf32, #tpu.memory_space<vmem_shared>>) dst(%dma_wait3A_472 : memref<632x128xf32, #tpu.memory_space<hbm>>)
        tpu.yield
      }) : () -> ()
    } else {
    }
    %eq3A_220 = arith.constant 15 : i32
    %eq3A_221 = arith.cmpi eq, %arg1, %eq3A_220 : i32
    %convert_element_type3A_222 = arith.extui %eq3A_221 : i1 to i32
    %cond3A_223 = arith.constant 0 : i32
    %cond3A_224 = arith.cmpi ne, %convert_element_type3A_222, %cond3A_223 : i32
    scf.if %cond3A_224 {
      %mul3A_461 = arith.constant 632 : i32
      %mul3A_462 = arith.muli %arg1, %mul3A_461 : i32
      %mul3A_463 = arith.constant 632 : i32
      %mul3A_464 = arith.muli %arg1, %mul3A_463 : i32
      "tpu.region"() ({
        %run_scoped3A = tpu.sem_alloc : memref<!tpu.dma_semaphore, #tpu.memory_space<semaphore_mem>>
        %dma_start3A_465 = arith.constant 0 : i32
        %dma_start3A_466 = tpu.memref_slice %arg6[%add3A_7, %mul3A_464, %dma_start3A_465] : memref<4x10016x128xf32, #tpu.memory_space<hbm>> -> memref<1x536x128xf32, #tpu.memory_space<hbm>>
        %dma_start3A_467 = tpu.memref_squeeze %dma_start3A_466 : memref<1x536x128xf32, #tpu.memory_space<hbm>> -> memref<536x128xf32, #tpu.memory_space<hbm>>
        %dma_start3A_468 = arith.constant 0 : i32
        %dma_start3A_469 = tpu.memref_slice %arg7[%mul3A_462, %dma_start3A_468] : memref<10016x128xf32, #tpu.memory_space<vmem_shared>> -> memref<536x128xf32, #tpu.memory_space<vmem_shared>>
        tpu.enqueue_dma source(%dma_start3A_469 : memref<536x128xf32, #tpu.memory_space<vmem_shared>>) target(%dma_start3A_467 : memref<536x128xf32, #tpu.memory_space<hbm>>) target_semaphore(%run_scoped3A : memref<!tpu.dma_semaphore, #tpu.memory_space<semaphore_mem>>)
        %dma_wait3A_470 = arith.constant 0 : i32
        %dma_wait3A_471 = tpu.memref_slice %arg6[%add3A_7, %mul3A_464, %dma_wait3A_470] : memref<4x10016x128xf32, #tpu.memory_space<hbm>> -> memref<1x536x128xf32, #tpu.memory_space<hbm>>
        %dma_wait3A_472 = tpu.memref_squeeze %dma_wait3A_471 : memref<1x536x128xf32, #tpu.memory_space<hbm>> -> memref<536x128xf32, #tpu.memory_space<hbm>>
        %dma_wait3A_473 = arith.constant 0 : i32
        %dma_wait3A_474 = tpu.memref_slice %arg7[%mul3A_462, %dma_wait3A_473] : memref<10016x128xf32, #tpu.memory_space<vmem_shared>> -> memref<536x128xf32, #tpu.memory_space<vmem_shared>>
        tpu.wait_dma2 semaphore(%run_scoped3A : memref<!tpu.dma_semaphore, #tpu.memory_space<semaphore_mem>>) src(%dma_wait3A_474 : memref<536x128xf32, #tpu.memory_space<vmem_shared>>) dst(%dma_wait3A_472 : memref<536x128xf32, #tpu.memory_space<hbm>>)
        tpu.yield
      }) : () -> ()
    } else {
    }
    %lt3A_225 = arith.constant 15 : i32
    %lt3A_226 = arith.cmpi slt, %arg1, %lt3A_225 : i32
    %convert_element_type3A_227 = arith.extui %lt3A_226 : i1 to i32
    %cond3A_228 = arith.constant 0 : i32
    %cond3A_229 = arith.cmpi ne, %convert_element_type3A_227, %cond3A_228 : i32
    scf.if %cond3A_229 {
      %mul3A_461 = arith.constant 632 : i32
      %mul3A_462 = arith.muli %arg1, %mul3A_461 : i32
      "tpu.region"() ({
        %run_scoped3A = tpu.sem_alloc : memref<!tpu.dma_semaphore, #tpu.memory_space<semaphore_mem>>
        %dma_start3A_463 = arith.constant 0 : i32
        %dma_start3A_464 = tpu.memref_slice %arg7[%mul3A_462, %dma_start3A_463] : memref<10016x128xf32, #tpu.memory_space<vmem_shared>> -> memref<632x128xf32, #tpu.memory_space<vmem_shared>>
        %dma_start3A_465 = arith.constant 0 : i32
        %dma_start3A_466 = arith.constant 0 : i32
        %dma_start3A_467 = tpu.memref_slice %arg5[%dma_start3A_465, %dma_start3A_466] : memref<632x128xf32, #tpu.memory_space<hbm>> -> memref<632x128xf32, #tpu.memory_space<hbm>>
        tpu.enqueue_dma source(%dma_start3A_467 : memref<632x128xf32, #tpu.memory_space<hbm>>) target(%dma_start3A_464 : memref<632x128xf32, #tpu.memory_space<vmem_shared>>) target_semaphore(%run_scoped3A : memref<!tpu.dma_semaphore, #tpu.memory_space<semaphore_mem>>)
        %dma_wait3A_468 = arith.constant 0 : i32
        %dma_wait3A_469 = tpu.memref_slice %arg7[%mul3A_462, %dma_wait3A_468] : memref<10016x128xf32, #tpu.memory_space<vmem_shared>> -> memref<632x128xf32, #tpu.memory_space<vmem_shared>>
        %dma_wait3A_470 = arith.constant 0 : i32
        %dma_wait3A_471 = arith.constant 0 : i32
        %dma_wait3A_472 = tpu.memref_slice %arg5[%dma_wait3A_470, %dma_wait3A_471] : memref<632x128xf32, #tpu.memory_space<hbm>> -> memref<632x128xf32, #tpu.memory_space<hbm>>
        tpu.wait_dma2 semaphore(%run_scoped3A : memref<!tpu.dma_semaphore, #tpu.memory_space<semaphore_mem>>) src(%dma_wait3A_472 : memref<632x128xf32, #tpu.memory_space<hbm>>) dst(%dma_wait3A_469 : memref<632x128xf32, #tpu.memory_space<vmem_shared>>)
        tpu.yield
      }) : () -> ()
    } else {
    }
    %eq3A_230 = arith.constant 15 : i32
    %eq3A_231 = arith.cmpi eq, %arg1, %eq3A_230 : i32
    %convert_element_type3A_232 = arith.extui %eq3A_231 : i1 to i32
    %cond3A_233 = arith.constant 0 : i32
    %cond3A_234 = arith.cmpi ne, %convert_element_type3A_232, %cond3A_233 : i32
    scf.if %cond3A_234 {
      %mul3A_461 = arith.constant 632 : i32
      %mul3A_462 = arith.muli %arg1, %mul3A_461 : i32
      "tpu.region"() ({
        %run_scoped3A = tpu.sem_alloc : memref<!tpu.dma_semaphore, #tpu.memory_space<semaphore_mem>>
        %dma_start3A_463 = arith.constant 0 : i32
        %dma_start3A_464 = tpu.memref_slice %arg7[%mul3A_462, %dma_start3A_463] : memref<10016x128xf32, #tpu.memory_space<vmem_shared>> -> memref<536x128xf32, #tpu.memory_space<vmem_shared>>
        %dma_start3A_465 = arith.constant 0 : i32
        %dma_start3A_466 = arith.constant 0 : i32
        %dma_start3A_467 = tpu.memref_slice %arg5[%dma_start3A_465, %dma_start3A_466] : memref<632x128xf32, #tpu.memory_space<hbm>> -> memref<536x128xf32, #tpu.memory_space<hbm>>
        tpu.enqueue_dma source(%dma_start3A_467 : memref<536x128xf32, #tpu.memory_space<hbm>>) target(%dma_start3A_464 : memref<536x128xf32, #tpu.memory_space<vmem_shared>>) target_semaphore(%run_scoped3A : memref<!tpu.dma_semaphore, #tpu.memory_space<semaphore_mem>>)
        %dma_wait3A_468 = arith.constant 0 : i32
        %dma_wait3A_469 = tpu.memref_slice %arg7[%mul3A_462, %dma_wait3A_468] : memref<10016x128xf32, #tpu.memory_space<vmem_shared>> -> memref<536x128xf32, #tpu.memory_space<vmem_shared>>
        %dma_wait3A_470 = arith.constant 0 : i32
        %dma_wait3A_471 = arith.constant 0 : i32
        %dma_wait3A_472 = tpu.memref_slice %arg5[%dma_wait3A_470, %dma_wait3A_471] : memref<632x128xf32, #tpu.memory_space<hbm>> -> memref<536x128xf32, #tpu.memory_space<hbm>>
        tpu.wait_dma2 semaphore(%run_scoped3A : memref<!tpu.dma_semaphore, #tpu.memory_space<semaphore_mem>>) src(%dma_wait3A_472 : memref<536x128xf32, #tpu.memory_space<hbm>>) dst(%dma_wait3A_469 : memref<536x128xf32, #tpu.memory_space<vmem_shared>>)
        tpu.yield
      }) : () -> ()
    } else {
    }
    %barrier3A_235 = arith.constant 0 : index
    tpu.barrier barrier_id(%barrier3A_235)
    %mul3A_236 = arith.constant 2 : i32
    %mul3A_237 = arith.muli %arg0, %mul3A_236 : i32
    %add3A_238 = arith.constant 1 : i32
    %add3A_239 = arith.addi %mul3A_237, %add3A_238 : i32
    %rem3A_240 = arith.constant 0 : i32
    %rem3A_241 = arith.constant 4 : i32
    %rem3A_242 = arith.remsi %rem3A_240, %rem3A_241 : i32
    %mul3A_243 = arith.constant 80 : i32
    %mul3A_244 = arith.muli %arg1, %mul3A_243 : i32
    %add3A_245 = arith.constant 0 : i32
    %add3A_246 = arith.addi %mul3A_244, %add3A_245 : i32
    %dma_start3A_247 = arith.constant 0 : i32
    %dma_start3A_248 = tpu.memref_slice %arg9[%rem3A_242, %dma_start3A_247] : memref<4x128xi32, #tpu.memory_space<vmem>> -> memref<1x128xi32, #tpu.memory_space<vmem>>
    %dma_start3A_249 = tpu.memref_squeeze %dma_start3A_248 : memref<1x128xi32, #tpu.memory_space<vmem>> -> memref<128xi32, #tpu.memory_space<vmem>>
    %dma_start3A_250 = arith.constant 0 : i32
    %dma_start3A_251 = tpu.memref_slice %arg3[%add3A_239, %add3A_246, %dma_start3A_250] : memref<4x1280x128xi32, #tpu.memory_space<hbm>> -> memref<1x1x128xi32, #tpu.memory_space<hbm>>
    %dma_start3A_252 = tpu.memref_squeeze %dma_start3A_251 : memref<1x1x128xi32, #tpu.memory_space<hbm>> -> memref<128xi32, #tpu.memory_space<hbm>>
    %dma_start3A_253 = arith.constant 0 : i32
    %dma_start3A_254 = tpu.memref_slice %arg9[%rem3A_242, %dma_start3A_253] : memref<4x128xi32, #tpu.memory_space<vmem>> -> memref<1x128xi32, #tpu.memory_space<vmem>>
    %dma_start3A_255 = tpu.memref_squeeze %dma_start3A_254 : memref<1x128xi32, #tpu.memory_space<vmem>> -> memref<128xi32, #tpu.memory_space<vmem>>
    %dma_start3A_256 = arith.constant 0 : i32
    %dma_start3A_257 = tpu.memref_slice %arg3[%add3A_239, %add3A_246, %dma_start3A_256] : memref<4x1280x128xi32, #tpu.memory_space<hbm>> -> memref<1x1x128xi32, #tpu.memory_space<hbm>>
    %dma_start3A_258 = tpu.memref_squeeze %dma_start3A_257 : memref<1x1x128xi32, #tpu.memory_space<hbm>> -> memref<128xi32, #tpu.memory_space<hbm>>
    tpu.enqueue_dma source(%dma_start3A_258 : memref<128xi32, #tpu.memory_space<hbm>>) target(%dma_start3A_255 : memref<128xi32, #tpu.memory_space<vmem>>) target_semaphore(%arg11 : memref<!tpu.dma_semaphore, #tpu.memory_space<semaphore_mem>>)
    %mul3A_259 = arith.constant 80 : i32
    %mul3A_260 = arith.muli %arg1, %mul3A_259 : i32
    %add3A_261 = arith.constant 0 : i32
    %add3A_262 = arith.addi %mul3A_260, %add3A_261 : i32
    %dma_start3A_263 = arith.constant 0 : i32
    %dma_start3A_264 = tpu.memref_slice %arg10[%rem3A_242, %dma_start3A_263] : memref<4x128xi32, #tpu.memory_space<vmem>> -> memref<1x128xi32, #tpu.memory_space<vmem>>
    %dma_start3A_265 = tpu.memref_squeeze %dma_start3A_264 : memref<1x128xi32, #tpu.memory_space<vmem>> -> memref<128xi32, #tpu.memory_space<vmem>>
    %dma_start3A_266 = arith.constant 0 : i32
    %dma_start3A_267 = tpu.memref_slice %arg4[%add3A_262, %dma_start3A_266] : memref<1280x128xi32, #tpu.memory_space<hbm>> -> memref<1x128xi32, #tpu.memory_space<hbm>>
    %dma_start3A_268 = tpu.memref_squeeze %dma_start3A_267 : memref<1x128xi32, #tpu.memory_space<hbm>> -> memref<128xi32, #tpu.memory_space<hbm>>
    %dma_start3A_269 = arith.constant 0 : i32
    %dma_start3A_270 = tpu.memref_slice %arg10[%rem3A_242, %dma_start3A_269] : memref<4x128xi32, #tpu.memory_space<vmem>> -> memref<1x128xi32, #tpu.memory_space<vmem>>
    %dma_start3A_271 = tpu.memref_squeeze %dma_start3A_270 : memref<1x128xi32, #tpu.memory_space<vmem>> -> memref<128xi32, #tpu.memory_space<vmem>>
    %dma_start3A_272 = arith.constant 0 : i32
    %dma_start3A_273 = tpu.memref_slice %arg4[%add3A_262, %dma_start3A_272] : memref<1280x128xi32, #tpu.memory_space<hbm>> -> memref<1x128xi32, #tpu.memory_space<hbm>>
    %dma_start3A_274 = tpu.memref_squeeze %dma_start3A_273 : memref<1x128xi32, #tpu.memory_space<hbm>> -> memref<128xi32, #tpu.memory_space<hbm>>
    tpu.enqueue_dma source(%dma_start3A_274 : memref<128xi32, #tpu.memory_space<hbm>>) target(%dma_start3A_271 : memref<128xi32, #tpu.memory_space<vmem>>) target_semaphore(%arg11 : memref<!tpu.dma_semaphore, #tpu.memory_space<semaphore_mem>>)
    %rem3A_275 = arith.constant 1 : i32
    %rem3A_276 = arith.constant 4 : i32
    %rem3A_277 = arith.remsi %rem3A_275, %rem3A_276 : i32
    %mul3A_278 = arith.constant 80 : i32
    %mul3A_279 = arith.muli %arg1, %mul3A_278 : i32
    %add3A_280 = arith.constant 1 : i32
    %add3A_281 = arith.addi %mul3A_279, %add3A_280 : i32
    %dma_start3A_282 = arith.constant 0 : i32
    %dma_start3A_283 = tpu.memref_slice %arg9[%rem3A_277, %dma_start3A_282] : memref<4x128xi32, #tpu.memory_space<vmem>> -> memref<1x128xi32, #tpu.memory_space<vmem>>
    %dma_start3A_284 = tpu.memref_squeeze %dma_start3A_283 : memref<1x128xi32, #tpu.memory_space<vmem>> -> memref<128xi32, #tpu.memory_space<vmem>>
    %dma_start3A_285 = arith.constant 0 : i32
    %dma_start3A_286 = tpu.memref_slice %arg3[%add3A_239, %add3A_281, %dma_start3A_285] : memref<4x1280x128xi32, #tpu.memory_space<hbm>> -> memref<1x1x128xi32, #tpu.memory_space<hbm>>
    %dma_start3A_287 = tpu.memref_squeeze %dma_start3A_286 : memref<1x1x128xi32, #tpu.memory_space<hbm>> -> memref<128xi32, #tpu.memory_space<hbm>>
    %dma_start3A_288 = arith.constant 0 : i32
    %dma_start3A_289 = tpu.memref_slice %arg9[%rem3A_277, %dma_start3A_288] : memref<4x128xi32, #tpu.memory_space<vmem>> -> memref<1x128xi32, #tpu.memory_space<vmem>>
    %dma_start3A_290 = tpu.memref_squeeze %dma_start3A_289 : memref<1x128xi32, #tpu.memory_space<vmem>> -> memref<128xi32, #tpu.memory_space<vmem>>
    %dma_start3A_291 = arith.constant 0 : i32
    %dma_start3A_292 = tpu.memref_slice %arg3[%add3A_239, %add3A_281, %dma_start3A_291] : memref<4x1280x128xi32, #tpu.memory_space<hbm>> -> memref<1x1x128xi32, #tpu.memory_space<hbm>>
    %dma_start3A_293 = tpu.memref_squeeze %dma_start3A_292 : memref<1x1x128xi32, #tpu.memory_space<hbm>> -> memref<128xi32, #tpu.memory_space<hbm>>
    tpu.enqueue_dma source(%dma_start3A_293 : memref<128xi32, #tpu.memory_space<hbm>>) target(%dma_start3A_290 : memref<128xi32, #tpu.memory_space<vmem>>) target_semaphore(%arg11 : memref<!tpu.dma_semaphore, #tpu.memory_space<semaphore_mem>>)
    %mul3A_294 = arith.constant 80 : i32
    %mul3A_295 = arith.muli %arg1, %mul3A_294 : i32
    %add3A_296 = arith.constant 1 : i32
    %add3A_297 = arith.addi %mul3A_295, %add3A_296 : i32
    %dma_start3A_298 = arith.constant 0 : i32
    %dma_start3A_299 = tpu.memref_slice %arg10[%rem3A_277, %dma_start3A_298] : memref<4x128xi32, #tpu.memory_space<vmem>> -> memref<1x128xi32, #tpu.memory_space<vmem>>
    %dma_start3A_300 = tpu.memref_squeeze %dma_start3A_299 : memref<1x128xi32, #tpu.memory_space<vmem>> -> memref<128xi32, #tpu.memory_space<vmem>>
    %dma_start3A_301 = arith.constant 0 : i32
    %dma_start3A_302 = tpu.memref_slice %arg4[%add3A_297, %dma_start3A_301] : memref<1280x128xi32, #tpu.memory_space<hbm>> -> memref<1x128xi32, #tpu.memory_space<hbm>>
    %dma_start3A_303 = tpu.memref_squeeze %dma_start3A_302 : memref<1x128xi32, #tpu.memory_space<hbm>> -> memref<128xi32, #tpu.memory_space<hbm>>
    %dma_start3A_304 = arith.constant 0 : i32
    %dma_start3A_305 = tpu.memref_slice %arg10[%rem3A_277, %dma_start3A_304] : memref<4x128xi32, #tpu.memory_space<vmem>> -> memref<1x128xi32, #tpu.memory_space<vmem>>
    %dma_start3A_306 = tpu.memref_squeeze %dma_start3A_305 : memref<1x128xi32, #tpu.memory_space<vmem>> -> memref<128xi32, #tpu.memory_space<vmem>>
    %dma_start3A_307 = arith.constant 0 : i32
    %dma_start3A_308 = tpu.memref_slice %arg4[%add3A_297, %dma_start3A_307] : memref<1280x128xi32, #tpu.memory_space<hbm>> -> memref<1x128xi32, #tpu.memory_space<hbm>>
    %dma_start3A_309 = tpu.memref_squeeze %dma_start3A_308 : memref<1x128xi32, #tpu.memory_space<hbm>> -> memref<128xi32, #tpu.memory_space<hbm>>
    tpu.enqueue_dma source(%dma_start3A_309 : memref<128xi32, #tpu.memory_space<hbm>>) target(%dma_start3A_306 : memref<128xi32, #tpu.memory_space<vmem>>) target_semaphore(%arg11 : memref<!tpu.dma_semaphore, #tpu.memory_space<semaphore_mem>>)
    %rem3A_310 = arith.constant 2 : i32
    %rem3A_311 = arith.constant 4 : i32
    %rem3A_312 = arith.remsi %rem3A_310, %rem3A_311 : i32
    %mul3A_313 = arith.constant 80 : i32
    %mul3A_314 = arith.muli %arg1, %mul3A_313 : i32
    %add3A_315 = arith.constant 2 : i32
    %add3A_316 = arith.addi %mul3A_314, %add3A_315 : i32
    %dma_start3A_317 = arith.constant 0 : i32
    %dma_start3A_318 = tpu.memref_slice %arg9[%rem3A_312, %dma_start3A_317] : memref<4x128xi32, #tpu.memory_space<vmem>> -> memref<1x128xi32, #tpu.memory_space<vmem>>
    %dma_start3A_319 = tpu.memref_squeeze %dma_start3A_318 : memref<1x128xi32, #tpu.memory_space<vmem>> -> memref<128xi32, #tpu.memory_space<vmem>>
    %dma_start3A_320 = arith.constant 0 : i32
    %dma_start3A_321 = tpu.memref_slice %arg3[%add3A_239, %add3A_316, %dma_start3A_320] : memref<4x1280x128xi32, #tpu.memory_space<hbm>> -> memref<1x1x128xi32, #tpu.memory_space<hbm>>
    %dma_start3A_322 = tpu.memref_squeeze %dma_start3A_321 : memref<1x1x128xi32, #tpu.memory_space<hbm>> -> memref<128xi32, #tpu.memory_space<hbm>>
    %dma_start3A_323 = arith.constant 0 : i32
    %dma_start3A_324 = tpu.memref_slice %arg9[%rem3A_312, %dma_start3A_323] : memref<4x128xi32, #tpu.memory_space<vmem>> -> memref<1x128xi32, #tpu.memory_space<vmem>>
    %dma_start3A_325 = tpu.memref_squeeze %dma_start3A_324 : memref<1x128xi32, #tpu.memory_space<vmem>> -> memref<128xi32, #tpu.memory_space<vmem>>
    %dma_start3A_326 = arith.constant 0 : i32
    %dma_start3A_327 = tpu.memref_slice %arg3[%add3A_239, %add3A_316, %dma_start3A_326] : memref<4x1280x128xi32, #tpu.memory_space<hbm>> -> memref<1x1x128xi32, #tpu.memory_space<hbm>>
    %dma_start3A_328 = tpu.memref_squeeze %dma_start3A_327 : memref<1x1x128xi32, #tpu.memory_space<hbm>> -> memref<128xi32, #tpu.memory_space<hbm>>
    tpu.enqueue_dma source(%dma_start3A_328 : memref<128xi32, #tpu.memory_space<hbm>>) target(%dma_start3A_325 : memref<128xi32, #tpu.memory_space<vmem>>) target_semaphore(%arg11 : memref<!tpu.dma_semaphore, #tpu.memory_space<semaphore_mem>>)
    %mul3A_329 = arith.constant 80 : i32
    %mul3A_330 = arith.muli %arg1, %mul3A_329 : i32
    %add3A_331 = arith.constant 2 : i32
    %add3A_332 = arith.addi %mul3A_330, %add3A_331 : i32
    %dma_start3A_333 = arith.constant 0 : i32
    %dma_start3A_334 = tpu.memref_slice %arg10[%rem3A_312, %dma_start3A_333] : memref<4x128xi32, #tpu.memory_space<vmem>> -> memref<1x128xi32, #tpu.memory_space<vmem>>
    %dma_start3A_335 = tpu.memref_squeeze %dma_start3A_334 : memref<1x128xi32, #tpu.memory_space<vmem>> -> memref<128xi32, #tpu.memory_space<vmem>>
    %dma_start3A_336 = arith.constant 0 : i32
    %dma_start3A_337 = tpu.memref_slice %arg4[%add3A_332, %dma_start3A_336] : memref<1280x128xi32, #tpu.memory_space<hbm>> -> memref<1x128xi32, #tpu.memory_space<hbm>>
    %dma_start3A_338 = tpu.memref_squeeze %dma_start3A_337 : memref<1x128xi32, #tpu.memory_space<hbm>> -> memref<128xi32, #tpu.memory_space<hbm>>
    %dma_start3A_339 = arith.constant 0 : i32
    %dma_start3A_340 = tpu.memref_slice %arg10[%rem3A_312, %dma_start3A_339] : memref<4x128xi32, #tpu.memory_space<vmem>> -> memref<1x128xi32, #tpu.memory_space<vmem>>
    %dma_start3A_341 = tpu.memref_squeeze %dma_start3A_340 : memref<1x128xi32, #tpu.memory_space<vmem>> -> memref<128xi32, #tpu.memory_space<vmem>>
    %dma_start3A_342 = arith.constant 0 : i32
    %dma_start3A_343 = tpu.memref_slice %arg4[%add3A_332, %dma_start3A_342] : memref<1280x128xi32, #tpu.memory_space<hbm>> -> memref<1x128xi32, #tpu.memory_space<hbm>>
    %dma_start3A_344 = tpu.memref_squeeze %dma_start3A_343 : memref<1x128xi32, #tpu.memory_space<hbm>> -> memref<128xi32, #tpu.memory_space<hbm>>
    tpu.enqueue_dma source(%dma_start3A_344 : memref<128xi32, #tpu.memory_space<hbm>>) target(%dma_start3A_341 : memref<128xi32, #tpu.memory_space<vmem>>) target_semaphore(%arg11 : memref<!tpu.dma_semaphore, #tpu.memory_space<semaphore_mem>>)
    %dma_wait3A_345 = arith.constant 0 : i32
    %dma_wait3A_346 = arith.constant 0 : i32
    %dma_wait3A_347 = arith.constant 0 : i32
    %dma_wait3A_348 = tpu.memref_slice %arg10[%dma_wait3A_346, %dma_wait3A_347] : memref<4x128xi32, #tpu.memory_space<vmem>> -> memref<1x128xi32, #tpu.memory_space<vmem>>
    %dma_wait3A_349 = tpu.memref_squeeze %dma_wait3A_348 : memref<1x128xi32, #tpu.memory_space<vmem>> -> memref<128xi32, #tpu.memory_space<vmem>>
    %dma_wait3A_350 = arith.constant 0 : i32
    %dma_wait3A_351 = tpu.memref_slice %arg4[%dma_wait3A_345, %dma_wait3A_350] : memref<1280x128xi32, #tpu.memory_space<hbm>> -> memref<1x128xi32, #tpu.memory_space<hbm>>
    %dma_wait3A_352 = tpu.memref_squeeze %dma_wait3A_351 : memref<1x128xi32, #tpu.memory_space<hbm>> -> memref<128xi32, #tpu.memory_space<hbm>>
    %dma_wait3A_353 = arith.constant 0 : i32
    %dma_wait3A_354 = tpu.memref_slice %arg10[%dma_wait3A_346, %dma_wait3A_353] : memref<4x128xi32, #tpu.memory_space<vmem>> -> memref<1x128xi32, #tpu.memory_space<vmem>>
    %dma_wait3A_355 = tpu.memref_squeeze %dma_wait3A_354 : memref<1x128xi32, #tpu.memory_space<vmem>> -> memref<128xi32, #tpu.memory_space<vmem>>
    %dma_wait3A_356 = arith.constant 0 : i32
    %dma_wait3A_357 = tpu.memref_slice %arg4[%dma_wait3A_345, %dma_wait3A_356] : memref<1280x128xi32, #tpu.memory_space<hbm>> -> memref<1x128xi32, #tpu.memory_space<hbm>>
    %dma_wait3A_358 = tpu.memref_squeeze %dma_wait3A_357 : memref<1x128xi32, #tpu.memory_space<hbm>> -> memref<128xi32, #tpu.memory_space<hbm>>
    tpu.wait_dma2 semaphore(%arg11 : memref<!tpu.dma_semaphore, #tpu.memory_space<semaphore_mem>>) src(%dma_wait3A_358 : memref<128xi32, #tpu.memory_space<hbm>>) dst(%dma_wait3A_355 : memref<128xi32, #tpu.memory_space<vmem>>)
    %dma_wait3A_359 = arith.constant 0 : i32
    %dma_wait3A_360 = arith.constant 0 : i32
    %dma_wait3A_361 = arith.constant 0 : i32
    %dma_wait3A_362 = tpu.memref_slice %arg10[%dma_wait3A_360, %dma_wait3A_361] : memref<4x128xi32, #tpu.memory_space<vmem>> -> memref<1x128xi32, #tpu.memory_space<vmem>>
    %dma_wait3A_363 = tpu.memref_squeeze %dma_wait3A_362 : memref<1x128xi32, #tpu.memory_space<vmem>> -> memref<128xi32, #tpu.memory_space<vmem>>
    %dma_wait3A_364 = arith.constant 0 : i32
    %dma_wait3A_365 = tpu.memref_slice %arg4[%dma_wait3A_359, %dma_wait3A_364] : memref<1280x128xi32, #tpu.memory_space<hbm>> -> memref<1x128xi32, #tpu.memory_space<hbm>>
    %dma_wait3A_366 = tpu.memref_squeeze %dma_wait3A_365 : memref<1x128xi32, #tpu.memory_space<hbm>> -> memref<128xi32, #tpu.memory_space<hbm>>
    %dma_wait3A_367 = arith.constant 0 : i32
    %dma_wait3A_368 = tpu.memref_slice %arg10[%dma_wait3A_360, %dma_wait3A_367] : memref<4x128xi32, #tpu.memory_space<vmem>> -> memref<1x128xi32, #tpu.memory_space<vmem>>
    %dma_wait3A_369 = tpu.memref_squeeze %dma_wait3A_368 : memref<1x128xi32, #tpu.memory_space<vmem>> -> memref<128xi32, #tpu.memory_space<vmem>>
    %dma_wait3A_370 = arith.constant 0 : i32
    %dma_wait3A_371 = tpu.memref_slice %arg4[%dma_wait3A_359, %dma_wait3A_370] : memref<1280x128xi32, #tpu.memory_space<hbm>> -> memref<1x128xi32, #tpu.memory_space<hbm>>
    %dma_wait3A_372 = tpu.memref_squeeze %dma_wait3A_371 : memref<1x128xi32, #tpu.memory_space<hbm>> -> memref<128xi32, #tpu.memory_space<hbm>>
    tpu.wait_dma2 semaphore(%arg11 : memref<!tpu.dma_semaphore, #tpu.memory_space<semaphore_mem>>) src(%dma_wait3A_372 : memref<128xi32, #tpu.memory_space<hbm>>) dst(%dma_wait3A_369 : memref<128xi32, #tpu.memory_space<vmem>>)
    %rem3A_373 = arith.constant 0 : i32
    %rem3A_374 = arith.constant 4 : i32
    %rem3A_375 = arith.remsi %rem3A_373, %rem3A_374 : i32
    %rem3A_376 = arith.constant 0 : i32
    %rem3A_377 = arith.constant 3 : i32
    %rem3A_378 = arith.remsi %rem3A_376, %rem3A_377 : i32
    %dma_start3A_379 = arith.constant 0 : i32
    %dma_start3A_380 = arith.constant 0 : i32
    %dma_start3A_381 = tpu.memref_slice %arg8[%rem3A_378, %dma_start3A_379, %dma_start3A_380] : memref<3x128x128xf32, #tpu.memory_space<vmem>> -> memref<1x128x128xf32, #tpu.memory_space<vmem>>
    %dma_start3A_382 = tpu.memref_squeeze %dma_start3A_381 : memref<1x128x128xf32, #tpu.memory_space<vmem>> -> memref<128x128xf32, #tpu.memory_space<vmem>>
    %dma_start3A_383 = arith.constant 0 : i32
    %dma_start3A_384 = tpu.memref_slice %arg9[%rem3A_375, %dma_start3A_383] : memref<4x128xi32, #tpu.memory_space<vmem>> -> memref<1x128xi32, #tpu.memory_space<vmem>>
    %dma_start3A_385 = tpu.memref_squeeze %dma_start3A_384 : memref<1x128xi32, #tpu.memory_space<vmem>> -> memref<128xi32, #tpu.memory_space<vmem>>
    %dma_start3A_386 = arith.constant 0 : i32
    %dma_start3A_387 = arith.constant 0 : i32
    %dma_start3A_388 = tpu.memref_slice %arg2[%dma_start3A_386, %dma_start3A_387] : memref<40000x128xf32, #tpu.memory_space<hbm>> -> memref<40000x128xf32, #tpu.memory_space<hbm>>
    tpu.enqueue_indirect_dma source(%dma_start3A_388 : memref<40000x128xf32, #tpu.memory_space<hbm>>) target(%dma_start3A_382 : memref<128x128xf32, #tpu.memory_space<vmem>>) offsets(%dma_start3A_385 : memref<128xi32, #tpu.memory_space<vmem>>) semaphore(%arg12 : memref<!tpu.dma_semaphore, #tpu.memory_space<semaphore_mem>>)
    %dma_wait3A_389 = arith.constant 0 : i32
    %dma_wait3A_390 = arith.constant 0 : i32
    %dma_wait3A_391 = arith.constant 0 : i32
    %dma_wait3A_392 = tpu.memref_slice %arg10[%dma_wait3A_390, %dma_wait3A_391] : memref<4x128xi32, #tpu.memory_space<vmem>> -> memref<1x128xi32, #tpu.memory_space<vmem>>
    %dma_wait3A_393 = tpu.memref_squeeze %dma_wait3A_392 : memref<1x128xi32, #tpu.memory_space<vmem>> -> memref<128xi32, #tpu.memory_space<vmem>>
    %dma_wait3A_394 = arith.constant 0 : i32
    %dma_wait3A_395 = tpu.memref_slice %arg4[%dma_wait3A_389, %dma_wait3A_394] : memref<1280x128xi32, #tpu.memory_space<hbm>> -> memref<1x128xi32, #tpu.memory_space<hbm>>
    %dma_wait3A_396 = tpu.memref_squeeze %dma_wait3A_395 : memref<1x128xi32, #tpu.memory_space<hbm>> -> memref<128xi32, #tpu.memory_space<hbm>>
    %dma_wait3A_397 = arith.constant 0 : i32
    %dma_wait3A_398 = tpu.memref_slice %arg10[%dma_wait3A_390, %dma_wait3A_397] : memref<4x128xi32, #tpu.memory_space<vmem>> -> memref<1x128xi32, #tpu.memory_space<vmem>>
    %dma_wait3A_399 = tpu.memref_squeeze %dma_wait3A_398 : memref<1x128xi32, #tpu.memory_space<vmem>> -> memref<128xi32, #tpu.memory_space<vmem>>
    %dma_wait3A_400 = arith.constant 0 : i32
    %dma_wait3A_401 = tpu.memref_slice %arg4[%dma_wait3A_389, %dma_wait3A_400] : memref<1280x128xi32, #tpu.memory_space<hbm>> -> memref<1x128xi32, #tpu.memory_space<hbm>>
    %dma_wait3A_402 = tpu.memref_squeeze %dma_wait3A_401 : memref<1x128xi32, #tpu.memory_space<hbm>> -> memref<128xi32, #tpu.memory_space<hbm>>
    tpu.wait_dma2 semaphore(%arg11 : memref<!tpu.dma_semaphore, #tpu.memory_space<semaphore_mem>>) src(%dma_wait3A_402 : memref<128xi32, #tpu.memory_space<hbm>>) dst(%dma_wait3A_399 : memref<128xi32, #tpu.memory_space<vmem>>)
    %dma_wait3A_403 = arith.constant 0 : i32
    %dma_wait3A_404 = arith.constant 0 : i32
    %dma_wait3A_405 = arith.constant 0 : i32
    %dma_wait3A_406 = tpu.memref_slice %arg10[%dma_wait3A_404, %dma_wait3A_405] : memref<4x128xi32, #tpu.memory_space<vmem>> -> memref<1x128xi32, #tpu.memory_space<vmem>>
    %dma_wait3A_407 = tpu.memref_squeeze %dma_wait3A_406 : memref<1x128xi32, #tpu.memory_space<vmem>> -> memref<128xi32, #tpu.memory_space<vmem>>
    %dma_wait3A_408 = arith.constant 0 : i32
    %dma_wait3A_409 = tpu.memref_slice %arg4[%dma_wait3A_403, %dma_wait3A_408] : memref<1280x128xi32, #tpu.memory_space<hbm>> -> memref<1x128xi32, #tpu.memory_space<hbm>>
    %dma_wait3A_410 = tpu.memref_squeeze %dma_wait3A_409 : memref<1x128xi32, #tpu.memory_space<hbm>> -> memref<128xi32, #tpu.memory_space<hbm>>
    %dma_wait3A_411 = arith.constant 0 : i32
    %dma_wait3A_412 = tpu.memref_slice %arg10[%dma_wait3A_404, %dma_wait3A_411] : memref<4x128xi32, #tpu.memory_space<vmem>> -> memref<1x128xi32, #tpu.memory_space<vmem>>
    %dma_wait3A_413 = tpu.memref_squeeze %dma_wait3A_412 : memref<1x128xi32, #tpu.memory_space<vmem>> -> memref<128xi32, #tpu.memory_space<vmem>>
    %dma_wait3A_414 = arith.constant 0 : i32
    %dma_wait3A_415 = tpu.memref_slice %arg4[%dma_wait3A_403, %dma_wait3A_414] : memref<1280x128xi32, #tpu.memory_space<hbm>> -> memref<1x128xi32, #tpu.memory_space<hbm>>
    %dma_wait3A_416 = tpu.memref_squeeze %dma_wait3A_415 : memref<1x128xi32, #tpu.memory_space<hbm>> -> memref<128xi32, #tpu.memory_space<hbm>>
    tpu.wait_dma2 semaphore(%arg11 : memref<!tpu.dma_semaphore, #tpu.memory_space<semaphore_mem>>) src(%dma_wait3A_416 : memref<128xi32, #tpu.memory_space<hbm>>) dst(%dma_wait3A_413 : memref<128xi32, #tpu.memory_space<vmem>>)
    %rem3A_417 = arith.constant 1 : i32
    %rem3A_418 = arith.constant 4 : i32
    %rem3A_419 = arith.remsi %rem3A_417, %rem3A_418 : i32
    %rem3A_420 = arith.constant 1 : i32
    %rem3A_421 = arith.constant 3 : i32
    %rem3A_422 = arith.remsi %rem3A_420, %rem3A_421 : i32
    %dma_start3A_423 = arith.constant 0 : i32
    %dma_start3A_424 = arith.constant 0 : i32
    %dma_start3A_425 = tpu.memref_slice %arg8[%rem3A_422, %dma_start3A_423, %dma_start3A_424] : memref<3x128x128xf32, #tpu.memory_space<vmem>> -> memref<1x128x128xf32, #tpu.memory_space<vmem>>
    %dma_start3A_426 = tpu.memref_squeeze %dma_start3A_425 : memref<1x128x128xf32, #tpu.memory_space<vmem>> -> memref<128x128xf32, #tpu.memory_space<vmem>>
    %dma_start3A_427 = arith.constant 0 : i32
    %dma_start3A_428 = tpu.memref_slice %arg9[%rem3A_419, %dma_start3A_427] : memref<4x128xi32, #tpu.memory_space<vmem>> -> memref<1x128xi32, #tpu.memory_space<vmem>>
    %dma_start3A_429 = tpu.memref_squeeze %dma_start3A_428 : memref<1x128xi32, #tpu.memory_space<vmem>> -> memref<128xi32, #tpu.memory_space<vmem>>
    %dma_start3A_430 = arith.constant 0 : i32
    %dma_start3A_431 = arith.constant 0 : i32
    %dma_start3A_432 = tpu.memref_slice %arg2[%dma_start3A_430, %dma_start3A_431] : memref<40000x128xf32, #tpu.memory_space<hbm>> -> memref<40000x128xf32, #tpu.memory_space<hbm>>
    tpu.enqueue_indirect_dma source(%dma_start3A_432 : memref<40000x128xf32, #tpu.memory_space<hbm>>) target(%dma_start3A_426 : memref<128x128xf32, #tpu.memory_space<vmem>>) offsets(%dma_start3A_429 : memref<128xi32, #tpu.memory_space<vmem>>) semaphore(%arg12 : memref<!tpu.dma_semaphore, #tpu.memory_space<semaphore_mem>>)
    %scan3A_433 = arith.constant 0 : i32
    %scan3A_434 = arith.constant 80 : i32
    %scan3A_435 = arith.addi %scan3A_433, %scan3A_434 : i32
    %scan3A_436 = arith.constant 1 : i32
    scf.for %scan3A_461 = %scan3A_433 to %scan3A_435 step %scan3A_436  : i32 {
      %mul3A_462 = arith.constant 1 : i32
      %mul3A_463 = arith.muli %scan3A_461, %mul3A_462 : i32
      %add3A_464 = arith.constant 0 : i32
      %add3A_465 = arith.addi %add3A_464, %mul3A_463 : i32
      %dma_wait3A_466 = arith.constant 0 : i32
      %dma_wait3A_467 = arith.constant 0 : i32
      %dma_wait3A_468 = arith.constant 0 : i32
      %dma_wait3A_469 = arith.constant 0 : i32
      %dma_wait3A_470 = tpu.memref_slice %arg8[%dma_wait3A_467, %dma_wait3A_468, %dma_wait3A_469] : memref<3x128x128xf32, #tpu.memory_space<vmem>> -> memref<1x128x128xf32, #tpu.memory_space<vmem>>
      %dma_wait3A_471 = tpu.memref_squeeze %dma_wait3A_470 : memref<1x128x128xf32, #tpu.memory_space<vmem>> -> memref<128x128xf32, #tpu.memory_space<vmem>>
      %dma_wait3A_472 = arith.constant 0 : i32
      %dma_wait3A_473 = tpu.memref_slice %arg9[%dma_wait3A_466, %dma_wait3A_472] : memref<4x128xi32, #tpu.memory_space<vmem>> -> memref<1x128xi32, #tpu.memory_space<vmem>>
      %dma_wait3A_474 = tpu.memref_squeeze %dma_wait3A_473 : memref<1x128xi32, #tpu.memory_space<vmem>> -> memref<128xi32, #tpu.memory_space<vmem>>
      %dma_wait3A_475 = arith.constant 0 : i32
      %dma_wait3A_476 = arith.constant 0 : i32
      %dma_wait3A_477 = tpu.memref_slice %arg2[%dma_wait3A_475, %dma_wait3A_476] : memref<40000x128xf32, #tpu.memory_space<hbm>> -> memref<40000x128xf32, #tpu.memory_space<hbm>>
      tpu.wait_indirect_dma semaphore(%arg12 : memref<!tpu.dma_semaphore, #tpu.memory_space<semaphore_mem>>) src(%dma_wait3A_477 : memref<40000x128xf32, #tpu.memory_space<hbm>>) dst(%dma_wait3A_471 : memref<128x128xf32, #tpu.memory_space<vmem>>)
      %rem3A_478 = arith.constant 3 : i32
      %rem3A_479 = arith.remsi %add3A_465, %rem3A_478 : i32
      %rem3A_480 = arith.constant 4 : i32
      %rem3A_481 = arith.remsi %add3A_465, %rem3A_480 : i32
      %dma_start3A_482 = arith.constant 0 : i32
      %dma_start3A_483 = arith.constant 0 : i32
      %dma_start3A_484 = tpu.memref_slice %arg8[%rem3A_479, %dma_start3A_482, %dma_start3A_483] : memref<3x128x128xf32, #tpu.memory_space<vmem>> -> memref<1x128x128xf32, #tpu.memory_space<vmem>>
      %dma_start3A_485 = tpu.memref_squeeze %dma_start3A_484 : memref<1x128x128xf32, #tpu.memory_space<vmem>> -> memref<128x128xf32, #tpu.memory_space<vmem>>
      %dma_start3A_486 = arith.constant 0 : i32
      %dma_start3A_487 = tpu.memref_slice %arg10[%rem3A_481, %dma_start3A_486] : memref<4x128xi32, #tpu.memory_space<vmem>> -> memref<1x128xi32, #tpu.memory_space<vmem>>
      %dma_start3A_488 = tpu.memref_squeeze %dma_start3A_487 : memref<1x128xi32, #tpu.memory_space<vmem>> -> memref<128xi32, #tpu.memory_space<vmem>>
      %dma_start3A_489 = arith.constant 0 : i32
      %dma_start3A_490 = arith.constant 0 : i32
      %dma_start3A_491 = tpu.memref_slice %arg7[%dma_start3A_489, %dma_start3A_490] : memref<10016x128xf32, #tpu.memory_space<vmem_shared>> -> memref<10016x128xf32, #tpu.memory_space<vmem_shared>>
      tpu.enqueue_indirect_dma source(%dma_start3A_485 : memref<128x128xf32, #tpu.memory_space<vmem>>) target(%dma_start3A_491 : memref<10016x128xf32, #tpu.memory_space<vmem_shared>>) offsets(%dma_start3A_488 : memref<128xi32, #tpu.memory_space<vmem>>) semaphore(%arg13 : memref<!tpu.dma_semaphore, #tpu.memory_space<semaphore_mem>>) {add = true}
      %ge3A = arith.constant 1 : i32
      %ge3A_492 = arith.cmpi sge, %add3A_465, %ge3A : i32
      %convert_element_type3A_493 = arith.extui %ge3A_492 : i1 to i32
      %cond3A_494 = arith.constant 0 : i32
      %cond3A_495 = arith.cmpi ne, %convert_element_type3A_493, %cond3A_494 : i32
      scf.if %cond3A_495 {
        %dma_wait3A_510 = arith.constant 0 : i32
        %dma_wait3A_511 = arith.constant 0 : i32
        %dma_wait3A_512 = arith.constant 0 : i32
        %dma_wait3A_513 = arith.constant 0 : i32
        %dma_wait3A_514 = tpu.memref_slice %arg8[%dma_wait3A_510, %dma_wait3A_512, %dma_wait3A_513] : memref<3x128x128xf32, #tpu.memory_space<vmem>> -> memref<1x128x128xf32, #tpu.memory_space<vmem>>
        %dma_wait3A_515 = tpu.memref_squeeze %dma_wait3A_514 : memref<1x128x128xf32, #tpu.memory_space<vmem>> -> memref<128x128xf32, #tpu.memory_space<vmem>>
        %dma_wait3A_516 = arith.constant 0 : i32
        %dma_wait3A_517 = tpu.memref_slice %arg10[%dma_wait3A_511, %dma_wait3A_516] : memref<4x128xi32, #tpu.memory_space<vmem>> -> memref<1x128xi32, #tpu.memory_space<vmem>>
        %dma_wait3A_518 = tpu.memref_squeeze %dma_wait3A_517 : memref<1x128xi32, #tpu.memory_space<vmem>> -> memref<128xi32, #tpu.memory_space<vmem>>
        %dma_wait3A_519 = arith.constant 0 : i32
        %dma_wait3A_520 = arith.constant 0 : i32
        %dma_wait3A_521 = tpu.memref_slice %arg7[%dma_wait3A_519, %dma_wait3A_520] : memref<10016x128xf32, #tpu.memory_space<vmem_shared>> -> memref<10016x128xf32, #tpu.memory_space<vmem_shared>>
        tpu.wait_indirect_dma semaphore(%arg13 : memref<!tpu.dma_semaphore, #tpu.memory_space<semaphore_mem>>) src(%dma_wait3A_515 : memref<128x128xf32, #tpu.memory_space<vmem>>) dst(%dma_wait3A_521 : memref<10016x128xf32, #tpu.memory_space<vmem_shared>>)
      } else {
      }
      %add3A_496 = arith.constant 3 : i32
      %add3A_497 = arith.addi %add3A_465, %add3A_496 : i32
      %lt3A_498 = arith.constant 80 : i32
      %lt3A_499 = arith.cmpi slt, %add3A_497, %lt3A_498 : i32
      %convert_element_type3A_500 = arith.extui %lt3A_499 : i1 to i32
      %cond3A_501 = arith.constant 0 : i32
      %cond3A_502 = arith.cmpi ne, %convert_element_type3A_500, %cond3A_501 : i32
      scf.if %cond3A_502 {
        %add3A_510 = arith.constant 3 : i32
        %add3A_511 = arith.addi %add3A_465, %add3A_510 : i32
        %rem3A_512 = arith.constant 4 : i32
        %rem3A_513 = arith.remsi %add3A_511, %rem3A_512 : i32
        %mul3A_514 = arith.constant 80 : i32
        %mul3A_515 = arith.muli %arg1, %mul3A_514 : i32
        %add3A_516 = arith.addi %mul3A_515, %add3A_511 : i32
        %dma_start3A_517 = arith.constant 0 : i32
        %dma_start3A_518 = tpu.memref_slice %arg9[%rem3A_513, %dma_start3A_517] : memref<4x128xi32, #tpu.memory_space<vmem>> -> memref<1x128xi32, #tpu.memory_space<vmem>>
        %dma_start3A_519 = tpu.memref_squeeze %dma_start3A_518 : memref<1x128xi32, #tpu.memory_space<vmem>> -> memref<128xi32, #tpu.memory_space<vmem>>
        %dma_start3A_520 = arith.constant 0 : i32
        %dma_start3A_521 = tpu.memref_slice %arg3[%add3A_239, %add3A_516, %dma_start3A_520] : memref<4x1280x128xi32, #tpu.memory_space<hbm>> -> memref<1x1x128xi32, #tpu.memory_space<hbm>>
        %dma_start3A_522 = tpu.memref_squeeze %dma_start3A_521 : memref<1x1x128xi32, #tpu.memory_space<hbm>> -> memref<128xi32, #tpu.memory_space<hbm>>
        %dma_start3A_523 = arith.constant 0 : i32
        %dma_start3A_524 = tpu.memref_slice %arg9[%rem3A_513, %dma_start3A_523] : memref<4x128xi32, #tpu.memory_space<vmem>> -> memref<1x128xi32, #tpu.memory_space<vmem>>
        %dma_start3A_525 = tpu.memref_squeeze %dma_start3A_524 : memref<1x128xi32, #tpu.memory_space<vmem>> -> memref<128xi32, #tpu.memory_space<vmem>>
        %dma_start3A_526 = arith.constant 0 : i32
        %dma_start3A_527 = tpu.memref_slice %arg3[%add3A_239, %add3A_516, %dma_start3A_526] : memref<4x1280x128xi32, #tpu.memory_space<hbm>> -> memref<1x1x128xi32, #tpu.memory_space<hbm>>
        %dma_start3A_528 = tpu.memref_squeeze %dma_start3A_527 : memref<1x1x128xi32, #tpu.memory_space<hbm>> -> memref<128xi32, #tpu.memory_space<hbm>>
        tpu.enqueue_dma source(%dma_start3A_528 : memref<128xi32, #tpu.memory_space<hbm>>) target(%dma_start3A_525 : memref<128xi32, #tpu.memory_space<vmem>>) target_semaphore(%arg11 : memref<!tpu.dma_semaphore, #tpu.memory_space<semaphore_mem>>)
        %mul3A_529 = arith.constant 80 : i32
        %mul3A_530 = arith.muli %arg1, %mul3A_529 : i32
        %add3A_531 = arith.addi %mul3A_530, %add3A_511 : i32
        %dma_start3A_532 = arith.constant 0 : i32
        %dma_start3A_533 = tpu.memref_slice %arg10[%rem3A_513, %dma_start3A_532] : memref<4x128xi32, #tpu.memory_space<vmem>> -> memref<1x128xi32, #tpu.memory_space<vmem>>
        %dma_start3A_534 = tpu.memref_squeeze %dma_start3A_533 : memref<1x128xi32, #tpu.memory_space<vmem>> -> memref<128xi32, #tpu.memory_space<vmem>>
        %dma_start3A_535 = arith.constant 0 : i32
        %dma_start3A_536 = tpu.memref_slice %arg4[%add3A_531, %dma_start3A_535] : memref<1280x128xi32, #tpu.memory_space<hbm>> -> memref<1x128xi32, #tpu.memory_space<hbm>>
        %dma_start3A_537 = tpu.memref_squeeze %dma_start3A_536 : memref<1x128xi32, #tpu.memory_space<hbm>> -> memref<128xi32, #tpu.memory_space<hbm>>
        %dma_start3A_538 = arith.constant 0 : i32
        %dma_start3A_539 = tpu.memref_slice %arg10[%rem3A_513, %dma_start3A_538] : memref<4x128xi32, #tpu.memory_space<vmem>> -> memref<1x128xi32, #tpu.memory_space<vmem>>
        %dma_start3A_540 = tpu.memref_squeeze %dma_start3A_539 : memref<1x128xi32, #tpu.memory_space<vmem>> -> memref<128xi32, #tpu.memory_space<vmem>>
        %dma_start3A_541 = arith.constant 0 : i32
        %dma_start3A_542 = tpu.memref_slice %arg4[%add3A_531, %dma_start3A_541] : memref<1280x128xi32, #tpu.memory_space<hbm>> -> memref<1x128xi32, #tpu.memory_space<hbm>>
        %dma_start3A_543 = tpu.memref_squeeze %dma_start3A_542 : memref<1x128xi32, #tpu.memory_space<hbm>> -> memref<128xi32, #tpu.memory_space<hbm>>
        tpu.enqueue_dma source(%dma_start3A_543 : memref<128xi32, #tpu.memory_space<hbm>>) target(%dma_start3A_540 : memref<128xi32, #tpu.memory_space<vmem>>) target_semaphore(%arg11 : memref<!tpu.dma_semaphore, #tpu.memory_space<semaphore_mem>>)
      } else {
      }
      %add3A_503 = arith.constant 2 : i32
      %add3A_504 = arith.addi %add3A_465, %add3A_503 : i32
      %lt3A_505 = arith.constant 80 : i32
      %lt3A_506 = arith.cmpi slt, %add3A_504, %lt3A_505 : i32
      %convert_element_type3A_507 = arith.extui %lt3A_506 : i1 to i32
      %cond3A_508 = arith.constant 0 : i32
      %cond3A_509 = arith.cmpi ne, %convert_element_type3A_507, %cond3A_508 : i32
      scf.if %cond3A_509 {
        %dma_wait3A_510 = arith.constant 0 : i32
        %dma_wait3A_511 = arith.constant 0 : i32
        %dma_wait3A_512 = arith.constant 0 : i32
        %dma_wait3A_513 = tpu.memref_slice %arg10[%dma_wait3A_511, %dma_wait3A_512] : memref<4x128xi32, #tpu.memory_space<vmem>> -> memref<1x128xi32, #tpu.memory_space<vmem>>
        %dma_wait3A_514 = tpu.memref_squeeze %dma_wait3A_513 : memref<1x128xi32, #tpu.memory_space<vmem>> -> memref<128xi32, #tpu.memory_space<vmem>>
        %dma_wait3A_515 = arith.constant 0 : i32
        %dma_wait3A_516 = tpu.memref_slice %arg4[%dma_wait3A_510, %dma_wait3A_515] : memref<1280x128xi32, #tpu.memory_space<hbm>> -> memref<1x128xi32, #tpu.memory_space<hbm>>
        %dma_wait3A_517 = tpu.memref_squeeze %dma_wait3A_516 : memref<1x128xi32, #tpu.memory_space<hbm>> -> memref<128xi32, #tpu.memory_space<hbm>>
        %dma_wait3A_518 = arith.constant 0 : i32
        %dma_wait3A_519 = tpu.memref_slice %arg10[%dma_wait3A_511, %dma_wait3A_518] : memref<4x128xi32, #tpu.memory_space<vmem>> -> memref<1x128xi32, #tpu.memory_space<vmem>>
        %dma_wait3A_520 = tpu.memref_squeeze %dma_wait3A_519 : memref<1x128xi32, #tpu.memory_space<vmem>> -> memref<128xi32, #tpu.memory_space<vmem>>
        %dma_wait3A_521 = arith.constant 0 : i32
        %dma_wait3A_522 = tpu.memref_slice %arg4[%dma_wait3A_510, %dma_wait3A_521] : memref<1280x128xi32, #tpu.memory_space<hbm>> -> memref<1x128xi32, #tpu.memory_space<hbm>>
        %dma_wait3A_523 = tpu.memref_squeeze %dma_wait3A_522 : memref<1x128xi32, #tpu.memory_space<hbm>> -> memref<128xi32, #tpu.memory_space<hbm>>
        tpu.wait_dma2 semaphore(%arg11 : memref<!tpu.dma_semaphore, #tpu.memory_space<semaphore_mem>>) src(%dma_wait3A_523 : memref<128xi32, #tpu.memory_space<hbm>>) dst(%dma_wait3A_520 : memref<128xi32, #tpu.memory_space<vmem>>)
        %dma_wait3A_524 = arith.constant 0 : i32
        %dma_wait3A_525 = arith.constant 0 : i32
        %dma_wait3A_526 = arith.constant 0 : i32
        %dma_wait3A_527 = tpu.memref_slice %arg10[%dma_wait3A_525, %dma_wait3A_526] : memref<4x128xi32, #tpu.memory_space<vmem>> -> memref<1x128xi32, #tpu.memory_space<vmem>>
        %dma_wait3A_528 = tpu.memref_squeeze %dma_wait3A_527 : memref<1x128xi32, #tpu.memory_space<vmem>> -> memref<128xi32, #tpu.memory_space<vmem>>
        %dma_wait3A_529 = arith.constant 0 : i32
        %dma_wait3A_530 = tpu.memref_slice %arg4[%dma_wait3A_524, %dma_wait3A_529] : memref<1280x128xi32, #tpu.memory_space<hbm>> -> memref<1x128xi32, #tpu.memory_space<hbm>>
        %dma_wait3A_531 = tpu.memref_squeeze %dma_wait3A_530 : memref<1x128xi32, #tpu.memory_space<hbm>> -> memref<128xi32, #tpu.memory_space<hbm>>
        %dma_wait3A_532 = arith.constant 0 : i32
        %dma_wait3A_533 = tpu.memref_slice %arg10[%dma_wait3A_525, %dma_wait3A_532] : memref<4x128xi32, #tpu.memory_space<vmem>> -> memref<1x128xi32, #tpu.memory_space<vmem>>
        %dma_wait3A_534 = tpu.memref_squeeze %dma_wait3A_533 : memref<1x128xi32, #tpu.memory_space<vmem>> -> memref<128xi32, #tpu.memory_space<vmem>>
        %dma_wait3A_535 = arith.constant 0 : i32
        %dma_wait3A_536 = tpu.memref_slice %arg4[%dma_wait3A_524, %dma_wait3A_535] : memref<1280x128xi32, #tpu.memory_space<hbm>> -> memref<1x128xi32, #tpu.memory_space<hbm>>
        %dma_wait3A_537 = tpu.memref_squeeze %dma_wait3A_536 : memref<1x128xi32, #tpu.memory_space<hbm>> -> memref<128xi32, #tpu.memory_space<hbm>>
        tpu.wait_dma2 semaphore(%arg11 : memref<!tpu.dma_semaphore, #tpu.memory_space<semaphore_mem>>) src(%dma_wait3A_537 : memref<128xi32, #tpu.memory_space<hbm>>) dst(%dma_wait3A_534 : memref<128xi32, #tpu.memory_space<vmem>>)
        %add3A_538 = arith.constant 2 : i32
        %add3A_539 = arith.addi %add3A_465, %add3A_538 : i32
        %rem3A_540 = arith.constant 4 : i32
        %rem3A_541 = arith.remsi %add3A_539, %rem3A_540 : i32
        %rem3A_542 = arith.constant 3 : i32
        %rem3A_543 = arith.remsi %add3A_539, %rem3A_542 : i32
        %dma_start3A_544 = arith.constant 0 : i32
        %dma_start3A_545 = arith.constant 0 : i32
        %dma_start3A_546 = tpu.memref_slice %arg8[%rem3A_543, %dma_start3A_544, %dma_start3A_545] : memref<3x128x128xf32, #tpu.memory_space<vmem>> -> memref<1x128x128xf32, #tpu.memory_space<vmem>>
        %dma_start3A_547 = tpu.memref_squeeze %dma_start3A_546 : memref<1x128x128xf32, #tpu.memory_space<vmem>> -> memref<128x128xf32, #tpu.memory_space<vmem>>
        %dma_start3A_548 = arith.constant 0 : i32
        %dma_start3A_549 = tpu.memref_slice %arg9[%rem3A_541, %dma_start3A_548] : memref<4x128xi32, #tpu.memory_space<vmem>> -> memref<1x128xi32, #tpu.memory_space<vmem>>
        %dma_start3A_550 = tpu.memref_squeeze %dma_start3A_549 : memref<1x128xi32, #tpu.memory_space<vmem>> -> memref<128xi32, #tpu.memory_space<vmem>>
        %dma_start3A_551 = arith.constant 0 : i32
        %dma_start3A_552 = arith.constant 0 : i32
        %dma_start3A_553 = tpu.memref_slice %arg2[%dma_start3A_551, %dma_start3A_552] : memref<40000x128xf32, #tpu.memory_space<hbm>> -> memref<40000x128xf32, #tpu.memory_space<hbm>>
        tpu.enqueue_indirect_dma source(%dma_start3A_553 : memref<40000x128xf32, #tpu.memory_space<hbm>>) target(%dma_start3A_547 : memref<128x128xf32, #tpu.memory_space<vmem>>) offsets(%dma_start3A_550 : memref<128xi32, #tpu.memory_space<vmem>>) semaphore(%arg12 : memref<!tpu.dma_semaphore, #tpu.memory_space<semaphore_mem>>)
      } else {
      }
    }
    %scan3A_437 = arith.constant 80 : i32
    %dma_wait3A_438 = arith.constant 0 : i32
    %dma_wait3A_439 = arith.constant 0 : i32
    %dma_wait3A_440 = arith.constant 0 : i32
    %dma_wait3A_441 = arith.constant 0 : i32
    %dma_wait3A_442 = tpu.memref_slice %arg8[%dma_wait3A_438, %dma_wait3A_440, %dma_wait3A_441] : memref<3x128x128xf32, #tpu.memory_space<vmem>> -> memref<1x128x128xf32, #tpu.memory_space<vmem>>
    %dma_wait3A_443 = tpu.memref_squeeze %dma_wait3A_442 : memref<1x128x128xf32, #tpu.memory_space<vmem>> -> memref<128x128xf32, #tpu.memory_space<vmem>>
    %dma_wait3A_444 = arith.constant 0 : i32
    %dma_wait3A_445 = tpu.memref_slice %arg10[%dma_wait3A_439, %dma_wait3A_444] : memref<4x128xi32, #tpu.memory_space<vmem>> -> memref<1x128xi32, #tpu.memory_space<vmem>>
    %dma_wait3A_446 = tpu.memref_squeeze %dma_wait3A_445 : memref<1x128xi32, #tpu.memory_space<vmem>> -> memref<128xi32, #tpu.memory_space<vmem>>
    %dma_wait3A_447 = arith.constant 0 : i32
    %dma_wait3A_448 = arith.constant 0 : i32
    %dma_wait3A_449 = tpu.memref_slice %arg7[%dma_wait3A_447, %dma_wait3A_448] : memref<10016x128xf32, #tpu.memory_space<vmem_shared>> -> memref<10016x128xf32, #tpu.memory_space<vmem_shared>>
    tpu.wait_indirect_dma semaphore(%arg13 : memref<!tpu.dma_semaphore, #tpu.memory_space<semaphore_mem>>) src(%dma_wait3A_443 : memref<128x128xf32, #tpu.memory_space<vmem>>) dst(%dma_wait3A_449 : memref<10016x128xf32, #tpu.memory_space<vmem_shared>>)
    %barrier3A_450 = arith.constant 0 : index
    tpu.barrier barrier_id(%barrier3A_450)
    %lt3A_451 = arith.constant 15 : i32
    %lt3A_452 = arith.cmpi slt, %arg1, %lt3A_451 : i32
    %convert_element_type3A_453 = arith.extui %lt3A_452 : i1 to i32
    %cond3A_454 = arith.constant 0 : i32
    %cond3A_455 = arith.cmpi ne, %convert_element_type3A_453, %cond3A_454 : i32
    scf.if %cond3A_455 {
      %mul3A_461 = arith.constant 632 : i32
      %mul3A_462 = arith.muli %arg1, %mul3A_461 : i32
      %mul3A_463 = arith.constant 632 : i32
      %mul3A_464 = arith.muli %arg1, %mul3A_463 : i32
      "tpu.region"() ({
        %run_scoped3A = tpu.sem_alloc : memref<!tpu.dma_semaphore, #tpu.memory_space<semaphore_mem>>
        %dma_start3A_465 = arith.constant 0 : i32
        %dma_start3A_466 = tpu.memref_slice %arg6[%add3A_239, %mul3A_464, %dma_start3A_465] : memref<4x10016x128xf32, #tpu.memory_space<hbm>> -> memref<1x632x128xf32, #tpu.memory_space<hbm>>
        %dma_start3A_467 = tpu.memref_squeeze %dma_start3A_466 : memref<1x632x128xf32, #tpu.memory_space<hbm>> -> memref<632x128xf32, #tpu.memory_space<hbm>>
        %dma_start3A_468 = arith.constant 0 : i32
        %dma_start3A_469 = tpu.memref_slice %arg7[%mul3A_462, %dma_start3A_468] : memref<10016x128xf32, #tpu.memory_space<vmem_shared>> -> memref<632x128xf32, #tpu.memory_space<vmem_shared>>
        tpu.enqueue_dma source(%dma_start3A_469 : memref<632x128xf32, #tpu.memory_space<vmem_shared>>) target(%dma_start3A_467 : memref<632x128xf32, #tpu.memory_space<hbm>>) target_semaphore(%run_scoped3A : memref<!tpu.dma_semaphore, #tpu.memory_space<semaphore_mem>>)
        %dma_wait3A_470 = arith.constant 0 : i32
        %dma_wait3A_471 = tpu.memref_slice %arg6[%add3A_239, %mul3A_464, %dma_wait3A_470] : memref<4x10016x128xf32, #tpu.memory_space<hbm>> -> memref<1x632x128xf32, #tpu.memory_space<hbm>>
        %dma_wait3A_472 = tpu.memref_squeeze %dma_wait3A_471 : memref<1x632x128xf32, #tpu.memory_space<hbm>> -> memref<632x128xf32, #tpu.memory_space<hbm>>
        %dma_wait3A_473 = arith.constant 0 : i32
        %dma_wait3A_474 = tpu.memref_slice %arg7[%mul3A_462, %dma_wait3A_473] : memref<10016x128xf32, #tpu.memory_space<vmem_shared>> -> memref<632x128xf32, #tpu.memory_space<vmem_shared>>
        tpu.wait_dma2 semaphore(%run_scoped3A : memref<!tpu.dma_semaphore, #tpu.memory_space<semaphore_mem>>) src(%dma_wait3A_474 : memref<632x128xf32, #tpu.memory_space<vmem_shared>>) dst(%dma_wait3A_472 : memref<632x128xf32, #tpu.memory_space<hbm>>)
        tpu.yield
      }) : () -> ()
    } else {
    }
    %eq3A_456 = arith.constant 15 : i32
    %eq3A_457 = arith.cmpi eq, %arg1, %eq3A_456 : i32
    %convert_element_type3A_458 = arith.extui %eq3A_457 : i1 to i32
    %cond3A_459 = arith.constant 0 : i32
    %cond3A_460 = arith.cmpi ne, %convert_element_type3A_458, %cond3A_459 : i32
    scf.if %cond3A_460 {
      %mul3A_461 = arith.constant 632 : i32
      %mul3A_462 = arith.muli %arg1, %mul3A_461 : i32
      %mul3A_463 = arith.constant 632 : i32
      %mul3A_464 = arith.muli %arg1, %mul3A_463 : i32
      "tpu.region"() ({
        %run_scoped3A = tpu.sem_alloc : memref<!tpu.dma_semaphore, #tpu.memory_space<semaphore_mem>>
        %dma_start3A_465 = arith.constant 0 : i32
        %dma_start3A_466 = tpu.memref_slice %arg6[%add3A_239, %mul3A_464, %dma_start3A_465] : memref<4x10016x128xf32, #tpu.memory_space<hbm>> -> memref<1x536x128xf32, #tpu.memory_space<hbm>>
        %dma_start3A_467 = tpu.memref_squeeze %dma_start3A_466 : memref<1x536x128xf32, #tpu.memory_space<hbm>> -> memref<536x128xf32, #tpu.memory_space<hbm>>
        %dma_start3A_468 = arith.constant 0 : i32
        %dma_start3A_469 = tpu.memref_slice %arg7[%mul3A_462, %dma_start3A_468] : memref<10016x128xf32, #tpu.memory_space<vmem_shared>> -> memref<536x128xf32, #tpu.memory_space<vmem_shared>>
        tpu.enqueue_dma source(%dma_start3A_469 : memref<536x128xf32, #tpu.memory_space<vmem_shared>>) target(%dma_start3A_467 : memref<536x128xf32, #tpu.memory_space<hbm>>) target_semaphore(%run_scoped3A : memref<!tpu.dma_semaphore, #tpu.memory_space<semaphore_mem>>)
        %dma_wait3A_470 = arith.constant 0 : i32
        %dma_wait3A_471 = tpu.memref_slice %arg6[%add3A_239, %mul3A_464, %dma_wait3A_470] : memref<4x10016x128xf32, #tpu.memory_space<hbm>> -> memref<1x536x128xf32, #tpu.memory_space<hbm>>
        %dma_wait3A_472 = tpu.memref_squeeze %dma_wait3A_471 : memref<1x536x128xf32, #tpu.memory_space<hbm>> -> memref<536x128xf32, #tpu.memory_space<hbm>>
        %dma_wait3A_473 = arith.constant 0 : i32
        %dma_wait3A_474 = tpu.memref_slice %arg7[%mul3A_462, %dma_wait3A_473] : memref<10016x128xf32, #tpu.memory_space<vmem_shared>> -> memref<536x128xf32, #tpu.memory_space<vmem_shared>>
        tpu.wait_dma2 semaphore(%run_scoped3A : memref<!tpu.dma_semaphore, #tpu.memory_space<semaphore_mem>>) src(%dma_wait3A_474 : memref<536x128xf32, #tpu.memory_space<vmem_shared>>) dst(%dma_wait3A_472 : memref<536x128xf32, #tpu.memory_space<hbm>>)
        tpu.yield
      }) : () -> ()
    } else {
    }
    return
  }
}

module attributes {stable_mosaic.version = 14 : i64} {
  func.func @_moe_body(%arg0: i32, %arg1: i32, %arg2: memref<2000x256xf32, #tpu.memory_space<vmem>>, %arg3: memref<2x2000x128xf32, #tpu.memory_space<vmem>>, %arg4: memref<2000x1xf32, #tpu.memory_space<vmem>>, %arg5: memref<1x8xf32, #tpu.memory_space<vmem>>, %arg6: memref<1x8xf32, #tpu.memory_space<vmem>>, %arg7: memref<1x256x512xbf16, #tpu.memory_space<vmem>>, %arg8: memref<1x1x512xf32, #tpu.memory_space<vmem>>, %arg9: memref<1x512x512xbf16, #tpu.memory_space<vmem>>, %arg10: memref<8x512xf32, #tpu.memory_space<vmem>>, %arg11: memref<2000x512xf32, #tpu.memory_space<vmem>>, %arg12: memref<2000x256xbf16, #tpu.memory_space<vmem>>, %arg13: memref<2000x8xf32, #tpu.memory_space<vmem>>) attributes {dimension_semantics = [#tpu.dimension_semantics<parallel>, #tpu.dimension_semantics<arbitrary>], iteration_bounds = array<i64: 5, 8>, scalar_prefetch = 0 : i64, scratch_operands = 2 : i64, tpu.core_type = #tpu.core_type<tc>, window_params = [{transform_indices = @transform_0, window_bounds = array<i64: 2000, 256>}, {transform_indices = @transform_1, window_bounds = array<i64: 2, 2000, 128>}, {transform_indices = @transform_2, window_bounds = array<i64: 2000, 1>}, {pipeline_mode = #tpu.pipeline_mode<synchronous>, transform_indices = @transform_3, window_bounds = array<i64: 1, 8>}, {pipeline_mode = #tpu.pipeline_mode<synchronous>, transform_indices = @transform_4, window_bounds = array<i64: 1, 8>}, {transform_indices = @transform_5, window_bounds = array<i64: 1, 256, 512>}, {transform_indices = @transform_6, window_bounds = array<i64: 1, 1, 512>}, {transform_indices = @transform_7, window_bounds = array<i64: 1, 512, 512>}, {pipeline_mode = #tpu.pipeline_mode<synchronous>, transform_indices = @transform_8, window_bounds = array<i64: 8, 512>}, {transform_indices = @transform_9, window_bounds = array<i64: 2000, 512>}]} {
    %eq3A = arith.constant 0 : i32
    %eq3A_0 = arith.cmpi eq, %arg1, %eq3A : i32
    %convert_element_type3A = arith.extui %eq3A_0 : i1 to i32
    %cond3A = arith.constant 0 : i32
    %cond3A_1 = arith.cmpi ne, %convert_element_type3A, %cond3A : i32
    scf.if %cond3A_1 {
      %get3A_48 = arith.constant 0 : index
      %get3A_49 = arith.constant 0 : index
      %get3A_50 = vector.load %arg4[%get3A_48, %get3A_49] : memref<2000x1xf32, #tpu.memory_space<vmem>>, vector<2000x1xf32>
      %max3A_51 = arith.constant 1.000000e+00 : f32
      %max3A_52 = vector.broadcast %max3A_51 : f32 to vector<2000x1xf32>
      %max3A_53 = arith.maximumf %get3A_50, %max3A_52 : vector<2000x1xf32>
      %div3A = arith.constant 1.000000e+00 : f32
      %div3A_54 = vector.broadcast %div3A : f32 to vector<2000x1xf32>
      %div3A_55 = arith.divf %div3A_54, %max3A_53 : vector<2000x1xf32>
      %get3A_56 = arith.constant 0 : index
      %get3A_57 = arith.constant 0 : index
      %get3A_58 = arith.constant 0 : index
      %get3A_59 = vector.load %arg3[%get3A_56, %get3A_57, %get3A_58] : memref<2x2000x128xf32, #tpu.memory_space<vmem>>, vector<1x2000x128xf32>
      %get3A_60 = vector.shape_cast %get3A_59 : vector<1x2000x128xf32> to vector<2000x128xf32>
      %get3A_61 = arith.constant 1 : index
      %get3A_62 = arith.constant 0 : index
      %get3A_63 = arith.constant 0 : index
      %get3A_64 = vector.load %arg3[%get3A_61, %get3A_62, %get3A_63] : memref<2x2000x128xf32, #tpu.memory_space<vmem>>, vector<1x2000x128xf32>
      %get3A_65 = vector.shape_cast %get3A_64 : vector<1x2000x128xf32> to vector<2000x128xf32>
      %concatenate3A = tpu.concatenate %get3A_60, %get3A_65 in 1 : vector<2000x128xf32>, vector<2000x128xf32> -> vector<2000x256xf32>
      %get3A_66 = arith.constant 0 : index
      %get3A_67 = arith.constant 0 : index
      %get3A_68 = vector.load %arg2[%get3A_66, %get3A_67] : memref<2000x256xf32, #tpu.memory_space<vmem>>, vector<2000x256xf32>
      %mul3A_69 = vector.broadcast %div3A_55 : vector<2000x1xf32> to vector<2000x256xf32>
      %mul3A_70 = arith.mulf %concatenate3A, %mul3A_69 : vector<2000x256xf32>
      %add3A_71 = arith.addf %get3A_68, %mul3A_70 : vector<2000x256xf32>
      %convert_element_type3A_72 = arith.truncf %add3A_71 : vector<2000x256xf32> to vector<2000x256xbf16>
      %swap3A = arith.constant 0 : index
      %swap3A_73 = arith.constant 0 : index
      %swap3A_74 = vector.load %arg12[%swap3A, %swap3A_73] : memref<2000x256xbf16, #tpu.memory_space<vmem>>, vector<2000x256xbf16>
      tpu.vector_store %arg12[%swap3A, %swap3A_73], %convert_element_type3A_72 {strides = array<i32>} : memref<2000x256xbf16, #tpu.memory_space<vmem>>, vector<2000x256xbf16>,
      %log1p3A = math.log1p %get3A_50 : vector<2000x1xf32>
      %get3A_75 = arith.constant 0 : index
      %get3A_76 = arith.constant 0 : index
      %get3A_77 = vector.load %arg5[%get3A_75, %get3A_76] : memref<1x8xf32, #tpu.memory_space<vmem>>, vector<1x8xf32>
      %mul3A_78 = vector.broadcast %log1p3A : vector<2000x1xf32> to vector<2000x8xf32>
      %mul3A_79 = vector.broadcast %get3A_77 : vector<1x8xf32> to vector<2000x8xf32>
      %mul3A_80 = arith.mulf %mul3A_78, %mul3A_79 : vector<2000x8xf32>
      %get3A_81 = arith.constant 0 : index
      %get3A_82 = arith.constant 0 : index
      %get3A_83 = vector.load %arg6[%get3A_81, %get3A_82] : memref<1x8xf32, #tpu.memory_space<vmem>>, vector<1x8xf32>
      %add3A_84 = vector.broadcast %get3A_83 : vector<1x8xf32> to vector<2000x8xf32>
      %add3A_85 = arith.addf %mul3A_80, %add3A_84 : vector<2000x8xf32>
      %iota3A_86 = tpu.iota {dimensions = array<i32: 1>} : vector<2000x8xi32>
      %reduce_max3A = arith.constant dense<0xFF800000> : vector<2000xf32>
      %reduce_max3A_87 = vector.multi_reduction <maximumf>, %add3A_85, %reduce_max3A [1] : vector<2000x8xf32> to vector<2000xf32>
      %broadcast_in_dim3A_88 = vector.shape_cast %reduce_max3A_87 : vector<2000xf32> to vector<2000x1xf32>
      %eq3A_89 = vector.broadcast %broadcast_in_dim3A_88 : vector<2000x1xf32> to vector<2000x8xf32>
      %eq3A_90 = arith.cmpf oeq, %add3A_85, %eq3A_89 : vector<2000x8xf32>
      %jit3A_91 = arith.constant 8 : i32
      %broadcast_in_dim3A_92 = vector.broadcast %jit3A_91 : i32 to vector<2000x8xi32>
      %select_n3A_93 = arith.select %eq3A_90, %iota3A_86, %broadcast_in_dim3A_92 : vector<2000x8xi1>, vector<2000x8xi32>
      %reduce_min3A = arith.constant dense<2147483647> : vector<2000xi32>
      %reduce_min3A_94 = vector.multi_reduction <minsi>, %select_n3A_93, %reduce_min3A [1] : vector<2000x8xi32> to vector<2000xi32>
      %broadcast_in_dim3A_95 = vector.shape_cast %reduce_min3A_94 : vector<2000xi32> to vector<2000x1xi32>
      %eq3A_96 = vector.broadcast %broadcast_in_dim3A_95 : vector<2000x1xi32> to vector<2000x8xi32>
      %eq3A_97 = arith.cmpi eq, %iota3A_86, %eq3A_96 : vector<2000x8xi32>
      %jit3A_98 = arith.constant -1.000000e+30 : f32
      %broadcast_in_dim3A_99 = vector.broadcast %jit3A_98 : f32 to vector<2000x8xf32>
      %select_n3A_100 = arith.select %eq3A_97, %broadcast_in_dim3A_99, %add3A_85 : vector<2000x8xi1>, vector<2000x8xf32>
      %reduce_max3A_101 = arith.constant dense<0xFF800000> : vector<2000xf32>
      %reduce_max3A_102 = vector.multi_reduction <maximumf>, %select_n3A_100, %reduce_max3A_101 [1] : vector<2000x8xf32> to vector<2000xf32>
      %broadcast_in_dim3A_103 = vector.shape_cast %reduce_max3A_102 : vector<2000xf32> to vector<2000x1xf32>
      %eq3A_104 = vector.broadcast %broadcast_in_dim3A_103 : vector<2000x1xf32> to vector<2000x8xf32>
      %eq3A_105 = arith.cmpf oeq, %select_n3A_100, %eq3A_104 : vector<2000x8xf32>
      %jit3A_106 = arith.constant 8 : i32
      %broadcast_in_dim3A_107 = vector.broadcast %jit3A_106 : i32 to vector<2000x8xi32>
      %select_n3A_108 = arith.select %eq3A_105, %iota3A_86, %broadcast_in_dim3A_107 : vector<2000x8xi1>, vector<2000x8xi32>
      %reduce_min3A_109 = arith.constant dense<2147483647> : vector<2000xi32>
      %reduce_min3A_110 = vector.multi_reduction <minsi>, %select_n3A_108, %reduce_min3A_109 [1] : vector<2000x8xi32> to vector<2000xi32>
      %broadcast_in_dim3A_111 = vector.shape_cast %reduce_min3A_110 : vector<2000xi32> to vector<2000x1xi32>
      %eq3A_112 = vector.broadcast %broadcast_in_dim3A_111 : vector<2000x1xi32> to vector<2000x8xi32>
      %eq3A_113 = arith.cmpi eq, %iota3A_86, %eq3A_112 : vector<2000x8xi32>
      %sub3A = arith.subf %broadcast_in_dim3A_103, %broadcast_in_dim3A_88 : vector<2000x1xf32>
      %exp3A = math.exp %sub3A : vector<2000x1xf32>
      %add3A_114 = arith.constant 1.000000e+00 : f32
      %add3A_115 = vector.broadcast %add3A_114 : f32 to vector<2000x1xf32>
      %add3A_116 = arith.addf %add3A_115, %exp3A : vector<2000x1xf32>
      %div3A_117 = arith.constant 1.000000e+00 : f32
      %div3A_118 = vector.broadcast %div3A_117 : f32 to vector<2000x1xf32>
      %div3A_119 = arith.divf %div3A_118, %add3A_116 : vector<2000x1xf32>
      %add3A_120 = arith.constant 1.000000e+00 : f32
      %add3A_121 = vector.broadcast %add3A_120 : f32 to vector<2000x1xf32>
      %add3A_122 = arith.addf %add3A_121, %exp3A : vector<2000x1xf32>
      %div3A_123 = arith.divf %exp3A, %add3A_122 : vector<2000x1xf32>
      %jit3A_124 = arith.constant 0.000000e+00 : f32
      %broadcast_in_dim3A_125 = vector.shape_cast %div3A_119 : vector<2000x1xf32> to vector<2000x1xf32>
      %broadcast_in_dim3A_126 = vector.broadcast %broadcast_in_dim3A_125 : vector<2000x1xf32> to vector<2000x8xf32>
      %broadcast_in_dim3A_127 = vector.broadcast %jit3A_124 : f32 to vector<2000x8xf32>
      %select_n3A_128 = arith.select %eq3A_97, %broadcast_in_dim3A_126, %broadcast_in_dim3A_127 : vector<2000x8xi1>, vector<2000x8xf32>
      %jit3A_129 = arith.constant 0.000000e+00 : f32
      %broadcast_in_dim3A_130 = vector.shape_cast %div3A_123 : vector<2000x1xf32> to vector<2000x1xf32>
      %broadcast_in_dim3A_131 = vector.broadcast %broadcast_in_dim3A_130 : vector<2000x1xf32> to vector<2000x8xf32>
      %broadcast_in_dim3A_132 = vector.broadcast %jit3A_129 : f32 to vector<2000x8xf32>
      %select_n3A_133 = arith.select %eq3A_113, %broadcast_in_dim3A_131, %broadcast_in_dim3A_132 : vector<2000x8xi1>, vector<2000x8xf32>
      %add3A_134 = arith.addf %select_n3A_128, %select_n3A_133 : vector<2000x8xf32>
      %swap3A_135 = arith.constant 0 : index
      %swap3A_136 = arith.constant 0 : index
      %swap3A_137 = vector.load %arg13[%swap3A_135, %swap3A_136] : memref<2000x8xf32, #tpu.memory_space<vmem>>, vector<2000x8xf32>
      tpu.vector_store %arg13[%swap3A_135, %swap3A_136], %add3A_134 {strides = array<i32>} : memref<2000x8xf32, #tpu.memory_space<vmem>>, vector<2000x8xf32>,
    } else {
    }
    %get3A = arith.constant 0 : index
    %get3A_2 = arith.constant 0 : index
    %get3A_3 = vector.load %arg12[%get3A, %get3A_2] : memref<2000x256xbf16, #tpu.memory_space<vmem>>, vector<2000x256xbf16>
    %get3A_4 = arith.constant 0 : index
    %get3A_5 = arith.constant 0 : index
    %get3A_6 = arith.constant 0 : index
    %get3A_7 = vector.load %arg7[%get3A_4, %get3A_5, %get3A_6] : memref<1x256x512xbf16, #tpu.memory_space<vmem>>, vector<1x256x512xbf16>
    %get3A_8 = vector.shape_cast %get3A_7 : vector<1x256x512xbf16> to vector<256x512xbf16>
    %dot_general3A = arith.constant dense<0.000000e+00> : vector<2000x512xf32>
    %dot_general3A_9 = tpu.matmul %get3A_3, %get3A_8, %dot_general3A {dimension_numbers = #tpu.dot_dimension_numbers<[1], [0], [0], [1], [0, 0, 1, 1], [], []>, transpose_lhs_hint = false} : vector<2000x256xbf16>, vector<256x512xbf16>, vector<2000x512xf32> -> vector<2000x512xf32>
    %get3A_10 = arith.constant 0 : index
    %get3A_11 = arith.constant 0 : index
    %get3A_12 = arith.constant 0 : index
    %get3A_13 = vector.load %arg8[%get3A_10, %get3A_11, %get3A_12] : memref<1x1x512xf32, #tpu.memory_space<vmem>>, vector<1x1x512xf32>
    %get3A_14 = vector.shape_cast %get3A_13 : vector<1x1x512xf32> to vector<1x512xf32>
    %add3A = vector.broadcast %get3A_14 : vector<1x512xf32> to vector<2000x512xf32>
    %add3A_15 = arith.addf %dot_general3A_9, %add3A : vector<2000x512xf32>
    %max3A = arith.constant 0.000000e+00 : f32
    %max3A_16 = vector.broadcast %max3A : f32 to vector<2000x512xf32>
    %max3A_17 = arith.maximumf %add3A_15, %max3A_16 : vector<2000x512xf32>
    %convert_element_type3A_18 = arith.truncf %max3A_17 : vector<2000x512xf32> to vector<2000x512xbf16>
    %get3A_19 = arith.constant 0 : index
    %get3A_20 = arith.constant 0 : index
    %get3A_21 = arith.constant 0 : index
    %get3A_22 = vector.load %arg9[%get3A_19, %get3A_20, %get3A_21] : memref<1x512x512xbf16, #tpu.memory_space<vmem>>, vector<1x512x512xbf16>
    %get3A_23 = vector.shape_cast %get3A_22 : vector<1x512x512xbf16> to vector<512x512xbf16>
    %dot_general3A_24 = arith.constant dense<0.000000e+00> : vector<2000x512xf32>
    %dot_general3A_25 = tpu.matmul %convert_element_type3A_18, %get3A_23, %dot_general3A_24 {dimension_numbers = #tpu.dot_dimension_numbers<[1], [0], [0], [1], [0, 0, 1, 1], [], []>, transpose_lhs_hint = false} : vector<2000x512xbf16>, vector<512x512xbf16>, vector<2000x512xf32> -> vector<2000x512xf32>
    %iota3A = tpu.iota {dimensions = array<i32: 1>} : vector<2000x8xi32>
    %eq3A_26 = vector.broadcast %arg1 : i32 to vector<2000x8xi32>
    %eq3A_27 = arith.cmpi eq, %iota3A, %eq3A_26 : vector<2000x8xi32>
    %get3A_28 = arith.constant 0 : index
    %get3A_29 = arith.constant 0 : index
    %get3A_30 = vector.load %arg13[%get3A_28, %get3A_29] : memref<2000x8xf32, #tpu.memory_space<vmem>>, vector<2000x8xf32>
    %jit3A = arith.constant 0.000000e+00 : f32
    %broadcast_in_dim3A = vector.broadcast %jit3A : f32 to vector<2000x8xf32>
    %select_n3A = arith.select %eq3A_27, %get3A_30, %broadcast_in_dim3A : vector<2000x8xi1>, vector<2000x8xf32>
    %reduce_sum3A = arith.constant dense<0.000000e+00> : vector<2000xf32>
    %reduce_sum3A_31 = vector.multi_reduction <add>, %select_n3A, %reduce_sum3A [1] : vector<2000x8xf32> to vector<2000xf32>
    %broadcast_in_dim3A_32 = vector.shape_cast %reduce_sum3A_31 : vector<2000xf32> to vector<2000x1xf32>
    %mul3A = vector.broadcast %broadcast_in_dim3A_32 : vector<2000x1xf32> to vector<2000x512xf32>
    %mul3A_33 = arith.mulf %mul3A, %dot_general3A_25 : vector<2000x512xf32>
    %eq3A_34 = arith.constant 0 : i32
    %eq3A_35 = arith.cmpi eq, %arg1, %eq3A_34 : i32
    %convert_element_type3A_36 = arith.extui %eq3A_35 : i1 to i32
    %cond3A_37 = arith.constant 0 : i32
    %cond3A_38 = arith.cmpi ne, %convert_element_type3A_36, %cond3A_37 : i32
    scf.if %cond3A_38 {
      %swap3A = arith.constant 0 : index
      %swap3A_48 = arith.constant 0 : index
      %swap3A_49 = vector.load %arg11[%swap3A, %swap3A_48] : memref<2000x512xf32, #tpu.memory_space<vmem>>, vector<2000x512xf32>
      tpu.vector_store %arg11[%swap3A, %swap3A_48], %mul3A_33 {strides = array<i32>} : memref<2000x512xf32, #tpu.memory_space<vmem>>, vector<2000x512xf32>,
    } else {
    }
    %gt3A = arith.constant 0 : i32
    %gt3A_39 = arith.cmpi sgt, %arg1, %gt3A : i32
    %convert_element_type3A_40 = arith.extui %gt3A_39 : i1 to i32
    %cond3A_41 = arith.constant 0 : i32
    %cond3A_42 = arith.cmpi ne, %convert_element_type3A_40, %cond3A_41 : i32
    scf.if %cond3A_42 {
      %get3A_48 = arith.constant 0 : index
      %get3A_49 = arith.constant 0 : index
      %get3A_50 = vector.load %arg11[%get3A_48, %get3A_49] : memref<2000x512xf32, #tpu.memory_space<vmem>>, vector<2000x512xf32>
      %add3A_51 = arith.addf %get3A_50, %mul3A_33 : vector<2000x512xf32>
      %swap3A = arith.constant 0 : index
      %swap3A_52 = arith.constant 0 : index
      %swap3A_53 = vector.load %arg11[%swap3A, %swap3A_52] : memref<2000x512xf32, #tpu.memory_space<vmem>>, vector<2000x512xf32>
      tpu.vector_store %arg11[%swap3A, %swap3A_52], %add3A_51 {strides = array<i32>} : memref<2000x512xf32, #tpu.memory_space<vmem>>, vector<2000x512xf32>,
    } else {
    }
    %eq3A_43 = arith.constant 7 : i32
    %eq3A_44 = arith.cmpi eq, %arg1, %eq3A_43 : i32
    %convert_element_type3A_45 = arith.extui %eq3A_44 : i1 to i32
    %cond3A_46 = arith.constant 0 : i32
    %cond3A_47 = arith.cmpi ne, %convert_element_type3A_45, %cond3A_46 : i32
    scf.if %cond3A_47 {
      %get3A_48 = arith.constant 0 : index
      %get3A_49 = arith.constant 0 : index
      %get3A_50 = vector.load %arg11[%get3A_48, %get3A_49] : memref<2000x512xf32, #tpu.memory_space<vmem>>, vector<2000x512xf32>
      %get3A_51 = arith.constant 0 : index
      %get3A_52 = arith.constant 0 : index
      %get3A_53 = vector.load %arg13[%get3A_51, %get3A_52] : memref<2000x8xf32, #tpu.memory_space<vmem>>, vector<2000x8xf32>
      %get3A_54 = arith.constant 0 : index
      %get3A_55 = arith.constant 0 : index
      %get3A_56 = vector.load %arg10[%get3A_54, %get3A_55] : memref<8x512xf32, #tpu.memory_space<vmem>>, vector<8x512xf32>
      %dot_general3A_57 = arith.constant dense<0.000000e+00> : vector<2000x512xf32>
      %dot_general3A_58 = tpu.matmul %get3A_53, %get3A_56, %dot_general3A_57 {dimension_numbers = #tpu.dot_dimension_numbers<[1], [0], [0], [1], [0, 0, 1, 1], [], []>, transpose_lhs_hint = false} : vector<2000x8xf32>, vector<8x512xf32>, vector<2000x512xf32> -> vector<2000x512xf32>
      %add3A_59 = arith.addf %get3A_50, %dot_general3A_58 : vector<2000x512xf32>
      %max3A_60 = arith.constant 0.000000e+00 : f32
      %max3A_61 = vector.broadcast %max3A_60 : f32 to vector<2000x512xf32>
      %max3A_62 = arith.maximumf %add3A_59, %max3A_61 : vector<2000x512xf32>
      %swap3A = arith.constant 0 : index
      %swap3A_63 = arith.constant 0 : index
      %swap3A_64 = vector.load %arg11[%swap3A, %swap3A_63] : memref<2000x512xf32, #tpu.memory_space<vmem>>, vector<2000x512xf32>
      tpu.vector_store %arg11[%swap3A, %swap3A_63], %max3A_62 {strides = array<i32>} : memref<2000x512xf32, #tpu.memory_space<vmem>>, vector<2000x512xf32>,
    } else {
    }
    return
  }
  func.func @transform_0(%arg0: i32, %arg1: i32) -> (i32, i32) {
    %c0_i32 = arith.constant 0 : i32
    %c0_i32_0 = arith.constant 0 : i32
    return %arg0, %c0_i32 : i32, i32
  }
  func.func @transform_1(%arg0: i32, %arg1: i32) -> (i32, i32, i32) {
    %c0_i32 = arith.constant 0 : i32
    %c0_i32_0 = arith.constant 0 : i32
    %c0_i32_1 = arith.constant 0 : i32
    return %c0_i32, %arg0, %c0_i32_0 : i32, i32, i32
  }
  func.func @transform_2(%arg0: i32, %arg1: i32) -> (i32, i32) {
    %c0_i32 = arith.constant 0 : i32
    %c0_i32_0 = arith.constant 0 : i32
    return %arg0, %c0_i32 : i32, i32
  }
  func.func @transform_3(%arg0: i32, %arg1: i32) -> (i32, i32) {
    %c0_i32 = arith.constant 0 : i32
    %c0_i32_0 = arith.constant 0 : i32
    %c0_i32_1 = arith.constant 0 : i32
    return %c0_i32, %c0_i32_0 : i32, i32
  }
  func.func @transform_4(%arg0: i32, %arg1: i32) -> (i32, i32) {
    %c0_i32 = arith.constant 0 : i32
    %c0_i32_0 = arith.constant 0 : i32
    %c0_i32_1 = arith.constant 0 : i32
    return %c0_i32, %c0_i32_0 : i32, i32
  }
  func.func @transform_5(%arg0: i32, %arg1: i32) -> (i32, i32, i32) {
    %c0_i32 = arith.constant 0 : i32
    %c0_i32_0 = arith.constant 0 : i32
    %c0_i32_1 = arith.constant 0 : i32
    return %arg1, %c0_i32, %c0_i32_0 : i32, i32, i32
  }
  func.func @transform_6(%arg0: i32, %arg1: i32) -> (i32, i32, i32) {
    %c0_i32 = arith.constant 0 : i32
    %c0_i32_0 = arith.constant 0 : i32
    %c0_i32_1 = arith.constant 0 : i32
    return %arg1, %c0_i32, %c0_i32_0 : i32, i32, i32
  }
  func.func @transform_7(%arg0: i32, %arg1: i32) -> (i32, i32, i32) {
    %c0_i32 = arith.constant 0 : i32
    %c0_i32_0 = arith.constant 0 : i32
    %c0_i32_1 = arith.constant 0 : i32
    return %arg1, %c0_i32, %c0_i32_0 : i32, i32, i32
  }
  func.func @transform_8(%arg0: i32, %arg1: i32) -> (i32, i32) {
    %c0_i32 = arith.constant 0 : i32
    %c0_i32_0 = arith.constant 0 : i32
    %c0_i32_1 = arith.constant 0 : i32
    return %c0_i32, %c0_i32_0 : i32, i32
  }
  func.func @transform_9(%arg0: i32, %arg1: i32) -> (i32, i32) {
    %c0_i32 = arith.constant 0 : i32
    %c0_i32_0 = arith.constant 0 : i32
    return %arg0, %c0_i32 : i32, i32
  }
}

module attributes {stable_mosaic.version = 14 : i64} {
  func.func @_moe_body(%arg0: i32, %arg1: i32, %arg2: memref<2000x512xf32, #tpu.memory_space<vmem>>, %arg3: memref<4x2000x128xf32, #tpu.memory_space<vmem>>, %arg4: memref<2000x1xf32, #tpu.memory_space<vmem>>, %arg5: memref<1x8xf32, #tpu.memory_space<vmem>>, %arg6: memref<1x8xf32, #tpu.memory_space<vmem>>, %arg7: memref<1x512x512xbf16, #tpu.memory_space<vmem>>, %arg8: memref<1x1x512xf32, #tpu.memory_space<vmem>>, %arg9: memref<1x512x256xbf16, #tpu.memory_space<vmem>>, %arg10: memref<8x256xf32, #tpu.memory_space<vmem>>, %arg11: memref<2000x256xf32, #tpu.memory_space<vmem>>, %arg12: memref<2000x512xbf16, #tpu.memory_space<vmem>>, %arg13: memref<2000x8xf32, #tpu.memory_space<vmem>>) attributes {dimension_semantics = [#tpu.dimension_semantics<parallel>, #tpu.dimension_semantics<arbitrary>], iteration_bounds = array<i64: 5, 8>, scalar_prefetch = 0 : i64, scratch_operands = 2 : i64, tpu.core_type = #tpu.core_type<tc>, window_params = [{transform_indices = @transform_0, window_bounds = array<i64: 2000, 512>}, {transform_indices = @transform_1, window_bounds = array<i64: 4, 2000, 128>}, {transform_indices = @transform_2, window_bounds = array<i64: 2000, 1>}, {pipeline_mode = #tpu.pipeline_mode<synchronous>, transform_indices = @transform_3, window_bounds = array<i64: 1, 8>}, {pipeline_mode = #tpu.pipeline_mode<synchronous>, transform_indices = @transform_4, window_bounds = array<i64: 1, 8>}, {transform_indices = @transform_5, window_bounds = array<i64: 1, 512, 512>}, {transform_indices = @transform_6, window_bounds = array<i64: 1, 1, 512>}, {transform_indices = @transform_7, window_bounds = array<i64: 1, 512, 256>}, {pipeline_mode = #tpu.pipeline_mode<synchronous>, transform_indices = @transform_8, window_bounds = array<i64: 8, 256>}, {transform_indices = @transform_9, window_bounds = array<i64: 2000, 256>}]} {
    %eq3A = arith.constant 0 : i32
    %eq3A_0 = arith.cmpi eq, %arg1, %eq3A : i32
    %convert_element_type3A = arith.extui %eq3A_0 : i1 to i32
    %cond3A = arith.constant 0 : i32
    %cond3A_1 = arith.cmpi ne, %convert_element_type3A, %cond3A : i32
    scf.if %cond3A_1 {
      %get3A_48 = arith.constant 0 : index
      %get3A_49 = arith.constant 0 : index
      %get3A_50 = vector.load %arg4[%get3A_48, %get3A_49] : memref<2000x1xf32, #tpu.memory_space<vmem>>, vector<2000x1xf32>
      %max3A_51 = arith.constant 1.000000e+00 : f32
      %max3A_52 = vector.broadcast %max3A_51 : f32 to vector<2000x1xf32>
      %max3A_53 = arith.maximumf %get3A_50, %max3A_52 : vector<2000x1xf32>
      %div3A = arith.constant 1.000000e+00 : f32
      %div3A_54 = vector.broadcast %div3A : f32 to vector<2000x1xf32>
      %div3A_55 = arith.divf %div3A_54, %max3A_53 : vector<2000x1xf32>
      %get3A_56 = arith.constant 0 : index
      %get3A_57 = arith.constant 0 : index
      %get3A_58 = arith.constant 0 : index
      %get3A_59 = vector.load %arg3[%get3A_56, %get3A_57, %get3A_58] : memref<4x2000x128xf32, #tpu.memory_space<vmem>>, vector<1x2000x128xf32>
      %get3A_60 = vector.shape_cast %get3A_59 : vector<1x2000x128xf32> to vector<2000x128xf32>
      %get3A_61 = arith.constant 1 : index
      %get3A_62 = arith.constant 0 : index
      %get3A_63 = arith.constant 0 : index
      %get3A_64 = vector.load %arg3[%get3A_61, %get3A_62, %get3A_63] : memref<4x2000x128xf32, #tpu.memory_space<vmem>>, vector<1x2000x128xf32>
      %get3A_65 = vector.shape_cast %get3A_64 : vector<1x2000x128xf32> to vector<2000x128xf32>
      %get3A_66 = arith.constant 2 : index
      %get3A_67 = arith.constant 0 : index
      %get3A_68 = arith.constant 0 : index
      %get3A_69 = vector.load %arg3[%get3A_66, %get3A_67, %get3A_68] : memref<4x2000x128xf32, #tpu.memory_space<vmem>>, vector<1x2000x128xf32>
      %get3A_70 = vector.shape_cast %get3A_69 : vector<1x2000x128xf32> to vector<2000x128xf32>
      %get3A_71 = arith.constant 3 : index
      %get3A_72 = arith.constant 0 : index
      %get3A_73 = arith.constant 0 : index
      %get3A_74 = vector.load %arg3[%get3A_71, %get3A_72, %get3A_73] : memref<4x2000x128xf32, #tpu.memory_space<vmem>>, vector<1x2000x128xf32>
      %get3A_75 = vector.shape_cast %get3A_74 : vector<1x2000x128xf32> to vector<2000x128xf32>
      %concatenate3A = tpu.concatenate %get3A_60, %get3A_65, %get3A_70, %get3A_75 in 1 : vector<2000x128xf32>, vector<2000x128xf32>, vector<2000x128xf32>, vector<2000x128xf32> -> vector<2000x512xf32>
      %get3A_76 = arith.constant 0 : index
      %get3A_77 = arith.constant 0 : index
      %get3A_78 = vector.load %arg2[%get3A_76, %get3A_77] : memref<2000x512xf32, #tpu.memory_space<vmem>>, vector<2000x512xf32>
      %mul3A_79 = vector.broadcast %div3A_55 : vector<2000x1xf32> to vector<2000x512xf32>
      %mul3A_80 = arith.mulf %concatenate3A, %mul3A_79 : vector<2000x512xf32>
      %add3A_81 = arith.addf %get3A_78, %mul3A_80 : vector<2000x512xf32>
      %convert_element_type3A_82 = arith.truncf %add3A_81 : vector<2000x512xf32> to vector<2000x512xbf16>
      %swap3A = arith.constant 0 : index
      %swap3A_83 = arith.constant 0 : index
      %swap3A_84 = vector.load %arg12[%swap3A, %swap3A_83] : memref<2000x512xbf16, #tpu.memory_space<vmem>>, vector<2000x512xbf16>
      tpu.vector_store %arg12[%swap3A, %swap3A_83], %convert_element_type3A_82 {strides = array<i32>} : memref<2000x512xbf16, #tpu.memory_space<vmem>>, vector<2000x512xbf16>,
      %log1p3A = math.log1p %get3A_50 : vector<2000x1xf32>
      %get3A_85 = arith.constant 0 : index
      %get3A_86 = arith.constant 0 : index
      %get3A_87 = vector.load %arg5[%get3A_85, %get3A_86] : memref<1x8xf32, #tpu.memory_space<vmem>>, vector<1x8xf32>
      %mul3A_88 = vector.broadcast %log1p3A : vector<2000x1xf32> to vector<2000x8xf32>
      %mul3A_89 = vector.broadcast %get3A_87 : vector<1x8xf32> to vector<2000x8xf32>
      %mul3A_90 = arith.mulf %mul3A_88, %mul3A_89 : vector<2000x8xf32>
      %get3A_91 = arith.constant 0 : index
      %get3A_92 = arith.constant 0 : index
      %get3A_93 = vector.load %arg6[%get3A_91, %get3A_92] : memref<1x8xf32, #tpu.memory_space<vmem>>, vector<1x8xf32>
      %add3A_94 = vector.broadcast %get3A_93 : vector<1x8xf32> to vector<2000x8xf32>
      %add3A_95 = arith.addf %mul3A_90, %add3A_94 : vector<2000x8xf32>
      %iota3A_96 = tpu.iota {dimensions = array<i32: 1>} : vector<2000x8xi32>
      %reduce_max3A = arith.constant dense<0xFF800000> : vector<2000xf32>
      %reduce_max3A_97 = vector.multi_reduction <maximumf>, %add3A_95, %reduce_max3A [1] : vector<2000x8xf32> to vector<2000xf32>
      %broadcast_in_dim3A_98 = vector.shape_cast %reduce_max3A_97 : vector<2000xf32> to vector<2000x1xf32>
      %eq3A_99 = vector.broadcast %broadcast_in_dim3A_98 : vector<2000x1xf32> to vector<2000x8xf32>
      %eq3A_100 = arith.cmpf oeq, %add3A_95, %eq3A_99 : vector<2000x8xf32>
      %jit3A_101 = arith.constant 8 : i32
      %broadcast_in_dim3A_102 = vector.broadcast %jit3A_101 : i32 to vector<2000x8xi32>
      %select_n3A_103 = arith.select %eq3A_100, %iota3A_96, %broadcast_in_dim3A_102 : vector<2000x8xi1>, vector<2000x8xi32>
      %reduce_min3A = arith.constant dense<2147483647> : vector<2000xi32>
      %reduce_min3A_104 = vector.multi_reduction <minsi>, %select_n3A_103, %reduce_min3A [1] : vector<2000x8xi32> to vector<2000xi32>
      %broadcast_in_dim3A_105 = vector.shape_cast %reduce_min3A_104 : vector<2000xi32> to vector<2000x1xi32>
      %eq3A_106 = vector.broadcast %broadcast_in_dim3A_105 : vector<2000x1xi32> to vector<2000x8xi32>
      %eq3A_107 = arith.cmpi eq, %iota3A_96, %eq3A_106 : vector<2000x8xi32>
      %jit3A_108 = arith.constant -1.000000e+30 : f32
      %broadcast_in_dim3A_109 = vector.broadcast %jit3A_108 : f32 to vector<2000x8xf32>
      %select_n3A_110 = arith.select %eq3A_107, %broadcast_in_dim3A_109, %add3A_95 : vector<2000x8xi1>, vector<2000x8xf32>
      %reduce_max3A_111 = arith.constant dense<0xFF800000> : vector<2000xf32>
      %reduce_max3A_112 = vector.multi_reduction <maximumf>, %select_n3A_110, %reduce_max3A_111 [1] : vector<2000x8xf32> to vector<2000xf32>
      %broadcast_in_dim3A_113 = vector.shape_cast %reduce_max3A_112 : vector<2000xf32> to vector<2000x1xf32>
      %eq3A_114 = vector.broadcast %broadcast_in_dim3A_113 : vector<2000x1xf32> to vector<2000x8xf32>
      %eq3A_115 = arith.cmpf oeq, %select_n3A_110, %eq3A_114 : vector<2000x8xf32>
      %jit3A_116 = arith.constant 8 : i32
      %broadcast_in_dim3A_117 = vector.broadcast %jit3A_116 : i32 to vector<2000x8xi32>
      %select_n3A_118 = arith.select %eq3A_115, %iota3A_96, %broadcast_in_dim3A_117 : vector<2000x8xi1>, vector<2000x8xi32>
      %reduce_min3A_119 = arith.constant dense<2147483647> : vector<2000xi32>
      %reduce_min3A_120 = vector.multi_reduction <minsi>, %select_n3A_118, %reduce_min3A_119 [1] : vector<2000x8xi32> to vector<2000xi32>
      %broadcast_in_dim3A_121 = vector.shape_cast %reduce_min3A_120 : vector<2000xi32> to vector<2000x1xi32>
      %eq3A_122 = vector.broadcast %broadcast_in_dim3A_121 : vector<2000x1xi32> to vector<2000x8xi32>
      %eq3A_123 = arith.cmpi eq, %iota3A_96, %eq3A_122 : vector<2000x8xi32>
      %sub3A = arith.subf %broadcast_in_dim3A_113, %broadcast_in_dim3A_98 : vector<2000x1xf32>
      %exp3A = math.exp %sub3A : vector<2000x1xf32>
      %add3A_124 = arith.constant 1.000000e+00 : f32
      %add3A_125 = vector.broadcast %add3A_124 : f32 to vector<2000x1xf32>
      %add3A_126 = arith.addf %add3A_125, %exp3A : vector<2000x1xf32>
      %div3A_127 = arith.constant 1.000000e+00 : f32
      %div3A_128 = vector.broadcast %div3A_127 : f32 to vector<2000x1xf32>
      %div3A_129 = arith.divf %div3A_128, %add3A_126 : vector<2000x1xf32>
      %add3A_130 = arith.constant 1.000000e+00 : f32
      %add3A_131 = vector.broadcast %add3A_130 : f32 to vector<2000x1xf32>
      %add3A_132 = arith.addf %add3A_131, %exp3A : vector<2000x1xf32>
      %div3A_133 = arith.divf %exp3A, %add3A_132 : vector<2000x1xf32>
      %jit3A_134 = arith.constant 0.000000e+00 : f32
      %broadcast_in_dim3A_135 = vector.shape_cast %div3A_129 : vector<2000x1xf32> to vector<2000x1xf32>
      %broadcast_in_dim3A_136 = vector.broadcast %broadcast_in_dim3A_135 : vector<2000x1xf32> to vector<2000x8xf32>
      %broadcast_in_dim3A_137 = vector.broadcast %jit3A_134 : f32 to vector<2000x8xf32>
      %select_n3A_138 = arith.select %eq3A_107, %broadcast_in_dim3A_136, %broadcast_in_dim3A_137 : vector<2000x8xi1>, vector<2000x8xf32>
      %jit3A_139 = arith.constant 0.000000e+00 : f32
      %broadcast_in_dim3A_140 = vector.shape_cast %div3A_133 : vector<2000x1xf32> to vector<2000x1xf32>
      %broadcast_in_dim3A_141 = vector.broadcast %broadcast_in_dim3A_140 : vector<2000x1xf32> to vector<2000x8xf32>
      %broadcast_in_dim3A_142 = vector.broadcast %jit3A_139 : f32 to vector<2000x8xf32>
      %select_n3A_143 = arith.select %eq3A_123, %broadcast_in_dim3A_141, %broadcast_in_dim3A_142 : vector<2000x8xi1>, vector<2000x8xf32>
      %add3A_144 = arith.addf %select_n3A_138, %select_n3A_143 : vector<2000x8xf32>
      %swap3A_145 = arith.constant 0 : index
      %swap3A_146 = arith.constant 0 : index
      %swap3A_147 = vector.load %arg13[%swap3A_145, %swap3A_146] : memref<2000x8xf32, #tpu.memory_space<vmem>>, vector<2000x8xf32>
      tpu.vector_store %arg13[%swap3A_145, %swap3A_146], %add3A_144 {strides = array<i32>} : memref<2000x8xf32, #tpu.memory_space<vmem>>, vector<2000x8xf32>,
    } else {
    }
    %get3A = arith.constant 0 : index
    %get3A_2 = arith.constant 0 : index
    %get3A_3 = vector.load %arg12[%get3A, %get3A_2] : memref<2000x512xbf16, #tpu.memory_space<vmem>>, vector<2000x512xbf16>
    %get3A_4 = arith.constant 0 : index
    %get3A_5 = arith.constant 0 : index
    %get3A_6 = arith.constant 0 : index
    %get3A_7 = vector.load %arg7[%get3A_4, %get3A_5, %get3A_6] : memref<1x512x512xbf16, #tpu.memory_space<vmem>>, vector<1x512x512xbf16>
    %get3A_8 = vector.shape_cast %get3A_7 : vector<1x512x512xbf16> to vector<512x512xbf16>
    %dot_general3A = arith.constant dense<0.000000e+00> : vector<2000x512xf32>
    %dot_general3A_9 = tpu.matmul %get3A_3, %get3A_8, %dot_general3A {dimension_numbers = #tpu.dot_dimension_numbers<[1], [0], [0], [1], [0, 0, 1, 1], [], []>, transpose_lhs_hint = false} : vector<2000x512xbf16>, vector<512x512xbf16>, vector<2000x512xf32> -> vector<2000x512xf32>
    %get3A_10 = arith.constant 0 : index
    %get3A_11 = arith.constant 0 : index
    %get3A_12 = arith.constant 0 : index
    %get3A_13 = vector.load %arg8[%get3A_10, %get3A_11, %get3A_12] : memref<1x1x512xf32, #tpu.memory_space<vmem>>, vector<1x1x512xf32>
    %get3A_14 = vector.shape_cast %get3A_13 : vector<1x1x512xf32> to vector<1x512xf32>
    %add3A = vector.broadcast %get3A_14 : vector<1x512xf32> to vector<2000x512xf32>
    %add3A_15 = arith.addf %dot_general3A_9, %add3A : vector<2000x512xf32>
    %max3A = arith.constant 0.000000e+00 : f32
    %max3A_16 = vector.broadcast %max3A : f32 to vector<2000x512xf32>
    %max3A_17 = arith.maximumf %add3A_15, %max3A_16 : vector<2000x512xf32>
    %convert_element_type3A_18 = arith.truncf %max3A_17 : vector<2000x512xf32> to vector<2000x512xbf16>
    %get3A_19 = arith.constant 0 : index
    %get3A_20 = arith.constant 0 : index
    %get3A_21 = arith.constant 0 : index
    %get3A_22 = vector.load %arg9[%get3A_19, %get3A_20, %get3A_21] : memref<1x512x256xbf16, #tpu.memory_space<vmem>>, vector<1x512x256xbf16>
    %get3A_23 = vector.shape_cast %get3A_22 : vector<1x512x256xbf16> to vector<512x256xbf16>
    %dot_general3A_24 = arith.constant dense<0.000000e+00> : vector<2000x256xf32>
    %dot_general3A_25 = tpu.matmul %convert_element_type3A_18, %get3A_23, %dot_general3A_24 {dimension_numbers = #tpu.dot_dimension_numbers<[1], [0], [0], [1], [0, 0, 1, 1], [], []>, transpose_lhs_hint = false} : vector<2000x512xbf16>, vector<512x256xbf16>, vector<2000x256xf32> -> vector<2000x256xf32>
    %iota3A = tpu.iota {dimensions = array<i32: 1>} : vector<2000x8xi32>
    %eq3A_26 = vector.broadcast %arg1 : i32 to vector<2000x8xi32>
    %eq3A_27 = arith.cmpi eq, %iota3A, %eq3A_26 : vector<2000x8xi32>
    %get3A_28 = arith.constant 0 : index
    %get3A_29 = arith.constant 0 : index
    %get3A_30 = vector.load %arg13[%get3A_28, %get3A_29] : memref<2000x8xf32, #tpu.memory_space<vmem>>, vector<2000x8xf32>
    %jit3A = arith.constant 0.000000e+00 : f32
    %broadcast_in_dim3A = vector.broadcast %jit3A : f32 to vector<2000x8xf32>
    %select_n3A = arith.select %eq3A_27, %get3A_30, %broadcast_in_dim3A : vector<2000x8xi1>, vector<2000x8xf32>
    %reduce_sum3A = arith.constant dense<0.000000e+00> : vector<2000xf32>
    %reduce_sum3A_31 = vector.multi_reduction <add>, %select_n3A, %reduce_sum3A [1] : vector<2000x8xf32> to vector<2000xf32>
    %broadcast_in_dim3A_32 = vector.shape_cast %reduce_sum3A_31 : vector<2000xf32> to vector<2000x1xf32>
    %mul3A = vector.broadcast %broadcast_in_dim3A_32 : vector<2000x1xf32> to vector<2000x256xf32>
    %mul3A_33 = arith.mulf %mul3A, %dot_general3A_25 : vector<2000x256xf32>
    %eq3A_34 = arith.constant 0 : i32
    %eq3A_35 = arith.cmpi eq, %arg1, %eq3A_34 : i32
    %convert_element_type3A_36 = arith.extui %eq3A_35 : i1 to i32
    %cond3A_37 = arith.constant 0 : i32
    %cond3A_38 = arith.cmpi ne, %convert_element_type3A_36, %cond3A_37 : i32
    scf.if %cond3A_38 {
      %swap3A = arith.constant 0 : index
      %swap3A_48 = arith.constant 0 : index
      %swap3A_49 = vector.load %arg11[%swap3A, %swap3A_48] : memref<2000x256xf32, #tpu.memory_space<vmem>>, vector<2000x256xf32>
      tpu.vector_store %arg11[%swap3A, %swap3A_48], %mul3A_33 {strides = array<i32>} : memref<2000x256xf32, #tpu.memory_space<vmem>>, vector<2000x256xf32>,
    } else {
    }
    %gt3A = arith.constant 0 : i32
    %gt3A_39 = arith.cmpi sgt, %arg1, %gt3A : i32
    %convert_element_type3A_40 = arith.extui %gt3A_39 : i1 to i32
    %cond3A_41 = arith.constant 0 : i32
    %cond3A_42 = arith.cmpi ne, %convert_element_type3A_40, %cond3A_41 : i32
    scf.if %cond3A_42 {
      %get3A_48 = arith.constant 0 : index
      %get3A_49 = arith.constant 0 : index
      %get3A_50 = vector.load %arg11[%get3A_48, %get3A_49] : memref<2000x256xf32, #tpu.memory_space<vmem>>, vector<2000x256xf32>
      %add3A_51 = arith.addf %get3A_50, %mul3A_33 : vector<2000x256xf32>
      %swap3A = arith.constant 0 : index
      %swap3A_52 = arith.constant 0 : index
      %swap3A_53 = vector.load %arg11[%swap3A, %swap3A_52] : memref<2000x256xf32, #tpu.memory_space<vmem>>, vector<2000x256xf32>
      tpu.vector_store %arg11[%swap3A, %swap3A_52], %add3A_51 {strides = array<i32>} : memref<2000x256xf32, #tpu.memory_space<vmem>>, vector<2000x256xf32>,
    } else {
    }
    %eq3A_43 = arith.constant 7 : i32
    %eq3A_44 = arith.cmpi eq, %arg1, %eq3A_43 : i32
    %convert_element_type3A_45 = arith.extui %eq3A_44 : i1 to i32
    %cond3A_46 = arith.constant 0 : i32
    %cond3A_47 = arith.cmpi ne, %convert_element_type3A_45, %cond3A_46 : i32
    scf.if %cond3A_47 {
      %get3A_48 = arith.constant 0 : index
      %get3A_49 = arith.constant 0 : index
      %get3A_50 = vector.load %arg11[%get3A_48, %get3A_49] : memref<2000x256xf32, #tpu.memory_space<vmem>>, vector<2000x256xf32>
      %get3A_51 = arith.constant 0 : index
      %get3A_52 = arith.constant 0 : index
      %get3A_53 = vector.load %arg13[%get3A_51, %get3A_52] : memref<2000x8xf32, #tpu.memory_space<vmem>>, vector<2000x8xf32>
      %get3A_54 = arith.constant 0 : index
      %get3A_55 = arith.constant 0 : index
      %get3A_56 = vector.load %arg10[%get3A_54, %get3A_55] : memref<8x256xf32, #tpu.memory_space<vmem>>, vector<8x256xf32>
      %dot_general3A_57 = arith.constant dense<0.000000e+00> : vector<2000x256xf32>
      %dot_general3A_58 = tpu.matmul %get3A_53, %get3A_56, %dot_general3A_57 {dimension_numbers = #tpu.dot_dimension_numbers<[1], [0], [0], [1], [0, 0, 1, 1], [], []>, transpose_lhs_hint = false} : vector<2000x8xf32>, vector<8x256xf32>, vector<2000x256xf32> -> vector<2000x256xf32>
      %add3A_59 = arith.addf %get3A_50, %dot_general3A_58 : vector<2000x256xf32>
      %swap3A = arith.constant 0 : index
      %swap3A_60 = arith.constant 0 : index
      %swap3A_61 = vector.load %arg11[%swap3A, %swap3A_60] : memref<2000x256xf32, #tpu.memory_space<vmem>>, vector<2000x256xf32>
      tpu.vector_store %arg11[%swap3A, %swap3A_60], %add3A_59 {strides = array<i32>} : memref<2000x256xf32, #tpu.memory_space<vmem>>, vector<2000x256xf32>,
    } else {
    }
    return
  }
  func.func @transform_0(%arg0: i32, %arg1: i32) -> (i32, i32) {
    %c0_i32 = arith.constant 0 : i32
    %c0_i32_0 = arith.constant 0 : i32
    return %arg0, %c0_i32 : i32, i32
  }
  func.func @transform_1(%arg0: i32, %arg1: i32) -> (i32, i32, i32) {
    %c0_i32 = arith.constant 0 : i32
    %c0_i32_0 = arith.constant 0 : i32
    %c0_i32_1 = arith.constant 0 : i32
    return %c0_i32, %arg0, %c0_i32_0 : i32, i32, i32
  }
  func.func @transform_2(%arg0: i32, %arg1: i32) -> (i32, i32) {
    %c0_i32 = arith.constant 0 : i32
    %c0_i32_0 = arith.constant 0 : i32
    return %arg0, %c0_i32 : i32, i32
  }
  func.func @transform_3(%arg0: i32, %arg1: i32) -> (i32, i32) {
    %c0_i32 = arith.constant 0 : i32
    %c0_i32_0 = arith.constant 0 : i32
    %c0_i32_1 = arith.constant 0 : i32
    return %c0_i32, %c0_i32_0 : i32, i32
  }
  func.func @transform_4(%arg0: i32, %arg1: i32) -> (i32, i32) {
    %c0_i32 = arith.constant 0 : i32
    %c0_i32_0 = arith.constant 0 : i32
    %c0_i32_1 = arith.constant 0 : i32
    return %c0_i32, %c0_i32_0 : i32, i32
  }
  func.func @transform_5(%arg0: i32, %arg1: i32) -> (i32, i32, i32) {
    %c0_i32 = arith.constant 0 : i32
    %c0_i32_0 = arith.constant 0 : i32
    %c0_i32_1 = arith.constant 0 : i32
    return %arg1, %c0_i32, %c0_i32_0 : i32, i32, i32
  }
  func.func @transform_6(%arg0: i32, %arg1: i32) -> (i32, i32, i32) {
    %c0_i32 = arith.constant 0 : i32
    %c0_i32_0 = arith.constant 0 : i32
    %c0_i32_1 = arith.constant 0 : i32
    return %arg1, %c0_i32, %c0_i32_0 : i32, i32, i32
  }
  func.func @transform_7(%arg0: i32, %arg1: i32) -> (i32, i32, i32) {
    %c0_i32 = arith.constant 0 : i32
    %c0_i32_0 = arith.constant 0 : i32
    %c0_i32_1 = arith.constant 0 : i32
    return %arg1, %c0_i32, %c0_i32_0 : i32, i32, i32
  }
  func.func @transform_8(%arg0: i32, %arg1: i32) -> (i32, i32) {
    %c0_i32 = arith.constant 0 : i32
    %c0_i32_0 = arith.constant 0 : i32
    %c0_i32_1 = arith.constant 0 : i32
    return %c0_i32, %c0_i32_0 : i32, i32
  }
  func.func @transform_9(%arg0: i32, %arg1: i32) -> (i32, i32) {
    %c0_i32 = arith.constant 0 : i32
    %c0_i32_0 = arith.constant 0 : i32
    return %arg0, %c0_i32 : i32, i32
  }
}

</mosaic_0001>

<sc_bundles>
// kernel: kernel.6.cloned.1.call-start
scs
__scs_entry_jumppad:
0x0: {  	(pc) =	sbr.rel $0x88, $3  }
0x1: {  	(tag) =	ssettag $0x0;
	lr =	simm.s32 $0x1  }
0x2: {  	[smem:$0x3F93] =	sst lr;
	_ =	strace $0xD0000000  }
0x3: {  	_ = 	snop  }
0x4: {  	_ = 	snop  }
0x5: {  	_ = 	snop  }
0x6: {  	_ = 	snop  }
0x7: {  	_ = 	snop  }
__scs_overlays_trampoline_lowered:
0x8: {  	[smem:$0x3FA2] =	sst s0  }
0x9: {  	[smem:$0x3FA3] =	sst s1  }
0xa: {  	[smem:$0x3FA4] =	sst s2  }
0xb: {  	[smem:$0x3FA5] =	sst s3  }
0xc: {  	[smem:$0x3FA6] =	sst s4  }
0xd: {  	[smem:$0x3FA7] =	sst s5  }
0xe: {  	[smem:$0x3FA8] =	sst s6  }
0xf: {  	[smem:$0x3FA9] =	sst s7  }
0x10: {  	[smem:$0x3FAA] =	sst s8  }
0x11: {  	[smem:$0x3FAB] =	sst s9;
	s0 =	simm.s32 @!p0 $0x0  }
0x12: {  	s1 =	sld [smem:$0x3F91];
	s0 =	simm.s32 @p0 $0x1  }
0x13: {  	[smem:$0x3FAC] =	sst s0;
	s0 =	simm.s32 @!p1 $0x0  }
0x14: {  	s2 =	sld [smem:$0x3F90];
	s0 =	simm.s32 @p1 $0x1  }
0x15: {  	[smem:$0x3FAD] =	sst s0;
	s0 =	simm.s32 @!p2 $0x0  }
0x16: {  	s3 =	sld [smem:$0x3FDB];
	s0 =	simm.s32 @p2 $0x1  }
0x17: {  	s4 =	simm.s32 $0x1BF5;
	[smem:$0x3FAF] =	sst s0  }
0x18: {  	s0 =	sld [smem:$0x3F92];
	_ =	swait.ge [sflag:s4], $0x0  }
0x19: {  	s7 =	sld [smem:$0x3F93]  }
0x1a: {  	s8 =	sadd.s32 $0xFFFFE003, lr  }
0x1b: {  	s9 =	sadd.s32 $0xFFFFFEF7, lr;
	s5 =	simm.s32 $0xFFFFFFFF;
	p2 =	slt.u32 s8, $0xFFFFF086  }
0x1c: {  	p1 =	slt.u32 s9, $0xF7A;
	s5 =	simm.s32 @!p2 $0x0  }
0x1d: {  	s5 =	simm.s32 @p1 $0x1;
	p0 =	seq.s32 s7, s2  }
0x1e: {  	s7 =	smul.u32 @!p0 $0xF7A, s2;
	p2 =	seq.s32 @!p0 s5, $0x0  }
0x1f: {  	s9 =	smul.u32 $0xF7A, s1;
	s8 =	simm.s32 @!p0 $0x1BF5;
	p2 =	por !p2, p0  }
0x20: {  	[sflag:s8] =	ssyncset.s32 @!p0 $0xFFFFF086;
	s6 =	sadd.s32 @!p0 s3, s7;
	s7 =	simm.s32 @!p0 $0x108  }
0x21: {  	s3 =	sadd.s32 s3, s9;
	s6 =	sadd.s32 @!p0 $0x88, s6;
	s7 =	simm.s32 @p2 $0x1082  }
0x22: {  	[simem:s7], [sflag:s8] =	dma.local @!p0 [hbm:s6], $0xF7A  }
0x23: {  	s9 =	sor.u32 $0xD0000000, s2;
	s6 =	simm.s32 $0x108;
	_ =	swait.ge @!p0 [sflag:s8], $0x0  }
0x24: {  	s3 =	sadd.s32 $0x88, s3;
	s6 =	simm.s32 @!p1 $0x1082;
	[sflag:s4] =	ssyncset.s32 $0xFFFFF086  }
0x25: {  	[simem:s6], [sflag:s4] =	dma.local [hbm:s3], $0xF7A  }
0x26: {  	[smem:$0x3F93] =	sst s1;
	(tag) =	ssettag s2;
	_ =	strace s9  }
0x27: {  	s1 =	sld [smem:$0x3FA3]  }
0x28: {  	s2 =	sld [smem:$0x3FA4]  }
0x29: {  	s4 =	sld [smem:$0x3FA6]  }
0x2a: {  	p0 =	seq.s32 s5, $0x0;
	s5 =	sld [smem:$0x3FA7]  }
0x2b: {  	s6 =	sld [smem:$0x3FA8]  }
0x2c: {  	s7 =	sld [smem:$0x3FA9]  }
0x2d: {  	s3 =	simm.s32 $0x108;
	s8 =	sld [smem:$0x3FAA]  }
0x2e: {  	s3 =	simm.s32 @!p0 $0x1082;
	s9 =	sld [smem:$0x3FAB]  }
0x2f: {  	lr =	sadd.s32 s0, s3;
	s0 =	sld [smem:$0x3FA2]  }
0x30: {  	s3 =	sld [smem:$0x3FA5]  }
0x31: {  	[smem:$0x3FAE] =	sst s10  }
0x32: {  	s10 =	sld [smem:$0x3FAC];
	_ =	sdelay $0x3  }
0x33: {  	p0 =	seq.s32 s10, $0x1;
	s10 =	sld [smem:$0x3FAE];
	_ =	sdelay $0x3  }
0x34: {  	[smem:$0x3FAE] =	sst s10  }
0x35: {  	s10 =	sld [smem:$0x3FAD];
	_ =	sdelay $0x3  }
0x36: {  	p1 =	seq.s32 s10, $0x1;
	s10 =	sld [smem:$0x3FAE];
	_ =	sdelay $0x3  }
0x37: {  	[smem:$0x3FAE] =	sst s10  }
0x38: {  	s10 =	sld [smem:$0x3FAF]  }
0x39: {  	_ = 	snop;
	(pc) =	sbr.ind lr, $3  }
0x3a: {  	_ = 	snop  }
0x3b: {  	_ = 	snop  }
0x3c: {  	p2 =	seq.s32 s10, $0x1;
	s10 =	sld [smem:$0x3FAE]  }
0x3d: {  	_ =	shalt  }
0x3e: {  	_ =	shalt  }
0x3f: {  	_ =	shalt  }
0x40: {  	_ =	shalt  }
0x41: {  	_ =	shalt  }
0x42: {  	_ =	shalt  }
0x43: {  	_ =	shalt  }
0x44: {  	_ =	shalt  }
0x45: {  	_ =	shalt  }
0x46: {  	_ =	shalt  }
0x47: {  	_ =	shalt  }
0x48: {  	_ =	shalt  }
0x49: {  	_ =	shalt  }
0x4a: {  	_ =	shalt  }
0x4b: {  	_ =	shalt  }
0x4c: {  	_ =	shalt  }
0x4d: {  	_ =	shalt  }
0x4e: {  	_ =	shalt  }
0x4f: {  	_ =	shalt  }
0x50: {  	_ =	shalt  }
0x51: {  	_ =	shalt  }
0x52: {  	_ =	shalt  }
0x53: {  	_ =	shalt  }
0x54: {  	_ =	shalt  }
0x55: {  	_ =	shalt  }
0x56: {  	_ =	shalt  }
0x57: {  	_ =	shalt  }
0x58: {  	_ =	shalt  }
0x59: {  	_ =	shalt  }
0x5a: {  	_ =	shalt  }
0x5b: {  	_ =	shalt  }
0x5c: {  	_ =	shalt  }
0x5d: {  	_ =	shalt  }
0x5e: {  	_ =	shalt  }
0x5f: {  	_ =	shalt  }
0x60: {  	_ =	shalt  }
0x61: {  	_ =	shalt  }
0x62: {  	_ =	shalt  }
0x63: {  	_ =	shalt  }
0x64: {  	_ =	shalt  }
0x65: {  	_ =	shalt  }
0x66: {  	_ =	shalt  }
0x67: {  	_ =	shalt  }
0x68: {  	_ =	shalt  }
0x69: {  	_ =	shalt  }
0x6a: {  	_ =	shalt  }
0x6b: {  	_ =	shalt  }
0x6c: {  	_ =	shalt  }
0x6d: {  	_ =	shalt  }
0x6e: {  	_ =	shalt  }
0x6f: {  	_ =	shalt  }
0x70: {  	_ =	shalt  }
0x71: {  	_ =	shalt  }
0x72: {  	_ =	shalt  }
0x73: {  	_ =	shalt  }
0x74: {  	_ =	shalt  }
0x75: {  	_ =	shalt  }
0x76: {  	_ =	shalt  }
0x77: {  	_ =	shalt  }
0x78: {  	_ =	shalt  }
0x79: {  	_ =	shalt  }
0x7a: {  	_ =	shalt  }
0x7b: {  	_ =	shalt  }
0x7c: {  	_ =	shalt  }
0x7d: {  	_ =	shalt  }
0x7e: {  	_ =	shalt  }
0x7f: {  	_ =	shalt  }
0x80: {  	_ =	shalt  }
0x81: {  	_ =	shalt  }
0x82: {  	_ =	shalt  }
0x83: {  	_ =	shalt  }
0x84: {  	_ =	shalt  }
0x85: {  	_ =	shalt  }
0x86: {  	_ =	shalt  }
0x87: {  	_ =	shalt  }
.Lfunc_end0:
.L_simem_size_0:
called_computation_lowered:
.L_overlay_start_0:
0x88: {  	s2 =	sld [smem:$0x3FD9]  }
0x89: {  	s3 =	sld [smem:$0x3FFE];
	_ =	sdelay $0x1  }
0x8a: {  	s1 =	srdreg.scid  }
0x8b: {  	s0 =	sand.u32 $0x1, s1  }
0x8c: {  	s17 =	sshll.u32 s0, $0xA;
	s2 =	sadd.s32 s3, s2  }
0x8d: {  	s2 =	sadd.s32 s2, s17  }
0x8e: {  	[smem:$0x3FBA] =	sst s2  }
0x8f: {  	_ = 	snop  }
0x90: {  	s2 =	sld [smem:$0x3FD0];
	(tm) =	ssettm $0x1  }
0x91: {  	s18 =	sld [smem:$0x3FFB];
	_ =	sdelay $0x3  }
0x92: {  	_ =	strace s18  }
0x93: {  	s3 =	sld [smem:$0x3FFC];
	_ =	sdelay $0x3  }
0x94: {  	_ =	strace s3  }
0x95: {  	s3 =	sld [smem:$0x3FFD];
	_ =	sdelay $0x3  }
0x96: {  	_ =	strace s3  }
0x97: {  	_ =	strace $0x8FFFFFFF  }
0x98: {  	s19 =	sld [smem:$0x3FDB];
	_ =	sdelay $0x1  }
0x99: {  	s4 =	simm.s32 $_scs_section_size  }
0x9a: {  	s5 =	simm.s32 $_size__tile_overlayer_lowered;
	s6 =	simm.s32 $_tile_overlayer_lowered  }
0x9b: {  	s22 =	simm.s32 $0x1BFF;
	s21 =	sshll.u32 s6, $0x1;
	s3 =	sadd.s32 s4, s19  }
0x9c: {  	s7 =	simm.s32 $0x0;
	s20 =	sshll.u32 s5, $0x1;
	s5 =	sadd.s32 s21, s3  }
0x9d: {  	[timem:s7], [sflag:s22] =	dma.local [hbm:s5], s20  }
0x9e: {  	_ =	swait.ge [sflag:s22], s20  }
0x9f: {  	s4 =	ssub.s32 $0x0, s20;
	[sflag:s22] =	ssyncset.done $0x0  }
0xa0: {  	[sflag:s22] =	ssyncadd.s32 s4;
	_ =	sdelay $0x1  }
0xa1: {  	s23 =	simm.s32 $0x1B8B  }
0xa2: {  	_ =	swait.ge [sflag:s23], $0x1  }
0xa3: {  	[sflag:s23] =	ssyncset.done $0x0  }
0xa4: {  	s25 =	simm.s32 $0x1B8E;
	s24 =	sld [smem:$0x3FFE];
	[sflag:s23] =	ssyncadd.s32 $0xFFFFFFFF  }
0xa5: {  	s26 =	simm.s32 $execute0_lowered;
	[smem:$0x3FD2] =	sst s25  }
0xa6: {  	s5 =	sshll.u32 s26, $0x1;
	_ =	strace $0x80000046;
	[dreg:$0x1] =	wrdreg $0xFFFFFFFF  }
0xa7: {  	s28 =	simm.s32 $_size_execute0_lowered;
	s3 =	sadd.s32 s3, s5;
	[dreg:$0x0] =	wrdreg $0x0  }
0xa8: {  	s5 =	sshll.u32 s28, $0x1;
	[dreg:$0x2] =	wrdreg s3  }
0xa9: {  	[dreg:$0x3] =	wrdreg s5  }
0xaa: {  	[dreg:$0x4] =	wrdreg $0xC0  }
0xab: {  	_ =	task [dreg:s7], $0x5FFFF  }
0xac: {  	[dreg:$0x1] =	wrdreg $0xFFFFFFFF  }
0xad: {  	[dreg:$0x0] =	wrdreg $0x60  }
0xae: {  	[dreg:$0x2] =	wrdreg s2  }
0xaf: {  	[dreg:$0x3] =	wrdreg s24  }
0xb0: {  	[dreg:$0x4] =	wrdreg $0x0  }
0xb1: {  	[dreg:$0x5] =	wrdreg $0x9  }
0xb2: {  	_ =	task.clear_ibuf [dreg:s7], $0x6FFFF;
	_ =	strace $0x90000046  }
0xb3: {  	s29 =	simm.s32 $0x9;
	_ =	strace $0x80000048  }
0xb4: {  	_ =	swait.ge [sflag:s29], $0x1  }
0xb5: {  	[sflag:s29] =	ssyncadd.s32 $0xFFFFFFFF  }
0xb6: {  	_ =	strace $0x90000048  }
0xb7: {  	_ =	sfence  }
0xb8: {  	s30 =	sld [smem:$0x0];
	_ =	sdelay $0x2  }
0xb9: {  	s31 =	sshll.u32 s1, $0xD;
	s1 =	sshrl.u32 s1, $0x2  }
0xba: {  	s3 =	sand.u32 $0x4000, s31;
	s1 =	sadd.s32 s1, s30  }
0xbb: {  	s0 =	sor.u32 s3, s0;
	s1 =	sshll.u32 s1, $0x11  }
0xbc: {  	s0 =	sor.u32 s1, s0  }
0xbd: {  	s0 =	sadd.s32 $0x8F2B, s0  }
0xbe: {  	[sflag:s0] =	ssyncadd.remote.s32 $0x1  }
0xbf: {  	_ =	sfence.sel $0xFFFF  }
0xc0: {  	[dreg:$0x0] =	wrdreg $0xFFFFFFFF;
	(pc) =	sbr.abs _section_cstart, $3  }
0xc1: {  	[dreg:$0x1] =	wrdreg $0xFFFFFFFF  }
0xc2: {  	_ =	task.clear_ibuf [dreg:s7], $0x2FFFF;
	_ =	strace $0x9FFFFFFF  }
0xc3: {  	(tm) =	ssettm $0x7FFFFFFF  }
tec
execute0_lowered:
.L_overlay_start_1:
0x0: {  	(tag) =	ssettag $0x1  }
0x1: {  	s1 =	rddreg [dreg:$0x0]  }
0x2: {  	s0 =	rddreg [dreg:$0x1]  }
0x3: {  	s2 =	rddreg [dreg:$0x2]  }
0x4: {  	s3 =	simm.s32 $0x0;
	s4 =	srdreg.scid;
	s18 =	stileid.u32  }
0x5: {  	s31 =	simm.s32 $0x1FB00;
	[smem:$0x7FF] =	sst s3;
	s5 =	sadd.s32 $0x8C00, s0  }
0x6: {  	s6 =	sadd.s32 $0x3C00, s0;
	s4 =	sand.u32 $0x1, s4;
	s8 =	smul.u32 $0x4F000, s18  }
0x7: {  	s7 =	sadd.s32 $0x12C00, s0;
	s9 =	sadd.s32 $0x15400, s0;
	s10 =	smul.u32 $0x2800, s18  }
0x8: {  	s11 =	sadd.s32 $0x64000, s0;
	s13 =	sadd.s32 $0x15C00, s0;
	s17 =	smul.u32 $0x13C00, s18  }
0x9: {  	s26 =	sadd.s32 $0x128400, s2;
	s21 =	smul.u32 $0x280, s18;
	s22 =	sadd.s32 $0x3C10, s0  }
0xa: {  	s0 =	sadd.s32 $0x3C20, s0;
	p0 =	seq.s32 s18, $0xF;
	_ =	strace $0x80000047  }
0xb: {  	[dreg:$0x4] =	wrdreg s9;
	s9 =	smul.u32 $0x28000, s4;
	s12 =	ssub.s32 $0x2, s4  }
0xc: {  	s15 =	smul.u32 $0x139000, s4;
	[dreg:$0x6] =	wrdreg s26;
	s20 =	sshll.u32 s4, $0x4  }
0xd: {  	s4 =	smul.u32 $0x2800, s4;
	s14 =	sshrl.u32 s12, $0x1;
	s8 =	sshrl.u32 s8, $0x2  }
0xe: {  	s29 =	sshrl.u32 s10, $0x3;
	s16 =	sadd.s32 s10, s9;
	s12 =	ssub.s32 s12, s14  }
0xf: {  	s8 =	sadd.s32 s8, s2;
	s28 =	sadd.s32 s17, s15;
	s15 =	sshrl.u32 s15, $0x3  }
0x10: {  	s30 =	sadd.s32 s6, s29;
	s23 =	sadd.s32 s29, s22;
	[dreg:$0x5] =	wrdreg s8  }
0x11: {  	s24 =	sadd.s32 s29, s0;
	s14 =	simm.s32 $0x13900;
	[dreg:$0x8] =	wrdreg s30  }
0x12: {  	s17 =	simm.s32 $0x4;
	s25 =	sshrl.u32 s16, $0x3;
	[dreg:$0xd] =	wrdreg s23  }
0x13: {  	s8 =	sshrl.u32 s28, $0x3;
	[dreg:$0xe] =	wrdreg s24;
	s26 =	smax.u32 s12, $0x1  }
0x14: {  	s15 =	sadd.s32 $0x25080, s15;
	s19 =	sadd.s32 s11, s8;
	[dreg:$0x11] =	wrdreg s26  }
0x15: {  	s12 =	simm.s32 $0x80;
	s11 =	sadd.s32 s11, s15;
	[dreg:$0x9] =	wrdreg s19  }
0x16: {  	s16 =	sadd.s32 s5, s25;
	s8 =	sadd.s32 s13, s8;
	[dreg:$0xa] =	wrdreg s11  }
0x17: {  	s13 =	sadd.s32 s13, s15;
	s15 =	simm.s32 $0x2;
	[dreg:$0xb] =	wrdreg s8  }
0x18: {  	s11 =	sor.u32 s18, s20;
	[dreg:$0xc] =	wrdreg s13;
	s19 =	sadd.s32 s21, s4  }
0x19: {  	s28 =	sadd.s32 $0x10, s16;
	[dreg:$0x7] =	wrdreg s16;
	s11 =	smul.u32 $0x280, s11  }
0x1a: {  	s29 =	sadd.s32 $0x20, s16;
	s4 =	simm.s32 $0x1FB80;
	[dreg:$0x12] =	wrdreg s28  }
0x1b: {  	s8 =	simm.s32 $0x1FC00;
	[dreg:$0x13] =	wrdreg s29;
	s25 =	sadd.s32 s11, s22  }
0x1c: {  	s0 =	sadd.s32 s11, s0;
	s24 =	sadd.s32 s6, s11;
	[dreg:$0xf] =	wrdreg s25  }
0x1d: {  	s16 =	simm.s32 $0x3;
	[dreg:$0x10] =	wrdreg s0;
	s30 =	sadd.s32 $0x30, s24  }
0x1e: {  	s18 =	simm.s32 $0x0;
	s11 =	simm.s32 $0x1;
	[dreg:$0x14] =	wrdreg s30  }
.LBB2_1:
0x1f: {  	s0 =	rddreg [dreg:$0x6]  }
0x20: {  	s13 =	simm.s32 @p0 $0x1FC4;
	s20 =	sshrl.u32 @p0 s0, $0x3  }
0x21: {  	[spmem:s20], [sflag:s13] =	dma.local @p0 [hbm:s7], $0x2180  }
0x22: {  	s13 =	simm.s32 @p0 $0x4  }
0x23: {  	s22 =	simm.s32 @!p0 $0x4;
	s0 =	stileid.u32;
	_ =	swait.ge @p0 [sflag:s13], $0x2180  }
0x24: {  	s21 =	sshll.u32 @!p0 s0, $0x6;
	[sflag:s13] =	ssyncset.done @p0 $0x0;
	s0 =	rddreg [dreg:$0x5]  }
0x25: {  	[sflag:s13] =	ssyncadd.s32 @p0 $0xFFFFDE80;
	s13 =	sor.u32 @!p0 $0x1C04, s21;
	s21 =	sshrl.u32 @!p0 s0, $0x3  }
0x26: {  	[spmem:s21], [sflag:s13] =	dma.local @!p0 [hbm:s7], $0x2780  }
0x27: {  	_ =	swait.ge @!p0 [sflag:s22], $0x2780  }
0x28: {  	[sflag:s22] =	ssyncset.done @!p0 $0x0  }
0x29: {  	[sflag:s22] =	ssyncadd.s32 @!p0 $0xFFFFD880  }
0x2a: {  	[bflag:$0x0] =	sbarrier.arrive $0xFFFF  }
0x2b: {  	s30 =	simm.s32 $0x1F900;
	s29 =	rddreg [dreg:$0x7]  }
0x2c: {  	[tilespmem:s30], [sflag:$0x1] =	stream.linear.gather [hbm4b:s29+s3], $0x80, $0x38;
	[tilespmem:$0x1FD00] =	vst v63  }
0x2d: {  	s23 =	rddreg [dreg:$0x8]  }
0x2e: {  	[tilespmem:s31], [sflag:$0x1] =	stream.linear.gather [hbm4b:s23+s3], $0x80, $0x38;
	[tilespmem:$0x1FD00] =	vst v63  }
0x2f: {  	s25 =	rddreg [dreg:$0x12];
	s23 =	simm.s32 $0x1F980  }
0x30: {  	[tilespmem:s23], [sflag:$0x1] =	stream.linear.gather [hbm4b:s25+s3], $0x80, $0x38;
	[tilespmem:$0x1FD00] =	vst v63  }
0x31: {  	s26 =	rddreg [dreg:$0xd]  }
0x32: {  	[tilespmem:s4], [sflag:$0x1] =	stream.linear.gather [hbm4b:s26+s3], $0x80, $0x38;
	[tilespmem:$0x1FD00] =	vst v63  }
0x33: {  	s28 =	rddreg [dreg:$0x13];
	s25 =	simm.s32 $0x1FA00  }
0x34: {  	[tilespmem:s25], [sflag:$0x1] =	stream.linear.gather [hbm4b:s28+s3], $0x80, $0x38;
	[tilespmem:$0x1FD00] =	vst v63  }
0x35: {  	s29 =	rddreg [dreg:$0xe]  }
0x36: {  	[tilespmem:s8], [sflag:$0x1] =	stream.linear.gather [hbm4b:s29+s3], $0x80, $0x38;
	[tilespmem:$0x1FD00] =	vst v63  }
0x37: {  	_ =	swait.ge [sflag:s11], $0x80  }
0x38: {  	[sflag:s11] =	ssyncset.done $0x0  }
0x39: {  	[sflag:s11] =	ssyncadd.s32 $0xFFFFFF80  }
0x3a: {  	_ =	swait.ge [sflag:s11], $0x80  }
0x3b: {  	[sflag:s11] =	ssyncset.done $0x0  }
0x3c: {  	[sflag:s11] =	ssyncadd.s32 $0xFFFFFF80  }
0x3d: {  	[tilespmem:s14], [sflag:$0x2] =	stream.indirect.gather [hbm4b:s1+s12], $0x80, s30, s12, $0xb8;
	[tilespmem:$0x1FD00] =	vst v63  }
0x3e: {  	_ =	swait.ge [sflag:s11], $0x80  }
0x3f: {  	[sflag:s11] =	ssyncset.done $0x0  }
0x40: {  	[sflag:s11] =	ssyncadd.s32 $0xFFFFFF80  }
.Ltmp0:
0x41: {  	_ =	swait.ge [sflag:s11], $0x80;
	(pc) =	sbr.rel .LBB2_2-.Ltmp0, $4  }
0x42: {  	[sflag:s11] =	ssyncset.done $0x0  }
0x43: {  	s30 =	simm.s32 $0x17900;
	[sflag:s11] =	ssyncadd.s32 $0xFFFFFF80  }
0x44: {  	[tilespmem:s30], [sflag:$0x2] =	stream.indirect.gather [hbm4b:s1+s12], $0x80, s23, s12, $0xb8;
	[tilespmem:$0x1FD00] =	vst v63  }
0x45: {  	s22 =	simm.s32 $0x400;
	s25 =	simm.s32 $0x0;
	s23 =	simm.s32 $0x180  }
.LBB2_3:
0x46: {  	s26 =	sadd.s32 s23, s10  }
0x47: {  	s26 =	sand.u32 $0x7FC00, s26  }
0x48: {  	s0 =	sand.u32 $0x380, s23;
	s30 =	sadd.s32 s9, s26  }
0x49: {  	s30 =	sor.u32 s0, s30  }
0x4a: {  	s28 =	sand.u32 $0x180, s23;
	s0 =	sor.u32 s0, s26;
	s30 =	sshrl.u32 s30, $0x3  }
0x4b: {  	s29 =	sadd.s32 $0x1F900, s28;
	s0 =	sshrl.u32 s0, $0x3;
	s30 =	sadd.s32 s5, s30  }
0x4c: {  	[tilespmem:s29], [sflag:$0x1] =	stream.linear.gather [hbm4b:s30+s3], $0x80, $0x38;
	[tilespmem:$0x1FD00] =	vst v63  }
0x4d: {  	s0 =	sadd.s32 s6, s0;
	s30 =	sadd.s32 $0x1FB00, s28  }
0x4e: {  	[tilespmem:s30], [sflag:$0x1] =	stream.linear.gather [hbm4b:s0+s3], $0x80, $0x38;
	[tilespmem:$0x1FD00] =	vst v63  }
.LBB2_5:
0x4f: {  	s0 =	sadd.s32 $0x2, s25  }
0x50: {  	s26 =	smul.u32 $0xAB, s0;
	_ =	sdelay $0x1  }
0x51: {  	s26 =	sshrl.u32 s26, $0x9  }
0x52: {  	s26 =	sand.u32 $0x7F, s26  }
0x53: {  	_ =	swait.ge [sflag:s11], $0x80;
	s26 =	smul.u32 $0x3, s26  }
0x54: {  	[sflag:s11] =	ssyncset.done $0x0  }
0x55: {  	[sflag:s11] =	ssyncadd.s32 $0xFFFFFF80;
	s0 =	ssub.s32 s0, s26  }
0x56: {  	s30 =	sand.u32 $0x600, s22;
	_ =	swait.ge [sflag:s11], $0x80;
	s0 =	sand.u32 $0xFB, s0  }
0x57: {  	[sflag:s11] =	ssyncset.done $0x0;
	s26 =	sshrl.u32 s30, $0x2;
	s0 =	sshll.u32 s0, $0xE  }
0x58: {  	[sflag:s11] =	ssyncadd.s32 $0xFFFFFF80;
	s26 =	sadd.s32 $0x1F900, s26;
	s0 =	sor.u32 $0x13900, s0  }
0x59: {  	[tilespmem:s0], [sflag:$0x2] =	stream.indirect.gather [hbm4b:s1+s12], $0x80, s26, s12, $0xb8;
	[tilespmem:$0x1FD00] =	vst v63  }
.LBB2_6:
0x5a: {  	s25 =	sadd.s32 $0x1, s25  }
0x5b: {  	p1 =	sne.s32 s25, $0x50  }
.Ltmp1:
0x5c: {  	_ = 	snop;
	(pc) =	sbr.rel @!p1 .LBB2_7-.Ltmp1, $2  }
0x5d: {  	_ =	sdelay $0x2  }
0x5e: {  	s22 =	sadd.s32 $0x200, s22;
	s23 =	sadd.s32 $0x80, s23  }
.LBB2_2:
0x5f: {  	s30 =	smul.u32 $0xAB, s25;
	_ =	sdelay $0x1  }
0x60: {  	s30 =	sshrl.u32 s30, $0x9  }
0x61: {  	s30 =	sand.u32 $0x7F, s30  }
0x62: {  	s30 =	smul.u32 $0x3, s30  }
0x63: {  	s26 =	sadd.s32 $0xFFFFFC00, s22;
	_ =	swait.ge [sflag:s15], $0x4000  }
0x64: {  	p1 =	seq.s32 s25, $0x0;
	s26 =	sand.u32 $0x600, s26;
	s30 =	ssub.s32 s25, s30  }
0x65: {  	[sflag:s15] =	ssyncset.done $0x0;
	p2 =	sgt.u32 @!p1 s25, $0x4C;
	s30 =	sand.u32 $0xFB, s30  }
0x66: {  	s26 =	sshrl.u32 s26, $0x2;
	[sflag:s15] =	ssyncadd.s32 $0xFFFFC000;
	s30 =	sshll.u32 s30, $0xE  }
0x67: {  	p2 =	por p1, !p2;
	s26 =	sadd.s32 $0x1FB00, s26;
	s30 =	sor.u32 $0x13900, s30  }
0x68: {  	[spmem:s2] =	stream.indirect.scatter.add.f32 [tilespmem:s30], [sflag:$0x3], $0x80, s26, s12, $0xb8;
	[tilespmem:$0x1FD00] =	vst v63  }
.Ltmp2:
0x69: {  	_ = 	snop;
	(pc) =	sbr.rel @p2 .LBB2_3-.Ltmp2, $4  }
0x6a: {  	s26 =	simm.s32 @!p1 $0x3  }
0x6b: {  	_ =	swait.ge @!p1 [sflag:s26], $0x4000  }
0x6c: {  	[sflag:s26] =	ssyncset.done @!p1 $0x0  }
0x6d: {  	[sflag:s26] =	ssyncadd.s32 @!p1 $0xFFFFC000  }
0x6e: {  	p1 =	sne.s32 s25, $0x4D  }
.Ltmp3:
0x6f: {  	_ = 	snop;
	(pc) =	sbr.rel @p1 .LBB2_6-.Ltmp3, $4  }
.Ltmp4:
0x70: {  	_ = 	snop;
	(pc) =	sbr.rel @!p1 .LBB2_5-.Ltmp4, $4  }
0x71: {  	_ = 	snop  }
0x72: {  	_ = 	snop  }
0x73: {  	_ = 	snop  }
0x74: {  	_ = 	snop  }
.LBB2_7:
0x75: {  	_ =	swait.ge [sflag:s16], $0x4000  }
0x76: {  	[sflag:s16] =	ssyncset.done $0x0  }
0x77: {  	[sflag:s16] =	ssyncadd.s32 $0xFFFFC000  }
0x78: {  	[bflag:$0x0] =	sbarrier.arrive $0xFFFF  }
0x79: {  	s0 =	simm.s32 @p0 $0x1FC4;
	s22 =	rddreg [dreg:$0xa]  }
0x7a: {  	[hbm:s22], [sflag:s0] =	dma.local @p0 [spmem:s20], $0x2180  }
0x7b: {  	s22 =	simm.s32 @p0 $0x4  }
0x7c: {  	_ =	swait.ge @p0 [sflag:s22], $0x2180  }
0x7d: {  	[sflag:s22] =	ssyncset.done @p0 $0x0  }
0x7e: {  	[sflag:s22] =	ssyncadd.s32 @p0 $0xFFFFDE80  }
0x7f: {  	[spmem:s20], [sflag:s0] =	dma.local @p0 [hbm:s7], $0x2180  }
0x80: {  	_ =	swait.ge @p0 [sflag:s22], $0x2180  }
0x81: {  	[sflag:s22] =	ssyncset.done @p0 $0x0  }
0x82: {  	s0 =	rddreg [dreg:$0x9];
	[sflag:s22] =	ssyncadd.s32 @p0 $0xFFFFDE80  }
0x83: {  	[hbm:s0], [sflag:s13] =	dma.local @!p0 [spmem:s21], $0x2780  }
0x84: {  	s0 =	simm.s32 @!p0 $0x4  }
0x85: {  	_ =	swait.ge @!p0 [sflag:s0], $0x2780  }
0x86: {  	[sflag:s0] =	ssyncset.done @!p0 $0x0  }
0x87: {  	[sflag:s0] =	ssyncadd.s32 @!p0 $0xFFFFD880  }
0x88: {  	[spmem:s21], [sflag:s13] =	dma.local @!p0 [hbm:s7], $0x2780  }
0x89: {  	_ =	swait.ge @!p0 [sflag:s0], $0x2780  }
0x8a: {  	[sflag:s0] =	ssyncset.done @!p0 $0x0  }
0x8b: {  	[sflag:s0] =	ssyncadd.s32 @!p0 $0xFFFFD880  }
0x8c: {  	[bflag:$0x0] =	sbarrier.arrive $0xFFFF  }
0x8d: {  	s22 =	rddreg [dreg:$0x4]  }
0x8e: {  	[tilespmem:s14], [sflag:$0x4] =	stream.linear.gather [hbm4b:s22+s3], $0x4000, $0x38;
	[tilespmem:$0x1FD00] =	vst v63  }
0x8f: {  	_ =	swait.ge [sflag:s17], $0x4000  }
0x90: {  	[sflag:s17] =	ssyncset.done $0x0  }
0x91: {  	[sflag:s17] =	ssyncadd.s32 $0xFFFFC000  }
0x92: {  	[tilespmem:s31], [sflag:$0x1] =	stream.linear.gather [hbm4b:s24+s3], $0x80, $0x38;
	[tilespmem:$0x1FD00] =	vst v63  }
0x93: {  	s23 =	rddreg [dreg:$0xf]  }
0x94: {  	[tilespmem:s4], [sflag:$0x1] =	stream.linear.gather [hbm4b:s23+s3], $0x80, $0x38;
	[tilespmem:$0x1FD00] =	vst v63  }
0x95: {  	s25 =	rddreg [dreg:$0x10]  }
0x96: {  	[tilespmem:s8], [sflag:$0x1] =	stream.linear.gather [hbm4b:s25+s3], $0x80, $0x38;
	[tilespmem:$0x1FD00] =	vst v63  }
0x97: {  	_ =	swait.ge [sflag:s11], $0x80  }
0x98: {  	[sflag:s11] =	ssyncset.done $0x0  }
0x99: {  	s28 =	simm.s32 $0x1FC80;
	[sflag:s11] =	ssyncadd.s32 $0xFFFFFF80  }
0x9a: {  	[spmem:s2] =	stream.indirect.scatter.add.f32 [tilespmem:s14], [sflag:$0x3], $0x80, s31, s12, $0xb8;
	[tilespmem:$0x1FD00] =	vst v63  }
0x9b: {  	p1 =	por $0x0, $0x0;
	s0 =	simm.s32 $0x800;
	s26 =	rddreg [dreg:$0x14]  }
0x9c: {  	[tilespmem:s28], [sflag:$0x1] =	stream.linear.gather [hbm4b:s26+s3], $0x80, $0x38;
	[tilespmem:$0x1FD00] =	vst v63  }
0x9d: {  	s29 =	simm.s32 $0x400;
	s0 =	sand.u32 @!p1 $0x600, s0;
	_ =	swait.ge [sflag:s11], $0x80  }
0x9e: {  	s0 =	sshrl.u32 @!p1 s0, $0x2;
	s22 =	simm.s32 $0x40;
	[sflag:s11] =	ssyncset.done $0x0  }
0x9f: {  	s0 =	sadd.s32 @!p1 $0x1FB00, s0;
	s22 =	sand.u32 @!p1 $0x70, s22;
	[sflag:s11] =	ssyncadd.s32 $0xFFFFFF80  }
0xa0: {  	[spmem:s2] =	stream.indirect.scatter.add.f32 [tilespmem:s14], [sflag:$0x3], $0x80, s4, s12, $0xb8;
	[tilespmem:$0x1FD00] =	vst v63  }
0xa1: {  	s22 =	sadd.s32 @!p1 s6, s22;
	s23 =	sadd.s32 @!p1 $0x40, s19;
	_ =	swait.ge [sflag:s16], $0x4000  }
0xa2: {  	s23 =	sand.u32 @!p1 $0xFFFFF80, s23;
	s25 =	simm.s32 @!p1 $0x0;
	[sflag:s16] =	ssyncset.done $0x0  }
0xa3: {  	s22 =	sadd.s32 @!p1 s23, s22;
	s23 =	simm.s32 $0x50;
	[sflag:s16] =	ssyncadd.s32 $0xFFFFC000  }
0xa4: {  	[tilespmem:s0], [sflag:$0x1] =	stream.linear.gather @!p1 [hbm4b:s22+s25], $0x80, $0x38;
	[tilespmem:$0x1FD00] =	vst v63  }
0xa5: {  	s22 =	simm.s32 $0x3;
	s0 =	sand.u32 $0x600, s29;
	_ =	swait.ge [sflag:s11], $0x80  }
0xa6: {  	s25 =	simm.s32 $0xA00;
	s30 =	sshrl.u32 s0, $0x2;
	[sflag:s11] =	ssyncset.done $0x0  }
.LBB2_8:
0xa7: {  	[sflag:s11] =	ssyncadd.s32 $0xFFFFFF80  }
0xa8: {  	s0 =	sadd.s32 $0x1FB00, s30;
	s26 =	smov.u32 s22;
	s22 =	sadd.s32 $0x1, s22  }
0xa9: {  	[spmem:s2] =	stream.indirect.scatter.add.f32 [tilespmem:s14], [sflag:$0x3], $0x80, s0, s12, $0xb8;
	[tilespmem:$0x1FD00] =	vst v63  }
0xaa: {  	p1 =	sne.s32 s22, $0x28  }
0xab: {  	p2 =	sgt.u32 s26, $0x25  }
0xac: {  	s0 =	sadd.s32 @!p2 s23, s19;
	_ =	swait.ge [sflag:s16], $0x4000  }
0xad: {  	s26 =	sand.u32 @!p2 $0x70, s23;
	s28 =	simm.s32 @!p2 $0x0;
	s29 =	sand.u32 @!p2 $0x600, s25  }
0xae: {  	s0 =	sand.u32 @!p2 $0xFFFFF80, s0;
	s26 =	sadd.s32 @!p2 s6, s26;
	s29 =	sshrl.u32 @!p2 s29, $0x2  }
.Ltmp5:
0xaf: {  	s0 =	sadd.s32 @!p2 s0, s26;
	[sflag:s16] =	ssyncset.done $0x0;
	(pc) =	sbr.rel @p1 .LBB2_8-.Ltmp5, $4  }
0xb0: {  	s26 =	sadd.s32 @!p2 $0x1FB00, s29;
	s29 =	sadd.s32 $0xFFFFFC00, s25;
	[sflag:s16] =	ssyncadd.s32 $0xFFFFC000  }
0xb1: {  	[tilespmem:s26], [sflag:$0x1] =	stream.linear.gather @!p2 [hbm4b:s0+s28], $0x80, $0x38;
	[tilespmem:$0x1FD00] =	vst v63  }
0xb2: {  	s23 =	sadd.s32 $0x10, s23;
	s0 =	sand.u32 $0x600, s29;
	_ =	swait.ge [sflag:s11], $0x80  }
0xb3: {  	s25 =	sadd.s32 $0x200, s25;
	s30 =	sshrl.u32 s0, $0x2;
	[sflag:s11] =	ssyncset.done $0x0  }
0xb4: {  	[sflag:s11] =	ssyncadd.s32 $0xFFFFFF80;
	s0 =	sadd.s32 $0x1FB00, s30  }
0xb5: {  	[spmem:s2] =	stream.indirect.scatter.add.f32 [tilespmem:s14], [sflag:$0x3], $0x80, s0, s12, $0xb8;
	[tilespmem:$0x1FD00] =	vst v63  }
0xb6: {  	_ =	swait.ge [sflag:s16], $0x4000  }
0xb7: {  	[sflag:s16] =	ssyncset.done $0x0  }
0xb8: {  	[sflag:s16] =	ssyncadd.s32 $0xFFFFC000  }
0xb9: {  	_ =	swait.ge [sflag:s16], $0x4000  }
0xba: {  	[sflag:s16] =	ssyncset.done $0x0  }
0xbb: {  	[sflag:s16] =	ssyncadd.s32 $0xFFFFC000  }
0xbc: {  	[bflag:$0x0] =	sbarrier.arrive $0xFFFF  }
0xbd: {  	s0 =	simm.s32 @p0 $0x1FC4;
	s22 =	rddreg [dreg:$0xc]  }
0xbe: {  	[hbm:s22], [sflag:s0] =	dma.local @p0 [spmem:s20], $0x2180  }
0xbf: {  	s0 =	simm.s32 @p0 $0x4  }
0xc0: {  	_ =	swait.ge @p0 [sflag:s0], $0x2180  }
0xc1: {  	[sflag:s0] =	ssyncset.done @p0 $0x0  }
0xc2: {  	[sflag:s0] =	ssyncadd.s32 @p0 $0xFFFFDE80;
	s0 =	rddreg [dreg:$0xb]  }
0xc3: {  	[hbm:s0], [sflag:s13] =	dma.local @!p0 [spmem:s21], $0x2780  }
0xc4: {  	s0 =	simm.s32 @!p0 $0x4  }
0xc5: {  	_ =	swait.ge @!p0 [sflag:s0], $0x2780  }
0xc6: {  	s18 =	sadd.s32 $0x1, s18;
	s30 =	rddreg [dreg:$0x11]  }
0xc7: {  	p1 =	sne.s32 s18, s30  }
.Ltmp6:
0xc8: {  	_ = 	snop;
	(pc) =	sbr.rel @p1 .LBB2_1-.Ltmp6, $3  }
0xc9: {  	_ =	sdelay $0x1  }
0xca: {  	[sflag:s0] =	ssyncset.done @!p0 $0x0  }
0xcb: {  	[sflag:s0] =	ssyncadd.s32 @!p0 $0xFFFFD880  }
0xcc: {  	_ =	sfence.sel $0x180000  }
0xcd: {  	[bflag:$0x0] =	sbarrier.arrive $0xFFFF  }
0xce: {  	_ =	strace $0x90000047  }
0xcf: {  	s0 =	stileid.u32;
	[bflag:$0x2] =	sbarrier.arrive $0xFFFF  }
0xd0: {  	p0 =	sne.s32 s0, $0x0;
	s0 =	rddreg [dreg:$0x3]  }
0xd1: {  	s0 =	sadd.s32 @!p0 $0x100000, s0  }
0xd2: {  	[sflag:s0] =	ssyncadd.tile.s32 @!p0 $0x1;
	_ =	shalt  }
.Lfunc_end2:
_tile_overlayer_lowered:
.L_overlay_start_2:
0xd3: {  	(tag) =	ssettag $0x2  }
0xd4: {  	s0 =	rddreg [dreg:$0x0];
	s2 =	stileid.u32  }
0xd5: {  	s1 =	rddreg [dreg:$0x1];
	p0 =	sne.s32 s2, $0x0  }
0xd6: {  	s3 =	rddreg [dreg:$0x2];
	[bflag:$0x3] =	sbarrier.arrive $0xFFFF;
	s2 =	simm.s32 @!p0 $0x1C04  }
0xd7: {  	[timem:s3], [sflag:s2] =	dma.local @!p0 [hbm:s0], s1  }
0xd8: {  	s0 =	simm.s32 @!p0 $0x4  }
0xd9: {  	_ =	swait.ge @!p0 [sflag:s0], s1  }
0xda: {  	s1 =	ssub.s32 @!p0 $0x0, s1;
	[sflag:s0] =	ssyncset.done @!p0 $0x0  }
0xdb: {  	[sflag:s0] =	ssyncadd.s32 @!p0 s1  }
0xdc: {  	[bflag:$0x3] =	sbarrier.arrive $0xFFFF  }
0xdd: {  	_ =	shalt  }

// kernel: kernel.9.cloned.1.call-start
scs
__scs_entry_jumppad:
0x0: {  	(pc) =	sbr.rel $0x88, $3  }
0x1: {  	(tag) =	ssettag $0x0;
	lr =	simm.s32 $0x1  }
0x2: {  	[smem:$0x3F93] =	sst lr;
	_ =	strace $0xD0000000  }
0x3: {  	_ = 	snop  }
0x4: {  	_ = 	snop  }
0x5: {  	_ = 	snop  }
0x6: {  	_ = 	snop  }
0x7: {  	_ = 	snop  }
__scs_overlays_trampoline_lowered:
0x8: {  	[smem:$0x3FA2] =	sst s0  }
0x9: {  	[smem:$0x3FA3] =	sst s1  }
0xa: {  	[smem:$0x3FA4] =	sst s2  }
0xb: {  	[smem:$0x3FA5] =	sst s3  }
0xc: {  	[smem:$0x3FA6] =	sst s4  }
0xd: {  	[smem:$0x3FA7] =	sst s5  }
0xe: {  	[smem:$0x3FA8] =	sst s6  }
0xf: {  	[smem:$0x3FA9] =	sst s7  }
0x10: {  	[smem:$0x3FAA] =	sst s8  }
0x11: {  	[smem:$0x3FAB] =	sst s9;
	s0 =	simm.s32 @!p0 $0x0  }
0x12: {  	s1 =	sld [smem:$0x3F91];
	s0 =	simm.s32 @p0 $0x1  }
0x13: {  	[smem:$0x3FAC] =	sst s0;
	s0 =	simm.s32 @!p1 $0x0  }
0x14: {  	s2 =	sld [smem:$0x3F90];
	s0 =	simm.s32 @p1 $0x1  }
0x15: {  	[smem:$0x3FAD] =	sst s0;
	s0 =	simm.s32 @!p2 $0x0  }
0x16: {  	s3 =	sld [smem:$0x3FDB];
	s0 =	simm.s32 @p2 $0x1  }
0x17: {  	s4 =	simm.s32 $0x1BF5;
	[smem:$0x3FAF] =	sst s0  }
0x18: {  	s0 =	sld [smem:$0x3F92];
	_ =	swait.ge [sflag:s4], $0x0  }
0x19: {  	s7 =	sld [smem:$0x3F93]  }
0x1a: {  	s8 =	sadd.s32 $0xFFFFE003, lr  }
0x1b: {  	s9 =	sadd.s32 $0xFFFFFEF7, lr;
	s5 =	simm.s32 $0xFFFFFFFF;
	p2 =	slt.u32 s8, $0xFFFFF086  }
0x1c: {  	p1 =	slt.u32 s9, $0xF7A;
	s5 =	simm.s32 @!p2 $0x0  }
0x1d: {  	s5 =	simm.s32 @p1 $0x1;
	p0 =	seq.s32 s7, s2  }
0x1e: {  	s7 =	smul.u32 @!p0 $0xF7A, s2;
	p2 =	seq.s32 @!p0 s5, $0x0  }
0x1f: {  	s9 =	smul.u32 $0xF7A, s1;
	s8 =	simm.s32 @!p0 $0x1BF5;
	p2 =	por !p2, p0  }
0x20: {  	[sflag:s8] =	ssyncset.s32 @!p0 $0xFFFFF086;
	s6 =	sadd.s32 @!p0 s3, s7;
	s7 =	simm.s32 @!p0 $0x108  }
0x21: {  	s3 =	sadd.s32 s3, s9;
	s6 =	sadd.s32 @!p0 $0x88, s6;
	s7 =	simm.s32 @p2 $0x1082  }
0x22: {  	[simem:s7], [sflag:s8] =	dma.local @!p0 [hbm:s6], $0xF7A  }
0x23: {  	s9 =	sor.u32 $0xD0000000, s2;
	s6 =	simm.s32 $0x108;
	_ =	swait.ge @!p0 [sflag:s8], $0x0  }
0x24: {  	s3 =	sadd.s32 $0x88, s3;
	s6 =	simm.s32 @!p1 $0x1082;
	[sflag:s4] =	ssyncset.s32 $0xFFFFF086  }
0x25: {  	[simem:s6], [sflag:s4] =	dma.local [hbm:s3], $0xF7A  }
0x26: {  	[smem:$0x3F93] =	sst s1;
	(tag) =	ssettag s2;
	_ =	strace s9  }
0x27: {  	s1 =	sld [smem:$0x3FA3]  }
0x28: {  	s2 =	sld [smem:$0x3FA4]  }
0x29: {  	s4 =	sld [smem:$0x3FA6]  }
0x2a: {  	p0 =	seq.s32 s5, $0x0;
	s5 =	sld [smem:$0x3FA7]  }
0x2b: {  	s6 =	sld [smem:$0x3FA8]  }
0x2c: {  	s7 =	sld [smem:$0x3FA9]  }
0x2d: {  	s3 =	simm.s32 $0x108;
	s8 =	sld [smem:$0x3FAA]  }
0x2e: {  	s3 =	simm.s32 @!p0 $0x1082;
	s9 =	sld [smem:$0x3FAB]  }
0x2f: {  	lr =	sadd.s32 s0, s3;
	s0 =	sld [smem:$0x3FA2]  }
0x30: {  	s3 =	sld [smem:$0x3FA5]  }
0x31: {  	[smem:$0x3FAE] =	sst s10  }
0x32: {  	s10 =	sld [smem:$0x3FAC];
	_ =	sdelay $0x3  }
0x33: {  	p0 =	seq.s32 s10, $0x1;
	s10 =	sld [smem:$0x3FAE];
	_ =	sdelay $0x3  }
0x34: {  	[smem:$0x3FAE] =	sst s10  }
0x35: {  	s10 =	sld [smem:$0x3FAD];
	_ =	sdelay $0x3  }
0x36: {  	p1 =	seq.s32 s10, $0x1;
	s10 =	sld [smem:$0x3FAE];
	_ =	sdelay $0x3  }
0x37: {  	[smem:$0x3FAE] =	sst s10  }
0x38: {  	s10 =	sld [smem:$0x3FAF]  }
0x39: {  	_ = 	snop;
	(pc) =	sbr.ind lr, $3  }
0x3a: {  	_ = 	snop  }
0x3b: {  	_ = 	snop  }
0x3c: {  	p2 =	seq.s32 s10, $0x1;
	s10 =	sld [smem:$0x3FAE]  }
0x3d: {  	_ =	shalt  }
0x3e: {  	_ =	shalt  }
0x3f: {  	_ =	shalt  }
0x40: {  	_ =	shalt  }
0x41: {  	_ =	shalt  }
0x42: {  	_ =	shalt  }
0x43: {  	_ =	shalt  }
0x44: {  	_ =	shalt  }
0x45: {  	_ =	shalt  }
0x46: {  	_ =	shalt  }
0x47: {  	_ =	shalt  }
0x48: {  	_ =	shalt  }
0x49: {  	_ =	shalt  }
0x4a: {  	_ =	shalt  }
0x4b: {  	_ =	shalt  }
0x4c: {  	_ =	shalt  }
0x4d: {  	_ =	shalt  }
0x4e: {  	_ =	shalt  }
0x4f: {  	_ =	shalt  }
0x50: {  	_ =	shalt  }
0x51: {  	_ =	shalt  }
0x52: {  	_ =	shalt  }
0x53: {  	_ =	shalt  }
0x54: {  	_ =	shalt  }
0x55: {  	_ =	shalt  }
0x56: {  	_ =	shalt  }
0x57: {  	_ =	shalt  }
0x58: {  	_ =	shalt  }
0x59: {  	_ =	shalt  }
0x5a: {  	_ =	shalt  }
0x5b: {  	_ =	shalt  }
0x5c: {  	_ =	shalt  }
0x5d: {  	_ =	shalt  }
0x5e: {  	_ =	shalt  }
0x5f: {  	_ =	shalt  }
0x60: {  	_ =	shalt  }
0x61: {  	_ =	shalt  }
0x62: {  	_ =	shalt  }
0x63: {  	_ =	shalt  }
0x64: {  	_ =	shalt  }
0x65: {  	_ =	shalt  }
0x66: {  	_ =	shalt  }
0x67: {  	_ =	shalt  }
0x68: {  	_ =	shalt  }
0x69: {  	_ =	shalt  }
0x6a: {  	_ =	shalt  }
0x6b: {  	_ =	shalt  }
0x6c: {  	_ =	shalt  }
0x6d: {  	_ =	shalt  }
0x6e: {  	_ =	shalt  }
0x6f: {  	_ =	shalt  }
0x70: {  	_ =	shalt  }
0x71: {  	_ =	shalt  }
0x72: {  	_ =	shalt  }
0x73: {  	_ =	shalt  }
0x74: {  	_ =	shalt  }
0x75: {  	_ =	shalt  }
0x76: {  	_ =	shalt  }
0x77: {  	_ =	shalt  }
0x78: {  	_ =	shalt  }
0x79: {  	_ =	shalt  }
0x7a: {  	_ =	shalt  }
0x7b: {  	_ =	shalt  }
0x7c: {  	_ =	shalt  }
0x7d: {  	_ =	shalt  }
0x7e: {  	_ =	shalt  }
0x7f: {  	_ =	shalt  }
0x80: {  	_ =	shalt  }
0x81: {  	_ =	shalt  }
0x82: {  	_ =	shalt  }
0x83: {  	_ =	shalt  }
0x84: {  	_ =	shalt  }
0x85: {  	_ =	shalt  }
0x86: {  	_ =	shalt  }
0x87: {  	_ =	shalt  }
.Lfunc_end0:
.L_simem_size_0:
called_computation.1_lowered:
.L_overlay_start_0:
0x88: {  	s2 =	sld [smem:$0x3FD9]  }
0x89: {  	s3 =	sld [smem:$0x3FFE];
	_ =	sdelay $0x1  }
0x8a: {  	s1 =	srdreg.scid  }
0x8b: {  	s0 =	sand.u32 $0x1, s1  }
0x8c: {  	s16 =	sshll.u32 s0, $0xA;
	s2 =	sadd.s32 s3, s2  }
0x8d: {  	s2 =	sadd.s32 s2, s16  }
0x8e: {  	[smem:$0x3FBA] =	sst s2  }
0x8f: {  	_ = 	snop  }
0x90: {  	(tm) =	ssettm $0x1  }
0x91: {  	s17 =	sld [smem:$0x3FFB];
	_ =	sdelay $0x3  }
0x92: {  	_ =	strace s17  }
0x93: {  	s2 =	sld [smem:$0x3FFC];
	_ =	sdelay $0x3  }
0x94: {  	_ =	strace s2  }
0x95: {  	s2 =	sld [smem:$0x3FFD];
	_ =	sdelay $0x3  }
0x96: {  	_ =	strace s2  }
0x97: {  	_ =	strace $0x8FFFFFFF  }
0x98: {  	s18 =	sld [smem:$0x3FDB];
	_ =	sdelay $0x1  }
0x99: {  	s19 =	simm.s32 $_scs_section_size  }
0x9a: {  	s4 =	simm.s32 $_size__tile_overlayer_lowered;
	s5 =	simm.s32 $_tile_overlayer_lowered  }
0x9b: {  	s22 =	simm.s32 $0x1BFF;
	s21 =	sshll.u32 s5, $0x1;
	s2 =	sadd.s32 s19, s18  }
0x9c: {  	s6 =	simm.s32 $0x0;
	s20 =	sshll.u32 s4, $0x1;
	s4 =	sadd.s32 s21, s2  }
0x9d: {  	[timem:s6], [sflag:s22] =	dma.local [hbm:s4], s20  }
0x9e: {  	_ =	swait.ge [sflag:s22], s20  }
0x9f: {  	s3 =	ssub.s32 $0x0, s20;
	[sflag:s22] =	ssyncset.done $0x0  }
0xa0: {  	[sflag:s22] =	ssyncadd.s32 s3;
	_ =	sdelay $0x1  }
0xa1: {  	s23 =	simm.s32 $0x1B8B  }
0xa2: {  	_ =	swait.ge [sflag:s23], $0x1  }
0xa3: {  	[sflag:s23] =	ssyncset.done $0x0  }
0xa4: {  	s25 =	simm.s32 $0x1B8E;
	s24 =	sld [smem:$0x3FFE];
	[sflag:s23] =	ssyncadd.s32 $0xFFFFFFFF  }
0xa5: {  	s26 =	simm.s32 $execute0_lowered;
	[smem:$0x3FD2] =	sst s25  }
0xa6: {  	s4 =	sshll.u32 s26, $0x1;
	_ =	strace $0x80000049;
	[dreg:$0x1] =	wrdreg $0xFFFFFFFF  }
0xa7: {  	s28 =	simm.s32 $_size_execute0_lowered;
	s2 =	sadd.s32 s2, s4;
	[dreg:$0x0] =	wrdreg $0x0  }
0xa8: {  	s4 =	sshll.u32 s28, $0x1;
	[dreg:$0x2] =	wrdreg s2  }
0xa9: {  	[dreg:$0x3] =	wrdreg s4  }
0xaa: {  	[dreg:$0x4] =	wrdreg $0xC0  }
0xab: {  	_ =	task [dreg:s6], $0x5FFFF  }
0xac: {  	[dreg:$0x1] =	wrdreg $0xFFFFFFFF  }
0xad: {  	[dreg:$0x0] =	wrdreg $0x60  }
0xae: {  	[dreg:$0x2] =	wrdreg s24  }
0xaf: {  	[dreg:$0x3] =	wrdreg $0x0  }
0xb0: {  	[dreg:$0x4] =	wrdreg $0x9  }
0xb1: {  	_ =	task.clear_ibuf [dreg:s6], $0x5FFFF;
	_ =	strace $0x90000049  }
0xb2: {  	s29 =	simm.s32 $0x9;
	_ =	strace $0x8000004B  }
0xb3: {  	_ =	swait.ge [sflag:s29], $0x1  }
0xb4: {  	[sflag:s29] =	ssyncadd.s32 $0xFFFFFFFF  }
0xb5: {  	_ =	strace $0x9000004B  }
0xb6: {  	_ =	sfence  }
0xb7: {  	s30 =	sld [smem:$0x0];
	_ =	sdelay $0x2  }
0xb8: {  	s31 =	sshll.u32 s1, $0xD;
	s1 =	sshrl.u32 s1, $0x2  }
0xb9: {  	s3 =	sand.u32 $0x4000, s31;
	s1 =	sadd.s32 s1, s30  }
0xba: {  	s0 =	sor.u32 s3, s0;
	s1 =	sshll.u32 s1, $0x11  }
0xbb: {  	s0 =	sor.u32 s1, s0  }
0xbc: {  	s0 =	sadd.s32 $0x8F2B, s0  }
0xbd: {  	[sflag:s0] =	ssyncadd.remote.s32 $0x1  }
0xbe: {  	_ =	sfence.sel $0xFFFF  }
0xbf: {  	[dreg:$0x0] =	wrdreg $0xFFFFFFFF;
	(pc) =	sbr.abs _section_cstart, $3  }
0xc0: {  	[dreg:$0x1] =	wrdreg $0xFFFFFFFF  }
0xc1: {  	_ =	task.clear_ibuf [dreg:s6], $0x2FFFF;
	_ =	strace $0x9FFFFFFF  }
0xc2: {  	(tm) =	ssettm $0x7FFFFFFF  }
0xc3: {  	_ =	shalt  }
tec
execute0_lowered:
.L_overlay_start_1:
0x0: {  	(tag) =	ssettag $0x1  }
0x1: {  	s0 =	rddreg [dreg:$0x0]  }
0x2: {  	s1 =	rddreg [dreg:$0x1];
	s3 =	simm.s32 $0x0;
	s2 =	srdreg.scid  }
0x3: {  	s20 =	stileid.u32;
	s28 =	simm.s32 $0x1F900;
	s30 =	simm.s32 $0x1F980  }
0x4: {  	[smem:$0x7FF] =	sst s3;
	s4 =	sadd.s32 $0xC6400, s0;
	s2 =	sand.u32 $0x1, s2  }
0x5: {  	s10 =	smul.u32 $0x4F000, s20;
	s5 =	sadd.s32 $0xB2400, s0;
	s7 =	sadd.s32 $0x3C00, s0  }
0x6: {  	s8 =	smul.u32 $0x2800, s20;
	s9 =	sadd.s32 $0x12C00, s0;
	s14 =	sadd.s32 $0x162800, s0  }
0x7: {  	s24 =	smul.u32 $0x13C00, s20;
	s13 =	sadd.s32 $0x128400, s1;
	s17 =	sadd.s32 $0xB2410, s0  }
0x8: {  	s0 =	sadd.s32 $0xB2420, s0;
	p0 =	seq.s32 s20, $0xF;
	s6 =	smul.u32 $0x50000, s2  }
0x9: {  	_ =	strace $0x8000004A;
	s11 =	ssub.s32 $0x2, s2;
	s15 =	smul.u32 $0x272000, s2  }
0xa: {  	[dreg:$0x4] =	wrdreg s13;
	s2 =	sshllo.u32 s2, $0x1;
	s12 =	sshrl.u32 s11, $0x1  }
0xb: {  	s10 =	sshrl.u32 s10, $0x2;
	s26 =	sshrl.u32 s8, $0x3;
	s18 =	smul.u32 $0x139000, s2  }
0xc: {  	s11 =	ssub.s32 s11, s12;
	s23 =	sadd.s32 s8, s6;
	s10 =	sadd.s32 s10, s1  }
0xd: {  	s13 =	sadd.s32 s7, s26;
	s16 =	sadd.s32 s24, s15;
	s15 =	sshrl.u32 s15, $0x3  }
0xe: {  	[dreg:$0x3] =	wrdreg s10;
	s10 =	sshrl.u32 s23, $0x3;
	s16 =	sshrl.u32 s16, $0x3  }
0xf: {  	s29 =	sadd.s32 s24, s18;
	s31 =	sadd.s32 s14, s15;
	s21 =	sshrl.u32 s18, $0x3  }
0x10: {  	s18 =	sadd.s32 $0x10, s13;
	s15 =	simm.s32 $0x2;
	s25 =	sadd.s32 s5, s10  }
0x11: {  	s19 =	sadd.s32 s10, s17;
	s16 =	sadd.s32 s14, s16;
	[dreg:$0x5] =	wrdreg s25  }
0x12: {  	s23 =	sadd.s32 s14, s21;
	s10 =	sadd.s32 s10, s0;
	[dreg:$0x6] =	wrdreg s19  }
0x13: {  	s12 =	sadd.s32 $0x25080, s31;
	s31 =	smax.u32 s11, $0x1;
	[dreg:$0x7] =	wrdreg s16  }
0x14: {  	s11 =	simm.s32 $0x80;
	s16 =	smul.u32 $0x28000, s2;
	[dreg:$0x9] =	wrdreg s10  }
0x15: {  	s2 =	sshrl.u32 s29, $0x3;
	[dreg:$0xa] =	wrdreg s12;
	s29 =	sadd.s32 $0x25080, s23  }
0x16: {  	[dreg:$0xf] =	wrdreg s31;
	s2 =	sadd.s32 s14, s2;
	s22 =	sadd.s32 s8, s16  }
.Ltmp0:
0x17: {  	[dreg:$0xe] =	wrdreg s29;
	s24 =	sshrl.u32 s22, $0x3;
	(pc) =	sbr.rel .LBB2_1-.Ltmp0, $4  }
0x18: {  	s10 =	simm.s32 $0x1;
	[dreg:$0x8] =	wrdreg s2;
	s25 =	sadd.s32 s24, s17  }
0x19: {  	s19 =	simm.s32 $0x0;
	s0 =	sadd.s32 s24, s0;
	[dreg:$0xb] =	wrdreg s25  }
0x1a: {  	s14 =	simm.s32 $0x17900;
	s26 =	sadd.s32 s5, s24;
	[dreg:$0xc] =	wrdreg s0  }
0x1b: {  	s17 =	simm.s32 $0x3;
	[dreg:$0xd] =	wrdreg s26;
	s26 =	sadd.s32 $0x20, s13  }
.LBB2_13:
0x1c: {  	_ =	swait.ge [sflag:s17], $0x4000  }
0x1d: {  	[sflag:s17] =	ssyncset.done $0x0  }
0x1e: {  	[sflag:s17] =	ssyncadd.s32 $0xFFFFC000  }
0x1f: {  	[bflag:$0x0] =	sbarrier.arrive $0xFFFF  }
0x20: {  	s0 =	simm.s32 @p0 $0x1FC4;
	s2 =	rddreg [dreg:$0xe]  }
0x21: {  	[hbm:s2], [sflag:s0] =	dma.local @p0 [spmem:s20], $0x2180  }
0x22: {  	s0 =	simm.s32 @p0 $0x4  }
0x23: {  	_ =	swait.ge @p0 [sflag:s0], $0x2180  }
0x24: {  	[sflag:s0] =	ssyncset.done @p0 $0x0  }
0x25: {  	[sflag:s0] =	ssyncadd.s32 @p0 $0xFFFFDE80;
	s0 =	rddreg [dreg:$0x8]  }
0x26: {  	[hbm:s0], [sflag:s21] =	dma.local @!p0 [spmem:s22], $0x2780  }
0x27: {  	s0 =	simm.s32 @!p0 $0x4  }
0x28: {  	_ =	swait.ge @!p0 [sflag:s0], $0x2780  }
0x29: {  	s19 =	sadd.s32 $0x1, s19;
	s31 =	rddreg [dreg:$0xf]  }
0x2a: {  	p1 =	sne.s32 s19, s31  }
.Ltmp1:
0x2b: {  	_ = 	snop;
	(pc) =	sbr.rel @!p1 .LBB2_14-.Ltmp1, $3  }
0x2c: {  	_ =	sdelay $0x1  }
0x2d: {  	[sflag:s0] =	ssyncset.done @!p0 $0x0  }
0x2e: {  	[sflag:s0] =	ssyncadd.s32 @!p0 $0xFFFFD880  }
.LBB2_1:
0x2f: {  	s0 =	rddreg [dreg:$0x4]  }
0x30: {  	s21 =	simm.s32 @p0 $0x1FC4;
	s20 =	sshrl.u32 @p0 s0, $0x3  }
0x31: {  	[spmem:s20], [sflag:s21] =	dma.local @p0 [hbm:s9], $0x2180  }
0x32: {  	s21 =	simm.s32 @p0 $0x4  }
0x33: {  	s23 =	simm.s32 @!p0 $0x4;
	s0 =	stileid.u32;
	_ =	swait.ge @p0 [sflag:s21], $0x2180  }
0x34: {  	s22 =	sshll.u32 @!p0 s0, $0x6;
	[sflag:s21] =	ssyncset.done @p0 $0x0;
	s0 =	rddreg [dreg:$0x3]  }
0x35: {  	[sflag:s21] =	ssyncadd.s32 @p0 $0xFFFFDE80;
	s21 =	sor.u32 @!p0 $0x1C04, s22;
	s22 =	sshrl.u32 @!p0 s0, $0x3  }
0x36: {  	[spmem:s22], [sflag:s21] =	dma.local @!p0 [hbm:s9], $0x2780  }
0x37: {  	_ =	swait.ge @!p0 [sflag:s23], $0x2780  }
0x38: {  	[sflag:s23] =	ssyncset.done @!p0 $0x0  }
0x39: {  	[sflag:s23] =	ssyncadd.s32 @!p0 $0xFFFFD880  }
0x3a: {  	[bflag:$0x0] =	sbarrier.arrive $0xFFFF  }
0x3b: {  	s31 =	rddreg [dreg:$0x5]  }
0x3c: {  	[tilespmem:s28], [sflag:$0x1] =	stream.linear.gather [hbm4b:s31+s3], $0x80, $0x38;
	[tilespmem:$0x1FD00] =	vst v63  }
0x3d: {  	s2 =	simm.s32 $0x1FB00  }
0x3e: {  	[tilespmem:s2], [sflag:$0x1] =	stream.linear.gather [hbm4b:s13+s3], $0x80, $0x38;
	[tilespmem:$0x1FD00] =	vst v63  }
0x3f: {  	s12 =	rddreg [dreg:$0x6]  }
0x40: {  	[tilespmem:s30], [sflag:$0x1] =	stream.linear.gather [hbm4b:s12+s3], $0x80, $0x38;
	[tilespmem:$0x1FD00] =	vst v63  }
0x41: {  	s23 =	simm.s32 $0x1FB80  }
0x42: {  	[tilespmem:s23], [sflag:$0x1] =	stream.linear.gather [hbm4b:s18+s3], $0x80, $0x38;
	[tilespmem:$0x1FD00] =	vst v63  }
0x43: {  	s24 =	rddreg [dreg:$0x9];
	s2 =	simm.s32 $0x1FA00  }
0x44: {  	[tilespmem:s2], [sflag:$0x1] =	stream.linear.gather [hbm4b:s24+s3], $0x80, $0x38;
	[tilespmem:$0x1FD00] =	vst v63  }
0x45: {  	s25 =	simm.s32 $0x1FC00  }
0x46: {  	[tilespmem:s25], [sflag:$0x1] =	stream.linear.gather [hbm4b:s26+s3], $0x80, $0x38;
	[tilespmem:$0x1FD00] =	vst v63  }
0x47: {  	_ =	swait.ge [sflag:s10], $0x80  }
0x48: {  	[sflag:s10] =	ssyncset.done $0x0  }
0x49: {  	[sflag:s10] =	ssyncadd.s32 $0xFFFFFF80  }
0x4a: {  	_ =	swait.ge [sflag:s10], $0x80  }
0x4b: {  	[sflag:s10] =	ssyncset.done $0x0  }
0x4c: {  	s31 =	simm.s32 $0x13900;
	[sflag:s10] =	ssyncadd.s32 $0xFFFFFF80  }
0x4d: {  	[tilespmem:s31], [sflag:$0x2] =	stream.indirect.gather [hbm4b:s4+s11], $0x80, s28, s11, $0xb8;
	[tilespmem:$0x1FD00] =	vst v63  }
0x4e: {  	_ =	swait.ge [sflag:s10], $0x80  }
0x4f: {  	[sflag:s10] =	ssyncset.done $0x0  }
.Ltmp2:
0x50: {  	[sflag:s10] =	ssyncadd.s32 $0xFFFFFF80;
	(pc) =	sbr.rel .LBB2_2-.Ltmp2, $4  }
0x51: {  	_ =	swait.ge [sflag:s10], $0x80  }
0x52: {  	s29 =	simm.s32 $0x0;
	[sflag:s10] =	ssyncset.done $0x0  }
0x53: {  	s23 =	simm.s32 $0x400;
	s24 =	simm.s32 $0x180;
	[sflag:s10] =	ssyncadd.s32 $0xFFFFFF80  }
0x54: {  	[tilespmem:s14], [sflag:$0x2] =	stream.indirect.gather [hbm4b:s4+s11], $0x80, s30, s11, $0xb8;
	[tilespmem:$0x1FD00] =	vst v63  }
.LBB2_3:
0x55: {  	s25 =	sadd.s32 s24, s8  }
0x56: {  	s25 =	sand.u32 $0x7FC00, s25  }
0x57: {  	s0 =	sand.u32 $0x380, s24;
	s31 =	sadd.s32 s6, s25  }
0x58: {  	s31 =	sor.u32 s0, s31  }
0x59: {  	s2 =	sand.u32 $0x180, s24;
	s0 =	sor.u32 s0, s25;
	s31 =	sshrl.u32 s31, $0x3  }
0x5a: {  	s12 =	sadd.s32 $0x1F900, s2;
	s0 =	sshrl.u32 s0, $0x3;
	s31 =	sadd.s32 s5, s31  }
0x5b: {  	[tilespmem:s12], [sflag:$0x1] =	stream.linear.gather [hbm4b:s31+s3], $0x80, $0x38;
	[tilespmem:$0x1FD00] =	vst v63  }
0x5c: {  	s2 =	sadd.s32 $0x1FB00, s2;
	s0 =	sadd.s32 s7, s0  }
0x5d: {  	[tilespmem:s2], [sflag:$0x1] =	stream.linear.gather [hbm4b:s0+s3], $0x80, $0x38;
	[tilespmem:$0x1FD00] =	vst v63  }
.LBB2_5:
0x5e: {  	s0 =	sadd.s32 $0x2, s29  }
0x5f: {  	s2 =	smul.u32 $0xAB, s0;
	_ =	sdelay $0x1  }
0x60: {  	s2 =	sshrl.u32 s2, $0x9  }
0x61: {  	s2 =	sand.u32 $0x7F, s2  }
0x62: {  	_ =	swait.ge [sflag:s10], $0x80;
	s2 =	smul.u32 $0x3, s2  }
0x63: {  	[sflag:s10] =	ssyncset.done $0x0  }
0x64: {  	[sflag:s10] =	ssyncadd.s32 $0xFFFFFF80;
	s0 =	ssub.s32 s0, s2  }
0x65: {  	s31 =	sand.u32 $0x600, s23;
	_ =	swait.ge [sflag:s10], $0x80;
	s0 =	sand.u32 $0xFB, s0  }
0x66: {  	[sflag:s10] =	ssyncset.done $0x0;
	s2 =	sshrl.u32 s31, $0x2;
	s0 =	sshll.u32 s0, $0xE  }
0x67: {  	[sflag:s10] =	ssyncadd.s32 $0xFFFFFF80;
	s2 =	sadd.s32 $0x1F900, s2;
	s0 =	sor.u32 $0x13900, s0  }
0x68: {  	[tilespmem:s0], [sflag:$0x2] =	stream.indirect.gather [hbm4b:s4+s11], $0x80, s2, s11, $0xb8;
	[tilespmem:$0x1FD00] =	vst v63  }
.LBB2_6:
0x69: {  	s29 =	sadd.s32 $0x1, s29  }
0x6a: {  	p1 =	sne.s32 s29, $0x50  }
.Ltmp3:
0x6b: {  	_ = 	snop;
	(pc) =	sbr.rel @!p1 .LBB2_7-.Ltmp3, $2  }
0x6c: {  	_ =	sdelay $0x2  }
0x6d: {  	s23 =	sadd.s32 $0x200, s23;
	s24 =	sadd.s32 $0x80, s24  }
.LBB2_2:
0x6e: {  	s25 =	smul.u32 $0xAB, s29;
	_ =	sdelay $0x1  }
0x6f: {  	s25 =	sshrl.u32 s25, $0x9  }
0x70: {  	s25 =	sand.u32 $0x7F, s25  }
0x71: {  	s25 =	smul.u32 $0x3, s25  }
0x72: {  	s31 =	sadd.s32 $0xFFFFFC00, s23;
	_ =	swait.ge [sflag:s15], $0x4000  }
0x73: {  	p1 =	seq.s32 s29, $0x0;
	s31 =	sand.u32 $0x600, s31;
	s25 =	ssub.s32 s29, s25  }
0x74: {  	[sflag:s15] =	ssyncset.done $0x0;
	p2 =	sgt.u32 @!p1 s29, $0x4C;
	s25 =	sand.u32 $0xFB, s25  }
0x75: {  	s31 =	sshrl.u32 s31, $0x2;
	[sflag:s15] =	ssyncadd.s32 $0xFFFFC000;
	s25 =	sshll.u32 s25, $0xE  }
0x76: {  	p2 =	por p1, !p2;
	s31 =	sadd.s32 $0x1FB00, s31;
	s25 =	sor.u32 $0x13900, s25  }
0x77: {  	[spmem:s1] =	stream.indirect.scatter.add.f32 [tilespmem:s25], [sflag:$0x3], $0x80, s31, s11, $0xb8;
	[tilespmem:$0x1FD00] =	vst v63  }
.Ltmp4:
0x78: {  	_ = 	snop;
	(pc) =	sbr.rel @p2 .LBB2_3-.Ltmp4, $4  }
0x79: {  	s25 =	simm.s32 @!p1 $0x3  }
0x7a: {  	_ =	swait.ge @!p1 [sflag:s25], $0x4000  }
0x7b: {  	[sflag:s25] =	ssyncset.done @!p1 $0x0  }
0x7c: {  	[sflag:s25] =	ssyncadd.s32 @!p1 $0xFFFFC000  }
0x7d: {  	p1 =	sne.s32 s29, $0x4D  }
.Ltmp5:
0x7e: {  	_ = 	snop;
	(pc) =	sbr.rel @p1 .LBB2_6-.Ltmp5, $4  }
.Ltmp6:
0x7f: {  	_ = 	snop;
	(pc) =	sbr.rel @!p1 .LBB2_5-.Ltmp6, $4  }
0x80: {  	_ = 	snop  }
0x81: {  	_ = 	snop  }
0x82: {  	_ = 	snop  }
0x83: {  	_ = 	snop  }
.LBB2_7:
0x84: {  	_ =	swait.ge [sflag:s17], $0x4000  }
0x85: {  	[sflag:s17] =	ssyncset.done $0x0  }
0x86: {  	[sflag:s17] =	ssyncadd.s32 $0xFFFFC000  }
0x87: {  	[bflag:$0x0] =	sbarrier.arrive $0xFFFF  }
0x88: {  	s0 =	simm.s32 @p0 $0x1FC4;
	s2 =	rddreg [dreg:$0xa]  }
0x89: {  	[hbm:s2], [sflag:s0] =	dma.local @p0 [spmem:s20], $0x2180  }
0x8a: {  	s2 =	simm.s32 @p0 $0x4  }
0x8b: {  	_ =	swait.ge @p0 [sflag:s2], $0x2180  }
0x8c: {  	[sflag:s2] =	ssyncset.done @p0 $0x0  }
0x8d: {  	[sflag:s2] =	ssyncadd.s32 @p0 $0xFFFFDE80  }
0x8e: {  	[spmem:s20], [sflag:s0] =	dma.local @p0 [hbm:s9], $0x2180  }
0x8f: {  	_ =	swait.ge @p0 [sflag:s2], $0x2180  }
0x90: {  	[sflag:s2] =	ssyncset.done @p0 $0x0  }
0x91: {  	s0 =	rddreg [dreg:$0x7];
	[sflag:s2] =	ssyncadd.s32 @p0 $0xFFFFDE80  }
0x92: {  	[hbm:s0], [sflag:s21] =	dma.local @!p0 [spmem:s22], $0x2780  }
0x93: {  	s0 =	simm.s32 @!p0 $0x4  }
0x94: {  	_ =	swait.ge @!p0 [sflag:s0], $0x2780  }
0x95: {  	[sflag:s0] =	ssyncset.done @!p0 $0x0  }
0x96: {  	[sflag:s0] =	ssyncadd.s32 @!p0 $0xFFFFD880  }
0x97: {  	[spmem:s22], [sflag:s21] =	dma.local @!p0 [hbm:s9], $0x2780  }
0x98: {  	_ =	swait.ge @!p0 [sflag:s0], $0x2780  }
0x99: {  	[sflag:s0] =	ssyncset.done @!p0 $0x0  }
0x9a: {  	[sflag:s0] =	ssyncadd.s32 @!p0 $0xFFFFD880  }
0x9b: {  	[bflag:$0x0] =	sbarrier.arrive $0xFFFF  }
0x9c: {  	s23 =	simm.s32 $0x0;
	s24 =	rddreg [dreg:$0xd]  }
0x9d: {  	[tilespmem:s28], [sflag:$0x1] =	stream.linear.gather [hbm4b:s24+s23], $0x80, $0x38;
	[tilespmem:$0x1FD00] =	vst v63  }
0x9e: {  	s25 =	simm.s32 $0x1FB00  }
0x9f: {  	[tilespmem:s25], [sflag:$0x1] =	stream.linear.gather [hbm4b:s13+s23], $0x80, $0x38;
	[tilespmem:$0x1FD00] =	vst v63  }
0xa0: {  	s31 =	rddreg [dreg:$0xb]  }
0xa1: {  	[tilespmem:s30], [sflag:$0x1] =	stream.linear.gather [hbm4b:s31+s23], $0x80, $0x38;
	[tilespmem:$0x1FD00] =	vst v63  }
0xa2: {  	s2 =	simm.s32 $0x1FB80  }
0xa3: {  	[tilespmem:s2], [sflag:$0x1] =	stream.linear.gather [hbm4b:s18+s23], $0x80, $0x38;
	[tilespmem:$0x1FD00] =	vst v63  }
0xa4: {  	s12 =	rddreg [dreg:$0xc];
	s24 =	simm.s32 $0x1FA00  }
0xa5: {  	[tilespmem:s24], [sflag:$0x1] =	stream.linear.gather [hbm4b:s12+s23], $0x80, $0x38;
	[tilespmem:$0x1FD00] =	vst v63  }
0xa6: {  	s25 =	simm.s32 $0x1FC00  }
0xa7: {  	[tilespmem:s25], [sflag:$0x1] =	stream.linear.gather [hbm4b:s26+s23], $0x80, $0x38;
	[tilespmem:$0x1FD00] =	vst v63  }
0xa8: {  	_ =	swait.ge [sflag:s10], $0x80  }
0xa9: {  	[sflag:s10] =	ssyncset.done $0x0  }
0xaa: {  	[sflag:s10] =	ssyncadd.s32 $0xFFFFFF80  }
0xab: {  	_ =	swait.ge [sflag:s10], $0x80  }
0xac: {  	[sflag:s10] =	ssyncset.done $0x0  }
0xad: {  	s31 =	simm.s32 $0x13900;
	[sflag:s10] =	ssyncadd.s32 $0xFFFFFF80  }
0xae: {  	[tilespmem:s31], [sflag:$0x2] =	stream.indirect.gather [hbm4b:s4+s11], $0x80, s28, s11, $0xb8;
	[tilespmem:$0x1FD00] =	vst v63  }
0xaf: {  	_ =	swait.ge [sflag:s10], $0x80  }
0xb0: {  	[sflag:s10] =	ssyncset.done $0x0  }
.Ltmp7:
0xb1: {  	[sflag:s10] =	ssyncadd.s32 $0xFFFFFF80;
	(pc) =	sbr.rel .LBB2_8-.Ltmp7, $4  }
0xb2: {  	_ =	swait.ge [sflag:s10], $0x80  }
0xb3: {  	[sflag:s10] =	ssyncset.done $0x0  }
0xb4: {  	s29 =	simm.s32 $0x180;
	s24 =	simm.s32 $0x400;
	[sflag:s10] =	ssyncadd.s32 $0xFFFFFF80  }
0xb5: {  	[tilespmem:s14], [sflag:$0x2] =	stream.indirect.gather [hbm4b:s4+s11], $0x80, s30, s11, $0xb8;
	[tilespmem:$0x1FD00] =	vst v63  }
.LBB2_9:
0xb6: {  	s0 =	sadd.s32 s29, s8  }
0xb7: {  	s0 =	sand.u32 $0x7FC00, s0  }
0xb8: {  	s12 =	sand.u32 $0x380, s29;
	s2 =	sadd.s32 s16, s0  }
0xb9: {  	s2 =	sor.u32 s12, s2  }
0xba: {  	s25 =	sand.u32 $0x180, s29;
	s0 =	sor.u32 s12, s0;
	s2 =	sshrl.u32 s2, $0x3  }
0xbb: {  	s31 =	sadd.s32 $0x1F900, s25;
	s0 =	sshrl.u32 s0, $0x3;
	s2 =	sadd.s32 s5, s2  }
0xbc: {  	[tilespmem:s31], [sflag:$0x1] =	stream.linear.gather [hbm4b:s2+s3], $0x80, $0x38;
	[tilespmem:$0x1FD00] =	vst v63  }
0xbd: {  	s0 =	sadd.s32 s7, s0;
	s31 =	sadd.s32 $0x1FB00, s25  }
0xbe: {  	[tilespmem:s31], [sflag:$0x1] =	stream.linear.gather [hbm4b:s0+s3], $0x80, $0x38;
	[tilespmem:$0x1FD00] =	vst v63  }
.LBB2_11:
0xbf: {  	s0 =	sadd.s32 $0x2, s23  }
0xc0: {  	s2 =	smul.u32 $0xAB, s0;
	_ =	sdelay $0x1  }
0xc1: {  	s2 =	sshrl.u32 s2, $0x9  }
0xc2: {  	s2 =	sand.u32 $0x7F, s2  }
0xc3: {  	_ =	swait.ge [sflag:s10], $0x80;
	s2 =	smul.u32 $0x3, s2  }
0xc4: {  	[sflag:s10] =	ssyncset.done $0x0  }
0xc5: {  	[sflag:s10] =	ssyncadd.s32 $0xFFFFFF80;
	s0 =	ssub.s32 s0, s2  }
0xc6: {  	s31 =	sand.u32 $0x600, s24;
	_ =	swait.ge [sflag:s10], $0x80;
	s0 =	sand.u32 $0xFB, s0  }
0xc7: {  	[sflag:s10] =	ssyncset.done $0x0;
	s2 =	sshrl.u32 s31, $0x2;
	s0 =	sshll.u32 s0, $0xE  }
0xc8: {  	[sflag:s10] =	ssyncadd.s32 $0xFFFFFF80;
	s2 =	sadd.s32 $0x1F900, s2;
	s0 =	sor.u32 $0x13900, s0  }
0xc9: {  	[tilespmem:s0], [sflag:$0x2] =	stream.indirect.gather [hbm4b:s4+s11], $0x80, s2, s11, $0xb8;
	[tilespmem:$0x1FD00] =	vst v63  }
.LBB2_12:
0xca: {  	s23 =	sadd.s32 $0x1, s23  }
0xcb: {  	p1 =	sne.s32 s23, $0x50  }
.Ltmp8:
0xcc: {  	_ = 	snop;
	(pc) =	sbr.rel @!p1 .LBB2_13-.Ltmp8, $2  }
0xcd: {  	_ =	sdelay $0x2  }
0xce: {  	s24 =	sadd.s32 $0x200, s24;
	s29 =	sadd.s32 $0x80, s29  }
.LBB2_8:
0xcf: {  	s0 =	smul.u32 $0xAB, s23;
	_ =	sdelay $0x1  }
0xd0: {  	s0 =	sshrl.u32 s0, $0x9  }
0xd1: {  	s0 =	sand.u32 $0x7F, s0  }
0xd2: {  	s0 =	smul.u32 $0x3, s0  }
0xd3: {  	s2 =	sadd.s32 $0xFFFFFC00, s24;
	_ =	swait.ge [sflag:s15], $0x4000  }
0xd4: {  	p1 =	seq.s32 s23, $0x0;
	s2 =	sand.u32 $0x600, s2;
	s0 =	ssub.s32 s23, s0  }
0xd5: {  	[sflag:s15] =	ssyncset.done $0x0;
	p2 =	sgt.u32 @!p1 s23, $0x4C;
	s0 =	sand.u32 $0xFB, s0  }
0xd6: {  	s2 =	sshrl.u32 s2, $0x2;
	[sflag:s15] =	ssyncadd.s32 $0xFFFFC000;
	s0 =	sshll.u32 s0, $0xE  }
0xd7: {  	p2 =	por p1, !p2;
	s2 =	sadd.s32 $0x1FB00, s2;
	s0 =	sor.u32 $0x13900, s0  }
0xd8: {  	[spmem:s1] =	stream.indirect.scatter.add.f32 [tilespmem:s0], [sflag:$0x3], $0x80, s2, s11, $0xb8;
	[tilespmem:$0x1FD00] =	vst v63  }
.Ltmp9:
0xd9: {  	_ = 	snop;
	(pc) =	sbr.rel @p2 .LBB2_9-.Ltmp9, $4  }
0xda: {  	s0 =	simm.s32 @!p1 $0x3  }
0xdb: {  	_ =	swait.ge @!p1 [sflag:s0], $0x4000  }
0xdc: {  	[sflag:s0] =	ssyncset.done @!p1 $0x0  }
0xdd: {  	[sflag:s0] =	ssyncadd.s32 @!p1 $0xFFFFC000  }
0xde: {  	p1 =	sne.s32 s23, $0x4D  }
.Ltmp10:
0xdf: {  	_ = 	snop;
	(pc) =	sbr.rel @p1 .LBB2_12-.Ltmp10, $4  }
.Ltmp11:
0xe0: {  	_ = 	snop;
	(pc) =	sbr.rel @!p1 .LBB2_11-.Ltmp11, $4  }
0xe1: {  	_ = 	snop  }
0xe2: {  	_ = 	snop  }
0xe3: {  	_ = 	snop  }
0xe4: {  	_ = 	snop  }
.LBB2_14:
0xe5: {  	_ =	sfence.sel $0x180000  }
0xe6: {  	[bflag:$0x0] =	sbarrier.arrive $0xFFFF  }
0xe7: {  	_ =	strace $0x9000004A  }
0xe8: {  	s0 =	stileid.u32;
	[bflag:$0x2] =	sbarrier.arrive $0xFFFF  }
0xe9: {  	p0 =	sne.s32 s0, $0x0;
	s0 =	rddreg [dreg:$0x2]  }
0xea: {  	s0 =	sadd.s32 @!p0 $0x100000, s0  }
0xeb: {  	[sflag:s0] =	ssyncadd.tile.s32 @!p0 $0x1;
	_ =	shalt  }
.Lfunc_end2:
_tile_overlayer_lowered:
.L_overlay_start_2:
0xec: {  	(tag) =	ssettag $0x2  }
0xed: {  	s0 =	rddreg [dreg:$0x0];
	s2 =	stileid.u32  }
0xee: {  	s1 =	rddreg [dreg:$0x1];
	p0 =	sne.s32 s2, $0x0  }
0xef: {  	s3 =	rddreg [dreg:$0x2];
	[bflag:$0x3] =	sbarrier.arrive $0xFFFF;
	s2 =	simm.s32 @!p0 $0x1C04  }
0xf0: {  	[timem:s3], [sflag:s2] =	dma.local @!p0 [hbm:s0], s1  }
0xf1: {  	s0 =	simm.s32 @!p0 $0x4  }
0xf2: {  	_ =	swait.ge @!p0 [sflag:s0], s1  }
0xf3: {  	s1 =	ssub.s32 @!p0 $0x0, s1;
	[sflag:s0] =	ssyncset.done @!p0 $0x0  }
0xf4: {  	[sflag:s0] =	ssyncadd.s32 @!p0 s1  }
0xf5: {  	[bflag:$0x3] =	sbarrier.arrive $0xFFFF  }
0xf6: {  	_ =	shalt  }

</sc_bundles>
